<compile_context>
chip_gen: v7x
topology: tpu7x:2x2x1
jax: 0.10.2.dev20260603
libtpu: 0.0.44.dev20260713+nightly
codegen_flags: <defaults>
</compile_context>

<pallas_src>
import functools

import jax
import jax.numpy as jnp
from jax import lax
from jax.experimental import pallas as pl
from jax.experimental.pallas import tpu as pltpu
from jax.experimental.pallas import tpu_sc as plsc

_N_NODES = 10000
_NC = 2
_NS = 16
_NW = _NC * _NS
_CH = 128
_KB = 1
_NRP = 10240
_ZR = _NRP // _NS


def _sc_spmm(table, src, dst, wts, zrows, d):
  ep = src.shape[0]
  per_w = ep // _NW
  n_chunks = per_w // _CH
  t_rows = table.shape[0]
  t_pad = -(-t_rows // _NS) * _NS
  if t_pad != t_rows:
    table = jnp.concatenate(
        [table, jnp.zeros((t_pad - t_rows, d), jnp.float32)])
  mesh = plsc.VectorSubcoreMesh(core_axis_name="c", subcore_axis_name="s")

  @functools.partial(
      pl.kernel,
      mesh=mesh,
      compiler_params=pltpu.CompilerParams(use_tc_tiling_on_sc=False),
      out_type=jax.ShapeDtypeStruct((_NC * _NRP, d), jnp.float32),
      scratch_types=[
          pltpu.VMEM((n_chunks, _CH), jnp.int32),
          pltpu.VMEM((n_chunks, _CH), jnp.int32),
          pltpu.VMEM((n_chunks, _CH), jnp.float32),
          pltpu.VMEM((_CH, d), jnp.float32),
          pltpu.VMEM((_CH,), jnp.int32),
          pltpu.VMEM_SHARED((_NRP, d), jnp.float32),
          pltpu.VMEM_SHARED((t_pad, d), jnp.float32),
          pltpu.SemaphoreType.DMA,
          pltpu.SemaphoreType.DMA,
      ],
  )
  def run(table_h, src_h, dst_h, w_h, zero_h, out_h,
          src_v, dst_v, w_v, rows_v, dst_flat, acc_s, tab_s, sem, sem_sc):
    c = lax.axis_index("c")
    s = lax.axis_index("s")
    wid = s * _NC + c
    pltpu.sync_copy(src_h.at[wid], src_v)
    pltpu.sync_copy(dst_h.at[wid], dst_v)
    pltpu.sync_copy(w_h.at[wid], w_v)
    pltpu.sync_copy(zero_h, acc_s.at[pl.ds(s * _ZR, _ZR)])
    tpw = t_pad // _NS
    pltpu.sync_copy(table_h.at[pl.ds(s * tpw, tpw)],
                    tab_s.at[pl.ds(s * tpw, tpw)])
    plsc.subcore_barrier()

    dnums = lax.GatherDimensionNumbers(
        offset_dims=(), collapsed_slice_dims=(0,), start_index_map=(0,))

    def step(g, carry):
      pltpu.async_copy(tab_s.at[src_v.at[g]], rows_v, sem).wait()

      def scale_grp(b, carry2):
        wvec = w_v[g, pl.ds(b * 16, 16)]
        for e in range(16):
          wbc = lax.gather(
              wvec, jnp.full((16, 1), e, jnp.int32), dnums, slice_sizes=(1,),
              mode=lax.GatherScatterMode.PROMISE_IN_BOUNDS)
          r = b * 16 + e
          for j in range(d // 16):
            rows_v[r, pl.ds(j * 16, 16)] = rows_v[r, pl.ds(j * 16, 16)] * wbc
        return carry2

      lax.fori_loop(0, _CH // 16, scale_grp, 0)
      for p in range(_CH // 16):
        dst_flat[pl.ds(p * 16, 16)] = dst_v[g, pl.ds(p * 16, 16)]
      pltpu.async_copy(rows_v, acc_s.at[dst_flat], sem_sc, add=True).wait()
      return carry

    lax.fori_loop(0, n_chunks, step, 0)

    plsc.subcore_barrier()
    pltpu.sync_copy(acc_s.at[pl.ds(s * _ZR, _ZR)],
                    out_h.at[pl.ds(c * _NRP + s * _ZR, _ZR)])

  return run(table, src.reshape(_NW, n_chunks, _CH),
             dst.reshape(_NW, n_chunks, _CH),
             wts.reshape(_NW, n_chunks, _CH), zrows)


def _sc_densify(flat_idx, vals, zrows, n_flat):
  ep = vals.shape[0]
  per_w = ep // _NW
  n_chunks = per_w // _CH
  zn = n_flat // _NS
  mesh = plsc.VectorSubcoreMesh(core_axis_name="c", subcore_axis_name="s")

  @functools.partial(
      pl.kernel,
      mesh=mesh,
      compiler_params=pltpu.CompilerParams(use_tc_tiling_on_sc=False),
      out_type=jax.ShapeDtypeStruct((_NC * n_flat,), jnp.float32),
      scratch_types=[
          pltpu.VMEM((n_chunks, _CH), jnp.int32),
          pltpu.VMEM((n_chunks, _CH), jnp.float32),
          pltpu.VMEM((_CH,), jnp.int32),
          pltpu.VMEM((_CH,), jnp.float32),
          pltpu.VMEM_SHARED((n_flat,), jnp.float32),
          pltpu.SemaphoreType.DMA,
      ],
  )
  def run(idx_h, val_h, zero_h, out_h, idx_v, val_v, idx_f, val_f, acc_s,
          sem_sc):
    c = lax.axis_index("c")
    s = lax.axis_index("s")
    wid = s * _NC + c
    pltpu.sync_copy(idx_h.at[wid], idx_v)
    pltpu.sync_copy(val_h.at[wid], val_v)
    pltpu.sync_copy(zero_h, acc_s.at[pl.ds(s * zn, zn)])
    plsc.subcore_barrier()

    def step(g, carry):
      for p in range(_CH // 16):
        idx_f[pl.ds(p * 16, 16)] = idx_v[g, pl.ds(p * 16, 16)]
        val_f[pl.ds(p * 16, 16)] = val_v[g, pl.ds(p * 16, 16)]
      pltpu.async_copy(val_f, acc_s.at[idx_f], sem_sc, add=True).wait()
      return carry

    lax.fori_loop(0, n_chunks, step, 0)
    plsc.subcore_barrier()
    pltpu.sync_copy(acc_s.at[pl.ds(s * zn, zn)],
                    out_h.at[pl.ds(c * n_flat + s * zn, zn)])

  return run(flat_idx.reshape(_NW, n_chunks, _CH),
             vals.reshape(_NW, n_chunks, _CH), zrows)


def _tc_dense_l1(p, w1, b1):
  def body(p_ref, w_ref, b_ref, o_ref):
    f = p_ref[0] + p_ref[1]
    o_ref[...] = (
        jnp.dot(f, w_ref[...], preferred_element_type=jnp.float32,
                precision=lax.Precision.HIGHEST)
        + b_ref[...]
    )
  return pl.pallas_call(
      body,
      out_shape=jax.ShapeDtypeStruct((p.shape[1], w1.shape[1]), jnp.float32),
  )(p, w1, b1)


def _tc_relu_mm(p, w2, b2):
  def body(p_ref, w_ref, b_ref, o_ref):
    h = jnp.maximum(p_ref[0] + p_ref[1], 0.0)
    o_ref[...] = (
        jnp.dot(h, w_ref[...], preferred_element_type=jnp.float32,
                precision=lax.Precision.HIGHEST)
        + b_ref[...]
    )
  return pl.pallas_call(
      body,
      out_shape=jax.ShapeDtypeStruct((p.shape[1], w2.shape[1]), jnp.float32),
  )(p, w2, b2)


def _tc_final(p):
  def body(p_ref, o_ref):
    x = p_ref[0] + p_ref[1]
    m = jnp.max(x, axis=1, keepdims=True)
    e = jnp.exp(x - m)
    o_ref[...] = x - m - jnp.log(jnp.sum(e, axis=1, keepdims=True))
  return pl.pallas_call(
      body,
      out_shape=jax.ShapeDtypeStruct(p.shape[1:], jnp.float32),
  )(p)


def _pad_edges(idx_src, idx_dst, w):
  e = w.shape[0]
  ep = -(-e // (_NW * _CH * _KB)) * (_NW * _CH * _KB)
  pad = ep - e
  i32 = jnp.int32
  src = jnp.concatenate([idx_src.astype(i32), jnp.zeros((pad,), i32)])
  dst = jnp.concatenate([idx_dst.astype(i32), jnp.zeros((pad,), i32)])
  wp = jnp.concatenate([w, jnp.zeros((pad,), jnp.float32)])
  return src, dst, wp


def kernel(feature_indices, feature_values, edge_indices, edge_weights,
           W1, b1, W2, b2):
  hid = W1.shape[1]
  lab = W2.shape[1]
  ne = W1.shape[0]
  e_src, e_dst, e_w = _pad_edges(
      edge_indices[1], edge_indices[0], edge_weights)
  z64 = jnp.zeros((_ZR, hid), jnp.float32)
  z16 = jnp.zeros((_ZR, lab), jnp.float32)

  n_flat = _NRP * ne
  flat = (feature_indices[0].astype(jnp.int32) * ne
          + feature_indices[1].astype(jnp.int32))
  flat_p, _, f_w = _pad_edges(flat, flat, feature_values)
  zflat = jnp.zeros((n_flat // _NS,), jnp.float32)
  p1 = _sc_densify(flat_p, f_w, zflat, n_flat)
  h1 = _tc_dense_l1(p1.reshape(_NC, _NRP, ne), W1, b1.reshape(1, hid))
  p2 = _sc_spmm(h1, e_src, e_dst, e_w, z64, hid)
  h2 = _tc_relu_mm(p2.reshape(_NC, _NRP, hid), W2, b2.reshape(1, lab))
  p3 = _sc_spmm(h2, e_src, e_dst, e_w, z16, lab)
  p3 = p3.reshape(_NC, _NRP, lab)[:, :_N_NODES, :]
  return _tc_final(p3)

# --- scband reference (transcript-rebuilt; emitter-appended) ---
"""Pipeline reference for scband-gcn-81449759801465 (READ-ONLY COPY).

The authoritative reference and input builder live on the scoring server;
editing this copy changes nothing except your own understanding.
"""

import jax, jax.numpy as jnp
import numpy as np

NU = 10000     # number of nodes (args.nu)
NE = 128       # number of input features (args.ne)
HID = 64       # args.hidden
LAB = 16       # number_of_labels
E = 320000     # nnz of normalized adjacency (avg_degree=32)
FNNZ = 320000  # nnz of sparse feature matrix (~32 per node)


def spmm(idx, vals, n_rows, dense):
    # sparse [n_rows, *] COO (idx: [2, nnz], vals: [nnz]) @ dense [*, d]
    gathered = jnp.take(dense, idx[1], axis=0) * vals[:, None]
    return jax.ops.segment_sum(gathered, idx[0], num_segments=n_rows)


def setup_inputs(seed: int = 0) -> dict:
    key = jax.random.key(seed)
    ks = jax.random.split(key, 10)
    # sparse feature matrix [NU, NE] in COO form
    feature_indices = jnp.stack([
        jax.random.randint(ks[0], (FNNZ,), 0, NU),
        jax.random.randint(ks[1], (FNNZ,), 0, NE),
    ], axis=0)
    feature_values = jax.random.normal(ks[2], (FNNZ,), dtype=jnp.float32)
    # normalized adjacency (constructor buffer in torch) in COO form
    edge_indices = jnp.stack([
        jax.random.randint(ks[3], (E,), 0, NU),
        jax.random.randint(ks[4], (E,), 0, NU),
    ], axis=0)
    edge_weights = jax.random.uniform(ks[5], (E,), dtype=jnp.float32) * 0.1
    # learned parameters
    W1 = jax.random.normal(ks[6], (NE, HID), dtype=jnp.float32) * (1.0 / np.sqrt(NE))
    b1 = jax.random.uniform(ks[7], (HID,), dtype=jnp.float32, minval=-1.0, maxval=1.0) / np.sqrt(HID)
    W2 = jax.random.normal(ks[8], (HID, LAB), dtype=jnp.float32) * (1.0 / np.sqrt(HID))
    b2 = jax.random.uniform(ks[9], (LAB,), dtype=jnp.float32, minval=-1.0, maxval=1.0) / np.sqrt(LAB)
    return {
        'feature_indices': feature_indices,
        'feature_values': feature_values,
        'edge_indices': edge_indices,
        'edge_weights': edge_weights,
        'W1': W1, 'b1': b1, 'W2': W2, 'b2': b2,
    }


def reference(feature_indices, feature_values, edge_indices, edge_weights, W1, b1, W2, b2):
    # layer_1: sparse feature matrix @ W1 + b1
    h = spmm(feature_indices, feature_values, NU, W1) + b1
    # propagate: A_hat @ h, relu  (dropout disabled: eval mode / p=0)
    h = jax.nn.relu(spmm(edge_indices, edge_weights, NU, h))
    # layer_2: dense
    h2 = jnp.dot(h, W2) + b2
    # propagate again
    out = spmm(edge_indices, edge_weights, NU, h2)
    return jax.nn.log_softmax(out, axis=1)

if __name__ == "__main__":
    import jax
    _d = setup_inputs()
    print(jax.jit(kernel)(*tuple(_d.values())))

</pallas_src>

<mosaic_0001>
#map = affine_map<(d0, d1) -> (0, 0, 0)>
#map1 = affine_map<(d0, d1) -> (0)>
module attributes {stable_mosaic.version = 14 : i64} {
  func.func @run(%arg0: i32, %arg1: i32, %arg2: memref<32x79x128xi32, #tpu.memory_space<hbm>>, %arg3: memref<32x79x128xf32, #tpu.memory_space<hbm>>, %arg4: memref<81920xf32, #tpu.memory_space<hbm>>, %arg5: memref<2621440xf32, #tpu.memory_space<hbm>>, %arg6: memref<79x128xi32, #tpu.memory_space<vmem>>, %arg7: memref<79x128xf32, #tpu.memory_space<vmem>>, %arg8: memref<128xi32, #tpu.memory_space<vmem>>, %arg9: memref<128xf32, #tpu.memory_space<vmem>>, %arg10: memref<1310720xf32, #tpu.memory_space<vmem_shared>>, %arg11: memref<!tpu.dma_semaphore, #tpu.memory_space<semaphore_mem>>) attributes {dimension_semantics = [#tpu.dimension_semantics<core_parallel>, #tpu.dimension_semantics<subcore_parallel>], iteration_bounds = array<i64: 2, 16>, scalar_prefetch = 0 : i64, scratch_operands = 6 : i64, tpu.core_type = #tpu.core_type<sc_vector_subcore>, window_params = [{transform_indices = #map}, {transform_indices = #map}, {transform_indices = #map1}, {transform_indices = #map1}]} {
    %mul3A = arith.constant 2 : i32
    %mul3A_0 = arith.muli %arg1, %mul3A : i32
    %add3A = arith.addi %mul3A_0, %arg0 : i32
    "tpu.region"() ({
      %run_scoped3A = tpu.sem_alloc : memref<!tpu.dma_semaphore, #tpu.memory_space<semaphore_mem>>
      %dma_start3A = arith.constant 0 : i32
      %dma_start3A_16 = arith.constant 0 : i32
      %dma_start3A_17 = tpu.memref_slice %arg2[%add3A, %dma_start3A, %dma_start3A_16] : memref<32x79x128xi32, #tpu.memory_space<hbm>> -> memref<1x79x128xi32, #tpu.memory_space<hbm>>
      %dma_start3A_18 = tpu.memref_squeeze %dma_start3A_17 : memref<1x79x128xi32, #tpu.memory_space<hbm>> -> memref<79x128xi32, #tpu.memory_space<hbm>>
      %dma_start3A_19 = arith.constant 0 : i32
      %dma_start3A_20 = arith.constant 0 : i32
      %dma_start3A_21 = tpu.memref_slice %arg2[%add3A, %dma_start3A_19, %dma_start3A_20] : memref<32x79x128xi32, #tpu.memory_space<hbm>> -> memref<1x79x128xi32, #tpu.memory_space<hbm>>
      %dma_start3A_22 = tpu.memref_squeeze %dma_start3A_21 : memref<1x79x128xi32, #tpu.memory_space<hbm>> -> memref<79x128xi32, #tpu.memory_space<hbm>>
      tpu.enqueue_dma source(%dma_start3A_22 : memref<79x128xi32, #tpu.memory_space<hbm>>) target(%arg6 : memref<79x128xi32, #tpu.memory_space<vmem>>) target_semaphore(%run_scoped3A : memref<!tpu.dma_semaphore, #tpu.memory_space<semaphore_mem>>)
      %dma_wait3A = arith.constant 0 : i32
      %dma_wait3A_23 = arith.constant 0 : i32
      %dma_wait3A_24 = tpu.memref_slice %arg2[%add3A, %dma_wait3A, %dma_wait3A_23] : memref<32x79x128xi32, #tpu.memory_space<hbm>> -> memref<1x79x128xi32, #tpu.memory_space<hbm>>
      %dma_wait3A_25 = tpu.memref_squeeze %dma_wait3A_24 : memref<1x79x128xi32, #tpu.memory_space<hbm>> -> memref<79x128xi32, #tpu.memory_space<hbm>>
      %dma_wait3A_26 = arith.constant 0 : i32
      %dma_wait3A_27 = arith.constant 0 : i32
      %dma_wait3A_28 = tpu.memref_slice %arg2[%add3A, %dma_wait3A_26, %dma_wait3A_27] : memref<32x79x128xi32, #tpu.memory_space<hbm>> -> memref<1x79x128xi32, #tpu.memory_space<hbm>>
      %dma_wait3A_29 = tpu.memref_squeeze %dma_wait3A_28 : memref<1x79x128xi32, #tpu.memory_space<hbm>> -> memref<79x128xi32, #tpu.memory_space<hbm>>
      tpu.wait_dma2 semaphore(%run_scoped3A : memref<!tpu.dma_semaphore, #tpu.memory_space<semaphore_mem>>) src(%dma_wait3A_29 : memref<79x128xi32, #tpu.memory_space<hbm>>) dst(%arg6 : memref<79x128xi32, #tpu.memory_space<vmem>>)
      tpu.yield
    }) : () -> ()
    "tpu.region"() ({
      %run_scoped3A = tpu.sem_alloc : memref<!tpu.dma_semaphore, #tpu.memory_space<semaphore_mem>>
      %dma_start3A = arith.constant 0 : i32
      %dma_start3A_16 = arith.constant 0 : i32
      %dma_start3A_17 = tpu.memref_slice %arg3[%add3A, %dma_start3A, %dma_start3A_16] : memref<32x79x128xf32, #tpu.memory_space<hbm>> -> memref<1x79x128xf32, #tpu.memory_space<hbm>>
      %dma_start3A_18 = tpu.memref_squeeze %dma_start3A_17 : memref<1x79x128xf32, #tpu.memory_space<hbm>> -> memref<79x128xf32, #tpu.memory_space<hbm>>
      %dma_start3A_19 = arith.constant 0 : i32
      %dma_start3A_20 = arith.constant 0 : i32
      %dma_start3A_21 = tpu.memref_slice %arg3[%add3A, %dma_start3A_19, %dma_start3A_20] : memref<32x79x128xf32, #tpu.memory_space<hbm>> -> memref<1x79x128xf32, #tpu.memory_space<hbm>>
      %dma_start3A_22 = tpu.memref_squeeze %dma_start3A_21 : memref<1x79x128xf32, #tpu.memory_space<hbm>> -> memref<79x128xf32, #tpu.memory_space<hbm>>
      tpu.enqueue_dma source(%dma_start3A_22 : memref<79x128xf32, #tpu.memory_space<hbm>>) target(%arg7 : memref<79x128xf32, #tpu.memory_space<vmem>>) target_semaphore(%run_scoped3A : memref<!tpu.dma_semaphore, #tpu.memory_space<semaphore_mem>>)
      %dma_wait3A = arith.constant 0 : i32
      %dma_wait3A_23 = arith.constant 0 : i32
      %dma_wait3A_24 = tpu.memref_slice %arg3[%add3A, %dma_wait3A, %dma_wait3A_23] : memref<32x79x128xf32, #tpu.memory_space<hbm>> -> memref<1x79x128xf32, #tpu.memory_space<hbm>>
      %dma_wait3A_25 = tpu.memref_squeeze %dma_wait3A_24 : memref<1x79x128xf32, #tpu.memory_space<hbm>> -> memref<79x128xf32, #tpu.memory_space<hbm>>
      %dma_wait3A_26 = arith.constant 0 : i32
      %dma_wait3A_27 = arith.constant 0 : i32
      %dma_wait3A_28 = tpu.memref_slice %arg3[%add3A, %dma_wait3A_26, %dma_wait3A_27] : memref<32x79x128xf32, #tpu.memory_space<hbm>> -> memref<1x79x128xf32, #tpu.memory_space<hbm>>
      %dma_wait3A_29 = tpu.memref_squeeze %dma_wait3A_28 : memref<1x79x128xf32, #tpu.memory_space<hbm>> -> memref<79x128xf32, #tpu.memory_space<hbm>>
      tpu.wait_dma2 semaphore(%run_scoped3A : memref<!tpu.dma_semaphore, #tpu.memory_space<semaphore_mem>>) src(%dma_wait3A_29 : memref<79x128xf32, #tpu.memory_space<hbm>>) dst(%arg7 : memref<79x128xf32, #tpu.memory_space<vmem>>)
      tpu.yield
    }) : () -> ()
    %mul3A_1 = arith.constant 81920 : i32
    %mul3A_2 = arith.muli %arg1, %mul3A_1 : i32
    "tpu.region"() ({
      %run_scoped3A = tpu.sem_alloc : memref<!tpu.dma_semaphore, #tpu.memory_space<semaphore_mem>>
      %dma_start3A = tpu.memref_slice %arg10[%mul3A_2] : memref<1310720xf32, #tpu.memory_space<vmem_shared>> -> memref<81920xf32, #tpu.memory_space<vmem_shared>>
      tpu.enqueue_dma source(%arg4 : memref<81920xf32, #tpu.memory_space<hbm>>) target(%dma_start3A : memref<81920xf32, #tpu.memory_space<vmem_shared>>) target_semaphore(%run_scoped3A : memref<!tpu.dma_semaphore, #tpu.memory_space<semaphore_mem>>)
      %dma_wait3A = tpu.memref_slice %arg10[%mul3A_2] : memref<1310720xf32, #tpu.memory_space<vmem_shared>> -> memref<81920xf32, #tpu.memory_space<vmem_shared>>
      tpu.wait_dma2 semaphore(%run_scoped3A : memref<!tpu.dma_semaphore, #tpu.memory_space<semaphore_mem>>) src(%arg4 : memref<81920xf32, #tpu.memory_space<hbm>>) dst(%dma_wait3A : memref<81920xf32, #tpu.memory_space<vmem_shared>>)
      tpu.yield
    }) : () -> ()
    %barrier3A = arith.constant 0 : index
    tpu.barrier barrier_id(%barrier3A)
    %scan3A = arith.constant 0 : i32
    %scan3A_3 = arith.constant 0 : i32
    %scan3A_4 = arith.constant 79 : i32
    %scan3A_5 = arith.addi %scan3A_3, %scan3A_4 : i32
    %scan3A_6 = arith.constant 1 : i32
    scf.for %scan3A_16 = %scan3A_3 to %scan3A_5 step %scan3A_6  : i32 {
      %get3A = arith.index_cast %scan3A_16 : i32 to index
      %get3A_17 = arith.constant 0 : index
      %get3A_18 = tpu.vector_load %arg6[%get3A, %get3A_17] {strides = array<i32>} : memref<79x128xi32, #tpu.memory_space<vmem>>, vector<1x16xi32>,
      %get3A_19 = vector.shape_cast %get3A_18 : vector<1x16xi32> to vector<16xi32>
      %swap3A = arith.constant 0 : index
      %swap3A_20 = tpu.vector_load %arg8[%swap3A] {strides = array<i32>} : memref<128xi32, #tpu.memory_space<vmem>>, vector<16xi32>,
      %swap3A_21 = vector.shape_cast %swap3A_20 : vector<16xi32> to vector<16xi32>
      %swap3A_22 = vector.shape_cast %get3A_19 : vector<16xi32> to vector<16xi32>
      tpu.vector_store %arg8[%swap3A], %swap3A_22 {strides = array<i32>} : memref<128xi32, #tpu.memory_space<vmem>>, vector<16xi32>,
      %get3A_23 = arith.index_cast %scan3A_16 : i32 to index
      %get3A_24 = arith.constant 0 : index
      %get3A_25 = tpu.vector_load %arg7[%get3A_23, %get3A_24] {strides = array<i32>} : memref<79x128xf32, #tpu.memory_space<vmem>>, vector<1x16xf32>,
      %get3A_26 = vector.shape_cast %get3A_25 : vector<1x16xf32> to vector<16xf32>
      %swap3A_27 = arith.constant 0 : index
      %swap3A_28 = tpu.vector_load %arg9[%swap3A_27] {strides = array<i32>} : memref<128xf32, #tpu.memory_space<vmem>>, vector<16xf32>,
      %swap3A_29 = vector.shape_cast %swap3A_28 : vector<16xf32> to vector<16xf32>
      %swap3A_30 = vector.shape_cast %get3A_26 : vector<16xf32> to vector<16xf32>
      tpu.vector_store %arg9[%swap3A_27], %swap3A_30 {strides = array<i32>} : memref<128xf32, #tpu.memory_space<vmem>>, vector<16xf32>,
      %get3A_31 = arith.index_cast %scan3A_16 : i32 to index
      %get3A_32 = arith.constant 16 : index
      %get3A_33 = tpu.vector_load %arg6[%get3A_31, %get3A_32] {strides = array<i32>} : memref<79x128xi32, #tpu.memory_space<vmem>>, vector<1x16xi32>,
      %get3A_34 = vector.shape_cast %get3A_33 : vector<1x16xi32> to vector<16xi32>
      %swap3A_35 = arith.constant 16 : index
      %swap3A_36 = tpu.vector_load %arg8[%swap3A_35] {strides = array<i32>} : memref<128xi32, #tpu.memory_space<vmem>>, vector<16xi32>,
      %swap3A_37 = vector.shape_cast %swap3A_36 : vector<16xi32> to vector<16xi32>
      %swap3A_38 = vector.shape_cast %get3A_34 : vector<16xi32> to vector<16xi32>
      tpu.vector_store %arg8[%swap3A_35], %swap3A_38 {strides = array<i32>} : memref<128xi32, #tpu.memory_space<vmem>>, vector<16xi32>,
      %get3A_39 = arith.index_cast %scan3A_16 : i32 to index
      %get3A_40 = arith.constant 16 : index
      %get3A_41 = tpu.vector_load %arg7[%get3A_39, %get3A_40] {strides = array<i32>} : memref<79x128xf32, #tpu.memory_space<vmem>>, vector<1x16xf32>,
      %get3A_42 = vector.shape_cast %get3A_41 : vector<1x16xf32> to vector<16xf32>
      %swap3A_43 = arith.constant 16 : index
      %swap3A_44 = tpu.vector_load %arg9[%swap3A_43] {strides = array<i32>} : memref<128xf32, #tpu.memory_space<vmem>>, vector<16xf32>,
      %swap3A_45 = vector.shape_cast %swap3A_44 : vector<16xf32> to vector<16xf32>
      %swap3A_46 = vector.shape_cast %get3A_42 : vector<16xf32> to vector<16xf32>
      tpu.vector_store %arg9[%swap3A_43], %swap3A_46 {strides = array<i32>} : memref<128xf32, #tpu.memory_space<vmem>>, vector<16xf32>,
      %get3A_47 = arith.index_cast %scan3A_16 : i32 to index
      %get3A_48 = arith.constant 32 : index
      %get3A_49 = tpu.vector_load %arg6[%get3A_47, %get3A_48] {strides = array<i32>} : memref<79x128xi32, #tpu.memory_space<vmem>>, vector<1x16xi32>,
      %get3A_50 = vector.shape_cast %get3A_49 : vector<1x16xi32> to vector<16xi32>
      %swap3A_51 = arith.constant 32 : index
      %swap3A_52 = tpu.vector_load %arg8[%swap3A_51] {strides = array<i32>} : memref<128xi32, #tpu.memory_space<vmem>>, vector<16xi32>,
      %swap3A_53 = vector.shape_cast %swap3A_52 : vector<16xi32> to vector<16xi32>
      %swap3A_54 = vector.shape_cast %get3A_50 : vector<16xi32> to vector<16xi32>
      tpu.vector_store %arg8[%swap3A_51], %swap3A_54 {strides = array<i32>} : memref<128xi32, #tpu.memory_space<vmem>>, vector<16xi32>,
      %get3A_55 = arith.index_cast %scan3A_16 : i32 to index
      %get3A_56 = arith.constant 32 : index
      %get3A_57 = tpu.vector_load %arg7[%get3A_55, %get3A_56] {strides = array<i32>} : memref<79x128xf32, #tpu.memory_space<vmem>>, vector<1x16xf32>,
      %get3A_58 = vector.shape_cast %get3A_57 : vector<1x16xf32> to vector<16xf32>
      %swap3A_59 = arith.constant 32 : index
      %swap3A_60 = tpu.vector_load %arg9[%swap3A_59] {strides = array<i32>} : memref<128xf32, #tpu.memory_space<vmem>>, vector<16xf32>,
      %swap3A_61 = vector.shape_cast %swap3A_60 : vector<16xf32> to vector<16xf32>
      %swap3A_62 = vector.shape_cast %get3A_58 : vector<16xf32> to vector<16xf32>
      tpu.vector_store %arg9[%swap3A_59], %swap3A_62 {strides = array<i32>} : memref<128xf32, #tpu.memory_space<vmem>>, vector<16xf32>,
      %get3A_63 = arith.index_cast %scan3A_16 : i32 to index
      %get3A_64 = arith.constant 48 : index
      %get3A_65 = tpu.vector_load %arg6[%get3A_63, %get3A_64] {strides = array<i32>} : memref<79x128xi32, #tpu.memory_space<vmem>>, vector<1x16xi32>,
      %get3A_66 = vector.shape_cast %get3A_65 : vector<1x16xi32> to vector<16xi32>
      %swap3A_67 = arith.constant 48 : index
      %swap3A_68 = tpu.vector_load %arg8[%swap3A_67] {strides = array<i32>} : memref<128xi32, #tpu.memory_space<vmem>>, vector<16xi32>,
      %swap3A_69 = vector.shape_cast %swap3A_68 : vector<16xi32> to vector<16xi32>
      %swap3A_70 = vector.shape_cast %get3A_66 : vector<16xi32> to vector<16xi32>
      tpu.vector_store %arg8[%swap3A_67], %swap3A_70 {strides = array<i32>} : memref<128xi32, #tpu.memory_space<vmem>>, vector<16xi32>,
      %get3A_71 = arith.index_cast %scan3A_16 : i32 to index
      %get3A_72 = arith.constant 48 : index
      %get3A_73 = tpu.vector_load %arg7[%get3A_71, %get3A_72] {strides = array<i32>} : memref<79x128xf32, #tpu.memory_space<vmem>>, vector<1x16xf32>,
      %get3A_74 = vector.shape_cast %get3A_73 : vector<1x16xf32> to vector<16xf32>
      %swap3A_75 = arith.constant 48 : index
      %swap3A_76 = tpu.vector_load %arg9[%swap3A_75] {strides = array<i32>} : memref<128xf32, #tpu.memory_space<vmem>>, vector<16xf32>,
      %swap3A_77 = vector.shape_cast %swap3A_76 : vector<16xf32> to vector<16xf32>
      %swap3A_78 = vector.shape_cast %get3A_74 : vector<16xf32> to vector<16xf32>
      tpu.vector_store %arg9[%swap3A_75], %swap3A_78 {strides = array<i32>} : memref<128xf32, #tpu.memory_space<vmem>>, vector<16xf32>,
      %get3A_79 = arith.index_cast %scan3A_16 : i32 to index
      %get3A_80 = arith.constant 64 : index
      %get3A_81 = tpu.vector_load %arg6[%get3A_79, %get3A_80] {strides = array<i32>} : memref<79x128xi32, #tpu.memory_space<vmem>>, vector<1x16xi32>,
      %get3A_82 = vector.shape_cast %get3A_81 : vector<1x16xi32> to vector<16xi32>
      %swap3A_83 = arith.constant 64 : index
      %swap3A_84 = tpu.vector_load %arg8[%swap3A_83] {strides = array<i32>} : memref<128xi32, #tpu.memory_space<vmem>>, vector<16xi32>,
      %swap3A_85 = vector.shape_cast %swap3A_84 : vector<16xi32> to vector<16xi32>
      %swap3A_86 = vector.shape_cast %get3A_82 : vector<16xi32> to vector<16xi32>
      tpu.vector_store %arg8[%swap3A_83], %swap3A_86 {strides = array<i32>} : memref<128xi32, #tpu.memory_space<vmem>>, vector<16xi32>,
      %get3A_87 = arith.index_cast %scan3A_16 : i32 to index
      %get3A_88 = arith.constant 64 : index
      %get3A_89 = tpu.vector_load %arg7[%get3A_87, %get3A_88] {strides = array<i32>} : memref<79x128xf32, #tpu.memory_space<vmem>>, vector<1x16xf32>,
      %get3A_90 = vector.shape_cast %get3A_89 : vector<1x16xf32> to vector<16xf32>
      %swap3A_91 = arith.constant 64 : index
      %swap3A_92 = tpu.vector_load %arg9[%swap3A_91] {strides = array<i32>} : memref<128xf32, #tpu.memory_space<vmem>>, vector<16xf32>,
      %swap3A_93 = vector.shape_cast %swap3A_92 : vector<16xf32> to vector<16xf32>
      %swap3A_94 = vector.shape_cast %get3A_90 : vector<16xf32> to vector<16xf32>
      tpu.vector_store %arg9[%swap3A_91], %swap3A_94 {strides = array<i32>} : memref<128xf32, #tpu.memory_space<vmem>>, vector<16xf32>,
      %get3A_95 = arith.index_cast %scan3A_16 : i32 to index
      %get3A_96 = arith.constant 80 : index
      %get3A_97 = tpu.vector_load %arg6[%get3A_95, %get3A_96] {strides = array<i32>} : memref<79x128xi32, #tpu.memory_space<vmem>>, vector<1x16xi32>,
      %get3A_98 = vector.shape_cast %get3A_97 : vector<1x16xi32> to vector<16xi32>
      %swap3A_99 = arith.constant 80 : index
      %swap3A_100 = tpu.vector_load %arg8[%swap3A_99] {strides = array<i32>} : memref<128xi32, #tpu.memory_space<vmem>>, vector<16xi32>,
      %swap3A_101 = vector.shape_cast %swap3A_100 : vector<16xi32> to vector<16xi32>
      %swap3A_102 = vector.shape_cast %get3A_98 : vector<16xi32> to vector<16xi32>
      tpu.vector_store %arg8[%swap3A_99], %swap3A_102 {strides = array<i32>} : memref<128xi32, #tpu.memory_space<vmem>>, vector<16xi32>,
      %get3A_103 = arith.index_cast %scan3A_16 : i32 to index
      %get3A_104 = arith.constant 80 : index
      %get3A_105 = tpu.vector_load %arg7[%get3A_103, %get3A_104] {strides = array<i32>} : memref<79x128xf32, #tpu.memory_space<vmem>>, vector<1x16xf32>,
      %get3A_106 = vector.shape_cast %get3A_105 : vector<1x16xf32> to vector<16xf32>
      %swap3A_107 = arith.constant 80 : index
      %swap3A_108 = tpu.vector_load %arg9[%swap3A_107] {strides = array<i32>} : memref<128xf32, #tpu.memory_space<vmem>>, vector<16xf32>,
      %swap3A_109 = vector.shape_cast %swap3A_108 : vector<16xf32> to vector<16xf32>
      %swap3A_110 = vector.shape_cast %get3A_106 : vector<16xf32> to vector<16xf32>
      tpu.vector_store %arg9[%swap3A_107], %swap3A_110 {strides = array<i32>} : memref<128xf32, #tpu.memory_space<vmem>>, vector<16xf32>,
      %get3A_111 = arith.index_cast %scan3A_16 : i32 to index
      %get3A_112 = arith.constant 96 : index
      %get3A_113 = tpu.vector_load %arg6[%get3A_111, %get3A_112] {strides = array<i32>} : memref<79x128xi32, #tpu.memory_space<vmem>>, vector<1x16xi32>,
      %get3A_114 = vector.shape_cast %get3A_113 : vector<1x16xi32> to vector<16xi32>
      %swap3A_115 = arith.constant 96 : index
      %swap3A_116 = tpu.vector_load %arg8[%swap3A_115] {strides = array<i32>} : memref<128xi32, #tpu.memory_space<vmem>>, vector<16xi32>,
      %swap3A_117 = vector.shape_cast %swap3A_116 : vector<16xi32> to vector<16xi32>
      %swap3A_118 = vector.shape_cast %get3A_114 : vector<16xi32> to vector<16xi32>
      tpu.vector_store %arg8[%swap3A_115], %swap3A_118 {strides = array<i32>} : memref<128xi32, #tpu.memory_space<vmem>>, vector<16xi32>,
      %get3A_119 = arith.index_cast %scan3A_16 : i32 to index
      %get3A_120 = arith.constant 96 : index
      %get3A_121 = tpu.vector_load %arg7[%get3A_119, %get3A_120] {strides = array<i32>} : memref<79x128xf32, #tpu.memory_space<vmem>>, vector<1x16xf32>,
      %get3A_122 = vector.shape_cast %get3A_121 : vector<1x16xf32> to vector<16xf32>
      %swap3A_123 = arith.constant 96 : index
      %swap3A_124 = tpu.vector_load %arg9[%swap3A_123] {strides = array<i32>} : memref<128xf32, #tpu.memory_space<vmem>>, vector<16xf32>,
      %swap3A_125 = vector.shape_cast %swap3A_124 : vector<16xf32> to vector<16xf32>
      %swap3A_126 = vector.shape_cast %get3A_122 : vector<16xf32> to vector<16xf32>
      tpu.vector_store %arg9[%swap3A_123], %swap3A_126 {strides = array<i32>} : memref<128xf32, #tpu.memory_space<vmem>>, vector<16xf32>,
      %get3A_127 = arith.index_cast %scan3A_16 : i32 to index
      %get3A_128 = arith.constant 112 : index
      %get3A_129 = tpu.vector_load %arg6[%get3A_127, %get3A_128] {strides = array<i32>} : memref<79x128xi32, #tpu.memory_space<vmem>>, vector<1x16xi32>,
      %get3A_130 = vector.shape_cast %get3A_129 : vector<1x16xi32> to vector<16xi32>
      %swap3A_131 = arith.constant 112 : index
      %swap3A_132 = tpu.vector_load %arg8[%swap3A_131] {strides = array<i32>} : memref<128xi32, #tpu.memory_space<vmem>>, vector<16xi32>,
      %swap3A_133 = vector.shape_cast %swap3A_132 : vector<16xi32> to vector<16xi32>
      %swap3A_134 = vector.shape_cast %get3A_130 : vector<16xi32> to vector<16xi32>
      tpu.vector_store %arg8[%swap3A_131], %swap3A_134 {strides = array<i32>} : memref<128xi32, #tpu.memory_space<vmem>>, vector<16xi32>,
      %get3A_135 = arith.index_cast %scan3A_16 : i32 to index
      %get3A_136 = arith.constant 112 : index
      %get3A_137 = tpu.vector_load %arg7[%get3A_135, %get3A_136] {strides = array<i32>} : memref<79x128xf32, #tpu.memory_space<vmem>>, vector<1x16xf32>,
      %get3A_138 = vector.shape_cast %get3A_137 : vector<1x16xf32> to vector<16xf32>
      %swap3A_139 = arith.constant 112 : index
      %swap3A_140 = tpu.vector_load %arg9[%swap3A_139] {strides = array<i32>} : memref<128xf32, #tpu.memory_space<vmem>>, vector<16xf32>,
      %swap3A_141 = vector.shape_cast %swap3A_140 : vector<16xf32> to vector<16xf32>
      %swap3A_142 = vector.shape_cast %get3A_138 : vector<16xf32> to vector<16xf32>
      tpu.vector_store %arg9[%swap3A_139], %swap3A_142 {strides = array<i32>} : memref<128xf32, #tpu.memory_space<vmem>>, vector<16xf32>,
      %dma_start3A = arith.constant 0 : i32
      %dma_start3A_143 = tpu.memref_slice %arg10[%dma_start3A] : memref<1310720xf32, #tpu.memory_space<vmem_shared>> -> memref<1310720xf32, #tpu.memory_space<vmem_shared>>
      tpu.enqueue_indirect_dma source(%arg9 : memref<128xf32, #tpu.memory_space<vmem>>) target(%dma_start3A_143 : memref<1310720xf32, #tpu.memory_space<vmem_shared>>) offsets(%arg8 : memref<128xi32, #tpu.memory_space<vmem>>) semaphore(%arg11 : memref<!tpu.dma_semaphore, #tpu.memory_space<semaphore_mem>>) {add = true}
      %dma_wait3A = arith.constant 0 : i32
      %dma_wait3A_144 = tpu.memref_slice %arg10[%dma_wait3A] : memref<1310720xf32, #tpu.memory_space<vmem_shared>> -> memref<1310720xf32, #tpu.memory_space<vmem_shared>>
      tpu.wait_indirect_dma semaphore(%arg11 : memref<!tpu.dma_semaphore, #tpu.memory_space<semaphore_mem>>) src(%arg9 : memref<128xf32, #tpu.memory_space<vmem>>) dst(%dma_wait3A_144 : memref<1310720xf32, #tpu.memory_space<vmem_shared>>)
    }
    %scan3A_7 = arith.constant 79 : i32
    %barrier3A_8 = arith.constant 0 : index
    tpu.barrier barrier_id(%barrier3A_8)
    %mul3A_9 = arith.constant 81920 : i32
    %mul3A_10 = arith.muli %arg1, %mul3A_9 : i32
    %mul3A_11 = arith.constant 1310720 : i32
    %mul3A_12 = arith.muli %arg0, %mul3A_11 : i32
    %mul3A_13 = arith.constant 81920 : i32
    %mul3A_14 = arith.muli %arg1, %mul3A_13 : i32
    %add3A_15 = arith.addi %mul3A_12, %mul3A_14 : i32
    "tpu.region"() ({
      %run_scoped3A = tpu.sem_alloc : memref<!tpu.dma_semaphore, #tpu.memory_space<semaphore_mem>>
      %dma_start3A = tpu.memref_slice %arg5[%add3A_15] : memref<2621440xf32, #tpu.memory_space<hbm>> -> memref<81920xf32, #tpu.memory_space<hbm>>
      %dma_start3A_16 = tpu.memref_slice %arg10[%mul3A_10] : memref<1310720xf32, #tpu.memory_space<vmem_shared>> -> memref<81920xf32, #tpu.memory_space<vmem_shared>>
      tpu.enqueue_dma source(%dma_start3A_16 : memref<81920xf32, #tpu.memory_space<vmem_shared>>) target(%dma_start3A : memref<81920xf32, #tpu.memory_space<hbm>>) target_semaphore(%run_scoped3A : memref<!tpu.dma_semaphore, #tpu.memory_space<semaphore_mem>>)
      %dma_wait3A = tpu.memref_slice %arg5[%add3A_15] : memref<2621440xf32, #tpu.memory_space<hbm>> -> memref<81920xf32, #tpu.memory_space<hbm>>
      %dma_wait3A_17 = tpu.memref_slice %arg10[%mul3A_10] : memref<1310720xf32, #tpu.memory_space<vmem_shared>> -> memref<81920xf32, #tpu.memory_space<vmem_shared>>
      tpu.wait_dma2 semaphore(%run_scoped3A : memref<!tpu.dma_semaphore, #tpu.memory_space<semaphore_mem>>) src(%dma_wait3A_17 : memref<81920xf32, #tpu.memory_space<vmem_shared>>) dst(%dma_wait3A : memref<81920xf32, #tpu.memory_space<hbm>>)
      tpu.yield
    }) : () -> ()
    return
  }
}

#map = affine_map<(d0, d1) -> (0, 0)>
#map1 = affine_map<(d0, d1) -> (0, 0, 0)>
module attributes {stable_mosaic.version = 14 : i64} {
  func.func @run(%arg0: i32, %arg1: i32, %arg2: memref<10240x64xf32, #tpu.memory_space<hbm>>, %arg3: memref<32x79x128xi32, #tpu.memory_space<hbm>>, %arg4: memref<32x79x128xi32, #tpu.memory_space<hbm>>, %arg5: memref<32x79x128xf32, #tpu.memory_space<hbm>>, %arg6: memref<640x64xf32, #tpu.memory_space<hbm>>, %arg7: memref<20480x64xf32, #tpu.memory_space<hbm>>, %arg8: memref<79x128xi32, #tpu.memory_space<vmem>>, %arg9: memref<79x128xi32, #tpu.memory_space<vmem>>, %arg10: memref<79x128xf32, #tpu.memory_space<vmem>>, %arg11: memref<128x64xf32, #tpu.memory_space<vmem>>, %arg12: memref<128xi32, #tpu.memory_space<vmem>>, %arg13: memref<10240x64xf32, #tpu.memory_space<vmem_shared>>, %arg14: memref<10240x64xf32, #tpu.memory_space<vmem_shared>>, %arg15: memref<!tpu.dma_semaphore, #tpu.memory_space<semaphore_mem>>, %arg16: memref<!tpu.dma_semaphore, #tpu.memory_space<semaphore_mem>>) attributes {dimension_semantics = [#tpu.dimension_semantics<core_parallel>, #tpu.dimension_semantics<subcore_parallel>], iteration_bounds = array<i64: 2, 16>, scalar_prefetch = 0 : i64, scratch_operands = 9 : i64, tpu.core_type = #tpu.core_type<sc_vector_subcore>, window_params = [{transform_indices = #map}, {transform_indices = #map1}, {transform_indices = #map1}, {transform_indices = #map1}, {transform_indices = #map}, {transform_indices = #map}]} {
    %mul3A = arith.constant 2 : i32
    %mul3A_0 = arith.muli %arg1, %mul3A : i32
    %add3A = arith.addi %mul3A_0, %arg0 : i32
    "tpu.region"() ({
      %run_scoped3A = tpu.sem_alloc : memref<!tpu.dma_semaphore, #tpu.memory_space<semaphore_mem>>
      %dma_start3A = arith.constant 0 : i32
      %dma_start3A_20 = arith.constant 0 : i32
      %dma_start3A_21 = tpu.memref_slice %arg3[%add3A, %dma_start3A, %dma_start3A_20] : memref<32x79x128xi32, #tpu.memory_space<hbm>> -> memref<1x79x128xi32, #tpu.memory_space<hbm>>
      %dma_start3A_22 = tpu.memref_squeeze %dma_start3A_21 : memref<1x79x128xi32, #tpu.memory_space<hbm>> -> memref<79x128xi32, #tpu.memory_space<hbm>>
      %dma_start3A_23 = arith.constant 0 : i32
      %dma_start3A_24 = arith.constant 0 : i32
      %dma_start3A_25 = tpu.memref_slice %arg3[%add3A, %dma_start3A_23, %dma_start3A_24] : memref<32x79x128xi32, #tpu.memory_space<hbm>> -> memref<1x79x128xi32, #tpu.memory_space<hbm>>
      %dma_start3A_26 = tpu.memref_squeeze %dma_start3A_25 : memref<1x79x128xi32, #tpu.memory_space<hbm>> -> memref<79x128xi32, #tpu.memory_space<hbm>>
      tpu.enqueue_dma source(%dma_start3A_26 : memref<79x128xi32, #tpu.memory_space<hbm>>) target(%arg8 : memref<79x128xi32, #tpu.memory_space<vmem>>) target_semaphore(%run_scoped3A : memref<!tpu.dma_semaphore, #tpu.memory_space<semaphore_mem>>)
      %dma_wait3A = arith.constant 0 : i32
      %dma_wait3A_27 = arith.constant 0 : i32
      %dma_wait3A_28 = tpu.memref_slice %arg3[%add3A, %dma_wait3A, %dma_wait3A_27] : memref<32x79x128xi32, #tpu.memory_space<hbm>> -> memref<1x79x128xi32, #tpu.memory_space<hbm>>
      %dma_wait3A_29 = tpu.memref_squeeze %dma_wait3A_28 : memref<1x79x128xi32, #tpu.memory_space<hbm>> -> memref<79x128xi32, #tpu.memory_space<hbm>>
      %dma_wait3A_30 = arith.constant 0 : i32
      %dma_wait3A_31 = arith.constant 0 : i32
      %dma_wait3A_32 = tpu.memref_slice %arg3[%add3A, %dma_wait3A_30, %dma_wait3A_31] : memref<32x79x128xi32, #tpu.memory_space<hbm>> -> memref<1x79x128xi32, #tpu.memory_space<hbm>>
      %dma_wait3A_33 = tpu.memref_squeeze %dma_wait3A_32 : memref<1x79x128xi32, #tpu.memory_space<hbm>> -> memref<79x128xi32, #tpu.memory_space<hbm>>
      tpu.wait_dma2 semaphore(%run_scoped3A : memref<!tpu.dma_semaphore, #tpu.memory_space<semaphore_mem>>) src(%dma_wait3A_33 : memref<79x128xi32, #tpu.memory_space<hbm>>) dst(%arg8 : memref<79x128xi32, #tpu.memory_space<vmem>>)
      tpu.yield
    }) : () -> ()
    "tpu.region"() ({
      %run_scoped3A = tpu.sem_alloc : memref<!tpu.dma_semaphore, #tpu.memory_space<semaphore_mem>>
      %dma_start3A = arith.constant 0 : i32
      %dma_start3A_20 = arith.constant 0 : i32
      %dma_start3A_21 = tpu.memref_slice %arg4[%add3A, %dma_start3A, %dma_start3A_20] : memref<32x79x128xi32, #tpu.memory_space<hbm>> -> memref<1x79x128xi32, #tpu.memory_space<hbm>>
      %dma_start3A_22 = tpu.memref_squeeze %dma_start3A_21 : memref<1x79x128xi32, #tpu.memory_space<hbm>> -> memref<79x128xi32, #tpu.memory_space<hbm>>
      %dma_start3A_23 = arith.constant 0 : i32
      %dma_start3A_24 = arith.constant 0 : i32
      %dma_start3A_25 = tpu.memref_slice %arg4[%add3A, %dma_start3A_23, %dma_start3A_24] : memref<32x79x128xi32, #tpu.memory_space<hbm>> -> memref<1x79x128xi32, #tpu.memory_space<hbm>>
      %dma_start3A_26 = tpu.memref_squeeze %dma_start3A_25 : memref<1x79x128xi32, #tpu.memory_space<hbm>> -> memref<79x128xi32, #tpu.memory_space<hbm>>
      tpu.enqueue_dma source(%dma_start3A_26 : memref<79x128xi32, #tpu.memory_space<hbm>>) target(%arg9 : memref<79x128xi32, #tpu.memory_space<vmem>>) target_semaphore(%run_scoped3A : memref<!tpu.dma_semaphore, #tpu.memory_space<semaphore_mem>>)
      %dma_wait3A = arith.constant 0 : i32
      %dma_wait3A_27 = arith.constant 0 : i32
      %dma_wait3A_28 = tpu.memref_slice %arg4[%add3A, %dma_wait3A, %dma_wait3A_27] : memref<32x79x128xi32, #tpu.memory_space<hbm>> -> memref<1x79x128xi32, #tpu.memory_space<hbm>>
      %dma_wait3A_29 = tpu.memref_squeeze %dma_wait3A_28 : memref<1x79x128xi32, #tpu.memory_space<hbm>> -> memref<79x128xi32, #tpu.memory_space<hbm>>
      %dma_wait3A_30 = arith.constant 0 : i32
      %dma_wait3A_31 = arith.constant 0 : i32
      %dma_wait3A_32 = tpu.memref_slice %arg4[%add3A, %dma_wait3A_30, %dma_wait3A_31] : memref<32x79x128xi32, #tpu.memory_space<hbm>> -> memref<1x79x128xi32, #tpu.memory_space<hbm>>
      %dma_wait3A_33 = tpu.memref_squeeze %dma_wait3A_32 : memref<1x79x128xi32, #tpu.memory_space<hbm>> -> memref<79x128xi32, #tpu.memory_space<hbm>>
      tpu.wait_dma2 semaphore(%run_scoped3A : memref<!tpu.dma_semaphore, #tpu.memory_space<semaphore_mem>>) src(%dma_wait3A_33 : memref<79x128xi32, #tpu.memory_space<hbm>>) dst(%arg9 : memref<79x128xi32, #tpu.memory_space<vmem>>)
      tpu.yield
    }) : () -> ()
    "tpu.region"() ({
      %run_scoped3A = tpu.sem_alloc : memref<!tpu.dma_semaphore, #tpu.memory_space<semaphore_mem>>
      %dma_start3A = arith.constant 0 : i32
      %dma_start3A_20 = arith.constant 0 : i32
      %dma_start3A_21 = tpu.memref_slice %arg5[%add3A, %dma_start3A, %dma_start3A_20] : memref<32x79x128xf32, #tpu.memory_space<hbm>> -> memref<1x79x128xf32, #tpu.memory_space<hbm>>
      %dma_start3A_22 = tpu.memref_squeeze %dma_start3A_21 : memref<1x79x128xf32, #tpu.memory_space<hbm>> -> memref<79x128xf32, #tpu.memory_space<hbm>>
      %dma_start3A_23 = arith.constant 0 : i32
      %dma_start3A_24 = arith.constant 0 : i32
      %dma_start3A_25 = tpu.memref_slice %arg5[%add3A, %dma_start3A_23, %dma_start3A_24] : memref<32x79x128xf32, #tpu.memory_space<hbm>> -> memref<1x79x128xf32, #tpu.memory_space<hbm>>
      %dma_start3A_26 = tpu.memref_squeeze %dma_start3A_25 : memref<1x79x128xf32, #tpu.memory_space<hbm>> -> memref<79x128xf32, #tpu.memory_space<hbm>>
      tpu.enqueue_dma source(%dma_start3A_26 : memref<79x128xf32, #tpu.memory_space<hbm>>) target(%arg10 : memref<79x128xf32, #tpu.memory_space<vmem>>) target_semaphore(%run_scoped3A : memref<!tpu.dma_semaphore, #tpu.memory_space<semaphore_mem>>)
      %dma_wait3A = arith.constant 0 : i32
      %dma_wait3A_27 = arith.constant 0 : i32
      %dma_wait3A_28 = tpu.memref_slice %arg5[%add3A, %dma_wait3A, %dma_wait3A_27] : memref<32x79x128xf32, #tpu.memory_space<hbm>> -> memref<1x79x128xf32, #tpu.memory_space<hbm>>
      %dma_wait3A_29 = tpu.memref_squeeze %dma_wait3A_28 : memref<1x79x128xf32, #tpu.memory_space<hbm>> -> memref<79x128xf32, #tpu.memory_space<hbm>>
      %dma_wait3A_30 = arith.constant 0 : i32
      %dma_wait3A_31 = arith.constant 0 : i32
      %dma_wait3A_32 = tpu.memref_slice %arg5[%add3A, %dma_wait3A_30, %dma_wait3A_31] : memref<32x79x128xf32, #tpu.memory_space<hbm>> -> memref<1x79x128xf32, #tpu.memory_space<hbm>>
      %dma_wait3A_33 = tpu.memref_squeeze %dma_wait3A_32 : memref<1x79x128xf32, #tpu.memory_space<hbm>> -> memref<79x128xf32, #tpu.memory_space<hbm>>
      tpu.wait_dma2 semaphore(%run_scoped3A : memref<!tpu.dma_semaphore, #tpu.memory_space<semaphore_mem>>) src(%dma_wait3A_33 : memref<79x128xf32, #tpu.memory_space<hbm>>) dst(%arg10 : memref<79x128xf32, #tpu.memory_space<vmem>>)
      tpu.yield
    }) : () -> ()
    %mul3A_1 = arith.constant 640 : i32
    %mul3A_2 = arith.muli %arg1, %mul3A_1 : i32
    "tpu.region"() ({
      %run_scoped3A = tpu.sem_alloc : memref<!tpu.dma_semaphore, #tpu.memory_space<semaphore_mem>>
      %dma_start3A = arith.constant 0 : i32
      %dma_start3A_20 = tpu.memref_slice %arg13[%mul3A_2, %dma_start3A] : memref<10240x64xf32, #tpu.memory_space<vmem_shared>> -> memref<640x64xf32, #tpu.memory_space<vmem_shared>>
      tpu.enqueue_dma source(%arg6 : memref<640x64xf32, #tpu.memory_space<hbm>>) target(%dma_start3A_20 : memref<640x64xf32, #tpu.memory_space<vmem_shared>>) target_semaphore(%run_scoped3A : memref<!tpu.dma_semaphore, #tpu.memory_space<semaphore_mem>>)
      %dma_wait3A = arith.constant 0 : i32
      %dma_wait3A_21 = tpu.memref_slice %arg13[%mul3A_2, %dma_wait3A] : memref<10240x64xf32, #tpu.memory_space<vmem_shared>> -> memref<640x64xf32, #tpu.memory_space<vmem_shared>>
      tpu.wait_dma2 semaphore(%run_scoped3A : memref<!tpu.dma_semaphore, #tpu.memory_space<semaphore_mem>>) src(%arg6 : memref<640x64xf32, #tpu.memory_space<hbm>>) dst(%dma_wait3A_21 : memref<640x64xf32, #tpu.memory_space<vmem_shared>>)
      tpu.yield
    }) : () -> ()
    %mul3A_3 = arith.constant 640 : i32
    %mul3A_4 = arith.muli %arg1, %mul3A_3 : i32
    %mul3A_5 = arith.constant 640 : i32
    %mul3A_6 = arith.muli %arg1, %mul3A_5 : i32
    "tpu.region"() ({
      %run_scoped3A = tpu.sem_alloc : memref<!tpu.dma_semaphore, #tpu.memory_space<semaphore_mem>>
      %dma_start3A = arith.constant 0 : i32
      %dma_start3A_20 = tpu.memref_slice %arg14[%mul3A_6, %dma_start3A] : memref<10240x64xf32, #tpu.memory_space<vmem_shared>> -> memref<640x64xf32, #tpu.memory_space<vmem_shared>>
      %dma_start3A_21 = arith.constant 0 : i32
      %dma_start3A_22 = tpu.memref_slice %arg2[%mul3A_4, %dma_start3A_21] : memref<10240x64xf32, #tpu.memory_space<hbm>> -> memref<640x64xf32, #tpu.memory_space<hbm>>
      tpu.enqueue_dma source(%dma_start3A_22 : memref<640x64xf32, #tpu.memory_space<hbm>>) target(%dma_start3A_20 : memref<640x64xf32, #tpu.memory_space<vmem_shared>>) target_semaphore(%run_scoped3A : memref<!tpu.dma_semaphore, #tpu.memory_space<semaphore_mem>>)
      %dma_wait3A = arith.constant 0 : i32
      %dma_wait3A_23 = tpu.memref_slice %arg14[%mul3A_6, %dma_wait3A] : memref<10240x64xf32, #tpu.memory_space<vmem_shared>> -> memref<640x64xf32, #tpu.memory_space<vmem_shared>>
      %dma_wait3A_24 = arith.constant 0 : i32
      %dma_wait3A_25 = tpu.memref_slice %arg2[%mul3A_4, %dma_wait3A_24] : memref<10240x64xf32, #tpu.memory_space<hbm>> -> memref<640x64xf32, #tpu.memory_space<hbm>>
      tpu.wait_dma2 semaphore(%run_scoped3A : memref<!tpu.dma_semaphore, #tpu.memory_space<semaphore_mem>>) src(%dma_wait3A_25 : memref<640x64xf32, #tpu.memory_space<hbm>>) dst(%dma_wait3A_23 : memref<640x64xf32, #tpu.memory_space<vmem_shared>>)
      tpu.yield
    }) : () -> ()
    %barrier3A = arith.constant 0 : index
    tpu.barrier barrier_id(%barrier3A)
    %scan3A = arith.constant 0 : i32
    %scan3A_7 = arith.constant 0 : i32
    %scan3A_8 = arith.constant 79 : i32
    %scan3A_9 = arith.addi %scan3A_7, %scan3A_8 : i32
    %scan3A_10 = arith.constant 1 : i32
    scf.for %scan3A_20 = %scan3A_7 to %scan3A_9 step %scan3A_10  : i32 {
      %dma_start3A = arith.constant 0 : i32
      %dma_start3A_21 = tpu.memref_slice %arg8[%scan3A_20, %dma_start3A] : memref<79x128xi32, #tpu.memory_space<vmem>> -> memref<1x128xi32, #tpu.memory_space<vmem>>
      %dma_start3A_22 = tpu.memref_squeeze %dma_start3A_21 : memref<1x128xi32, #tpu.memory_space<vmem>> -> memref<128xi32, #tpu.memory_space<vmem>>
      %dma_start3A_23 = arith.constant 0 : i32
      %dma_start3A_24 = arith.constant 0 : i32
      %dma_start3A_25 = tpu.memref_slice %arg14[%dma_start3A_23, %dma_start3A_24] : memref<10240x64xf32, #tpu.memory_space<vmem_shared>> -> memref<10240x64xf32, #tpu.memory_space<vmem_shared>>
      tpu.enqueue_indirect_dma source(%dma_start3A_25 : memref<10240x64xf32, #tpu.memory_space<vmem_shared>>) target(%arg11 : memref<128x64xf32, #tpu.memory_space<vmem>>) offsets(%dma_start3A_22 : memref<128xi32, #tpu.memory_space<vmem>>) semaphore(%arg15 : memref<!tpu.dma_semaphore, #tpu.memory_space<semaphore_mem>>)
      %dma_wait3A = arith.constant 0 : i32
      %dma_wait3A_26 = tpu.memref_slice %arg8[%scan3A_20, %dma_wait3A] : memref<79x128xi32, #tpu.memory_space<vmem>> -> memref<1x128xi32, #tpu.memory_space<vmem>>
      %dma_wait3A_27 = tpu.memref_squeeze %dma_wait3A_26 : memref<1x128xi32, #tpu.memory_space<vmem>> -> memref<128xi32, #tpu.memory_space<vmem>>
      %dma_wait3A_28 = arith.constant 0 : i32
      %dma_wait3A_29 = arith.constant 0 : i32
      %dma_wait3A_30 = tpu.memref_slice %arg14[%dma_wait3A_28, %dma_wait3A_29] : memref<10240x64xf32, #tpu.memory_space<vmem_shared>> -> memref<10240x64xf32, #tpu.memory_space<vmem_shared>>
      tpu.wait_indirect_dma semaphore(%arg15 : memref<!tpu.dma_semaphore, #tpu.memory_space<semaphore_mem>>) src(%dma_wait3A_30 : memref<10240x64xf32, #tpu.memory_space<vmem_shared>>) dst(%arg11 : memref<128x64xf32, #tpu.memory_space<vmem>>)
      %scan3A_31 = arith.constant 0 : i32
      %scan3A_32 = arith.constant 0 : i32
      %scan3A_33 = arith.constant 8 : i32
      %scan3A_34 = arith.addi %scan3A_32, %scan3A_33 : i32
      %scan3A_35 = arith.constant 1 : i32
      scf.for %scan3A_105 = %scan3A_32 to %scan3A_34 step %scan3A_35  : i32 {
        %mul3A_106 = arith.constant 16 : i32
        %mul3A_107 = arith.muli %scan3A_105, %mul3A_106 : i32
        %get3A_108 = arith.index_cast %scan3A_20 : i32 to index
        %get3A_109 = arith.index_cast %mul3A_107 : i32 to index
        %get3A_110 = tpu.vector_load %arg10[%get3A_108, %get3A_109] {strides = array<i32>} : memref<79x128xf32, #tpu.memory_space<vmem>>, vector<1x16xf32>,
        %get3A_111 = vector.shape_cast %get3A_110 : vector<1x16xf32> to vector<16xf32>
        %broadcast_in_dim3A = arith.constant 0 : i32
        %broadcast_in_dim3A_112 = vector.broadcast %broadcast_in_dim3A : i32 to vector<16x1xi32>
        %gather3A = vector.shape_cast %broadcast_in_dim3A_112 : vector<16x1xi32> to vector<16xi32>
        %gather3A_113 = tpu.dynamic_gather %get3A_111[%gather3A] in [0] : vector<16xf32>, vector<16xi32> -> vector<16xf32>
        %mul3A_114 = arith.constant 16 : i32
        %mul3A_115 = arith.muli %scan3A_105, %mul3A_114 : i32
        %add3A_116 = arith.constant 0 : i32
        %add3A_117 = arith.addi %mul3A_115, %add3A_116 : i32
        %get3A_118 = arith.index_cast %add3A_117 : i32 to index
        %get3A_119 = arith.constant 0 : index
        %get3A_120 = tpu.vector_load %arg11[%get3A_118, %get3A_119] {strides = array<i32>} : memref<128x64xf32, #tpu.memory_space<vmem>>, vector<1x16xf32>,
        %get3A_121 = vector.shape_cast %get3A_120 : vector<1x16xf32> to vector<16xf32>
        %mul3A_122 = arith.mulf %get3A_121, %gather3A_113 : vector<16xf32>
        %swap3A_123 = arith.index_cast %add3A_117 : i32 to index
        %swap3A_124 = arith.constant 0 : index
        %swap3A_125 = tpu.vector_load %arg11[%swap3A_123, %swap3A_124] {strides = array<i32>} : memref<128x64xf32, #tpu.memory_space<vmem>>, vector<1x16xf32>,
        %swap3A_126 = vector.shape_cast %swap3A_125 : vector<1x16xf32> to vector<16xf32>
        %swap3A_127 = vector.shape_cast %mul3A_122 : vector<16xf32> to vector<1x16xf32>
        tpu.vector_store %arg11[%swap3A_123, %swap3A_124], %swap3A_127 {strides = array<i32>} : memref<128x64xf32, #tpu.memory_space<vmem>>, vector<1x16xf32>,
        %get3A_128 = arith.index_cast %add3A_117 : i32 to index
        %get3A_129 = arith.constant 16 : index
        %get3A_130 = tpu.vector_load %arg11[%get3A_128, %get3A_129] {strides = array<i32>} : memref<128x64xf32, #tpu.memory_space<vmem>>, vector<1x16xf32>,
        %get3A_131 = vector.shape_cast %get3A_130 : vector<1x16xf32> to vector<16xf32>
        %mul3A_132 = arith.mulf %get3A_131, %gather3A_113 : vector<16xf32>
        %swap3A_133 = arith.index_cast %add3A_117 : i32 to index
        %swap3A_134 = arith.constant 16 : index
        %swap3A_135 = tpu.vector_load %arg11[%swap3A_133, %swap3A_134] {strides = array<i32>} : memref<128x64xf32, #tpu.memory_space<vmem>>, vector<1x16xf32>,
        %swap3A_136 = vector.shape_cast %swap3A_135 : vector<1x16xf32> to vector<16xf32>
        %swap3A_137 = vector.shape_cast %mul3A_132 : vector<16xf32> to vector<1x16xf32>
        tpu.vector_store %arg11[%swap3A_133, %swap3A_134], %swap3A_137 {strides = array<i32>} : memref<128x64xf32, #tpu.memory_space<vmem>>, vector<1x16xf32>,
        %get3A_138 = arith.index_cast %add3A_117 : i32 to index
        %get3A_139 = arith.constant 32 : index
        %get3A_140 = tpu.vector_load %arg11[%get3A_138, %get3A_139] {strides = array<i32>} : memref<128x64xf32, #tpu.memory_space<vmem>>, vector<1x16xf32>,
        %get3A_141 = vector.shape_cast %get3A_140 : vector<1x16xf32> to vector<16xf32>
        %mul3A_142 = arith.mulf %get3A_141, %gather3A_113 : vector<16xf32>
        %swap3A_143 = arith.index_cast %add3A_117 : i32 to index
        %swap3A_144 = arith.constant 32 : index
        %swap3A_145 = tpu.vector_load %arg11[%swap3A_143, %swap3A_144] {strides = array<i32>} : memref<128x64xf32, #tpu.memory_space<vmem>>, vector<1x16xf32>,
        %swap3A_146 = vector.shape_cast %swap3A_145 : vector<1x16xf32> to vector<16xf32>
        %swap3A_147 = vector.shape_cast %mul3A_142 : vector<16xf32> to vector<1x16xf32>
        tpu.vector_store %arg11[%swap3A_143, %swap3A_144], %swap3A_147 {strides = array<i32>} : memref<128x64xf32, #tpu.memory_space<vmem>>, vector<1x16xf32>,
        %get3A_148 = arith.index_cast %add3A_117 : i32 to index
        %get3A_149 = arith.constant 48 : index
        %get3A_150 = tpu.vector_load %arg11[%get3A_148, %get3A_149] {strides = array<i32>} : memref<128x64xf32, #tpu.memory_space<vmem>>, vector<1x16xf32>,
        %get3A_151 = vector.shape_cast %get3A_150 : vector<1x16xf32> to vector<16xf32>
        %mul3A_152 = arith.mulf %get3A_151, %gather3A_113 : vector<16xf32>
        %swap3A_153 = arith.index_cast %add3A_117 : i32 to index
        %swap3A_154 = arith.constant 48 : index
        %swap3A_155 = tpu.vector_load %arg11[%swap3A_153, %swap3A_154] {strides = array<i32>} : memref<128x64xf32, #tpu.memory_space<vmem>>, vector<1x16xf32>,
        %swap3A_156 = vector.shape_cast %swap3A_155 : vector<1x16xf32> to vector<16xf32>
        %swap3A_157 = vector.shape_cast %mul3A_152 : vector<16xf32> to vector<1x16xf32>
        tpu.vector_store %arg11[%swap3A_153, %swap3A_154], %swap3A_157 {strides = array<i32>} : memref<128x64xf32, #tpu.memory_space<vmem>>, vector<1x16xf32>,
        %broadcast_in_dim3A_158 = arith.constant 1 : i32
        %broadcast_in_dim3A_159 = vector.broadcast %broadcast_in_dim3A_158 : i32 to vector<16x1xi32>
        %gather3A_160 = vector.shape_cast %broadcast_in_dim3A_159 : vector<16x1xi32> to vector<16xi32>
        %gather3A_161 = tpu.dynamic_gather %get3A_111[%gather3A_160] in [0] : vector<16xf32>, vector<16xi32> -> vector<16xf32>
        %mul3A_162 = arith.constant 16 : i32
        %mul3A_163 = arith.muli %scan3A_105, %mul3A_162 : i32
        %add3A_164 = arith.constant 1 : i32
        %add3A_165 = arith.addi %mul3A_163, %add3A_164 : i32
        %get3A_166 = arith.index_cast %add3A_165 : i32 to index
        %get3A_167 = arith.constant 0 : index
        %get3A_168 = tpu.vector_load %arg11[%get3A_166, %get3A_167] {strides = array<i32>} : memref<128x64xf32, #tpu.memory_space<vmem>>, vector<1x16xf32>,
        %get3A_169 = vector.shape_cast %get3A_168 : vector<1x16xf32> to vector<16xf32>
        %mul3A_170 = arith.mulf %get3A_169, %gather3A_161 : vector<16xf32>
        %swap3A_171 = arith.index_cast %add3A_165 : i32 to index
        %swap3A_172 = arith.constant 0 : index
        %swap3A_173 = tpu.vector_load %arg11[%swap3A_171, %swap3A_172] {strides = array<i32>} : memref<128x64xf32, #tpu.memory_space<vmem>>, vector<1x16xf32>,
        %swap3A_174 = vector.shape_cast %swap3A_173 : vector<1x16xf32> to vector<16xf32>
        %swap3A_175 = vector.shape_cast %mul3A_170 : vector<16xf32> to vector<1x16xf32>
        tpu.vector_store %arg11[%swap3A_171, %swap3A_172], %swap3A_175 {strides = array<i32>} : memref<128x64xf32, #tpu.memory_space<vmem>>, vector<1x16xf32>,
        %get3A_176 = arith.index_cast %add3A_165 : i32 to index
        %get3A_177 = arith.constant 16 : index
        %get3A_178 = tpu.vector_load %arg11[%get3A_176, %get3A_177] {strides = array<i32>} : memref<128x64xf32, #tpu.memory_space<vmem>>, vector<1x16xf32>,
        %get3A_179 = vector.shape_cast %get3A_178 : vector<1x16xf32> to vector<16xf32>
        %mul3A_180 = arith.mulf %get3A_179, %gather3A_161 : vector<16xf32>
        %swap3A_181 = arith.index_cast %add3A_165 : i32 to index
        %swap3A_182 = arith.constant 16 : index
        %swap3A_183 = tpu.vector_load %arg11[%swap3A_181, %swap3A_182] {strides = array<i32>} : memref<128x64xf32, #tpu.memory_space<vmem>>, vector<1x16xf32>,
        %swap3A_184 = vector.shape_cast %swap3A_183 : vector<1x16xf32> to vector<16xf32>
        %swap3A_185 = vector.shape_cast %mul3A_180 : vector<16xf32> to vector<1x16xf32>
        tpu.vector_store %arg11[%swap3A_181, %swap3A_182], %swap3A_185 {strides = array<i32>} : memref<128x64xf32, #tpu.memory_space<vmem>>, vector<1x16xf32>,
        %get3A_186 = arith.index_cast %add3A_165 : i32 to index
        %get3A_187 = arith.constant 32 : index
        %get3A_188 = tpu.vector_load %arg11[%get3A_186, %get3A_187] {strides = array<i32>} : memref<128x64xf32, #tpu.memory_space<vmem>>, vector<1x16xf32>,
        %get3A_189 = vector.shape_cast %get3A_188 : vector<1x16xf32> to vector<16xf32>
        %mul3A_190 = arith.mulf %get3A_189, %gather3A_161 : vector<16xf32>
        %swap3A_191 = arith.index_cast %add3A_165 : i32 to index
        %swap3A_192 = arith.constant 32 : index
        %swap3A_193 = tpu.vector_load %arg11[%swap3A_191, %swap3A_192] {strides = array<i32>} : memref<128x64xf32, #tpu.memory_space<vmem>>, vector<1x16xf32>,
        %swap3A_194 = vector.shape_cast %swap3A_193 : vector<1x16xf32> to vector<16xf32>
        %swap3A_195 = vector.shape_cast %mul3A_190 : vector<16xf32> to vector<1x16xf32>
        tpu.vector_store %arg11[%swap3A_191, %swap3A_192], %swap3A_195 {strides = array<i32>} : memref<128x64xf32, #tpu.memory_space<vmem>>, vector<1x16xf32>,
        %get3A_196 = arith.index_cast %add3A_165 : i32 to index
        %get3A_197 = arith.constant 48 : index
        %get3A_198 = tpu.vector_load %arg11[%get3A_196, %get3A_197] {strides = array<i32>} : memref<128x64xf32, #tpu.memory_space<vmem>>, vector<1x16xf32>,
        %get3A_199 = vector.shape_cast %get3A_198 : vector<1x16xf32> to vector<16xf32>
        %mul3A_200 = arith.mulf %get3A_199, %gather3A_161 : vector<16xf32>
        %swap3A_201 = arith.index_cast %add3A_165 : i32 to index
        %swap3A_202 = arith.constant 48 : index
        %swap3A_203 = tpu.vector_load %arg11[%swap3A_201, %swap3A_202] {strides = array<i32>} : memref<128x64xf32, #tpu.memory_space<vmem>>, vector<1x16xf32>,
        %swap3A_204 = vector.shape_cast %swap3A_203 : vector<1x16xf32> to vector<16xf32>
        %swap3A_205 = vector.shape_cast %mul3A_200 : vector<16xf32> to vector<1x16xf32>
        tpu.vector_store %arg11[%swap3A_201, %swap3A_202], %swap3A_205 {strides = array<i32>} : memref<128x64xf32, #tpu.memory_space<vmem>>, vector<1x16xf32>,
        %broadcast_in_dim3A_206 = arith.constant 2 : i32
        %broadcast_in_dim3A_207 = vector.broadcast %broadcast_in_dim3A_206 : i32 to vector<16x1xi32>
        %gather3A_208 = vector.shape_cast %broadcast_in_dim3A_207 : vector<16x1xi32> to vector<16xi32>
        %gather3A_209 = tpu.dynamic_gather %get3A_111[%gather3A_208] in [0] : vector<16xf32>, vector<16xi32> -> vector<16xf32>
        %mul3A_210 = arith.constant 16 : i32
        %mul3A_211 = arith.muli %scan3A_105, %mul3A_210 : i32
        %add3A_212 = arith.constant 2 : i32
        %add3A_213 = arith.addi %mul3A_211, %add3A_212 : i32
        %get3A_214 = arith.index_cast %add3A_213 : i32 to index
        %get3A_215 = arith.constant 0 : index
        %get3A_216 = tpu.vector_load %arg11[%get3A_214, %get3A_215] {strides = array<i32>} : memref<128x64xf32, #tpu.memory_space<vmem>>, vector<1x16xf32>,
        %get3A_217 = vector.shape_cast %get3A_216 : vector<1x16xf32> to vector<16xf32>
        %mul3A_218 = arith.mulf %get3A_217, %gather3A_209 : vector<16xf32>
        %swap3A_219 = arith.index_cast %add3A_213 : i32 to index
        %swap3A_220 = arith.constant 0 : index
        %swap3A_221 = tpu.vector_load %arg11[%swap3A_219, %swap3A_220] {strides = array<i32>} : memref<128x64xf32, #tpu.memory_space<vmem>>, vector<1x16xf32>,
        %swap3A_222 = vector.shape_cast %swap3A_221 : vector<1x16xf32> to vector<16xf32>
        %swap3A_223 = vector.shape_cast %mul3A_218 : vector<16xf32> to vector<1x16xf32>
        tpu.vector_store %arg11[%swap3A_219, %swap3A_220], %swap3A_223 {strides = array<i32>} : memref<128x64xf32, #tpu.memory_space<vmem>>, vector<1x16xf32>,
        %get3A_224 = arith.index_cast %add3A_213 : i32 to index
        %get3A_225 = arith.constant 16 : index
        %get3A_226 = tpu.vector_load %arg11[%get3A_224, %get3A_225] {strides = array<i32>} : memref<128x64xf32, #tpu.memory_space<vmem>>, vector<1x16xf32>,
        %get3A_227 = vector.shape_cast %get3A_226 : vector<1x16xf32> to vector<16xf32>
        %mul3A_228 = arith.mulf %get3A_227, %gather3A_209 : vector<16xf32>
        %swap3A_229 = arith.index_cast %add3A_213 : i32 to index
        %swap3A_230 = arith.constant 16 : index
        %swap3A_231 = tpu.vector_load %arg11[%swap3A_229, %swap3A_230] {strides = array<i32>} : memref<128x64xf32, #tpu.memory_space<vmem>>, vector<1x16xf32>,
        %swap3A_232 = vector.shape_cast %swap3A_231 : vector<1x16xf32> to vector<16xf32>
        %swap3A_233 = vector.shape_cast %mul3A_228 : vector<16xf32> to vector<1x16xf32>
        tpu.vector_store %arg11[%swap3A_229, %swap3A_230], %swap3A_233 {strides = array<i32>} : memref<128x64xf32, #tpu.memory_space<vmem>>, vector<1x16xf32>,
        %get3A_234 = arith.index_cast %add3A_213 : i32 to index
        %get3A_235 = arith.constant 32 : index
        %get3A_236 = tpu.vector_load %arg11[%get3A_234, %get3A_235] {strides = array<i32>} : memref<128x64xf32, #tpu.memory_space<vmem>>, vector<1x16xf32>,
        %get3A_237 = vector.shape_cast %get3A_236 : vector<1x16xf32> to vector<16xf32>
        %mul3A_238 = arith.mulf %get3A_237, %gather3A_209 : vector<16xf32>
        %swap3A_239 = arith.index_cast %add3A_213 : i32 to index
        %swap3A_240 = arith.constant 32 : index
        %swap3A_241 = tpu.vector_load %arg11[%swap3A_239, %swap3A_240] {strides = array<i32>} : memref<128x64xf32, #tpu.memory_space<vmem>>, vector<1x16xf32>,
        %swap3A_242 = vector.shape_cast %swap3A_241 : vector<1x16xf32> to vector<16xf32>
        %swap3A_243 = vector.shape_cast %mul3A_238 : vector<16xf32> to vector<1x16xf32>
        tpu.vector_store %arg11[%swap3A_239, %swap3A_240], %swap3A_243 {strides = array<i32>} : memref<128x64xf32, #tpu.memory_space<vmem>>, vector<1x16xf32>,
        %get3A_244 = arith.index_cast %add3A_213 : i32 to index
        %get3A_245 = arith.constant 48 : index
        %get3A_246 = tpu.vector_load %arg11[%get3A_244, %get3A_245] {strides = array<i32>} : memref<128x64xf32, #tpu.memory_space<vmem>>, vector<1x16xf32>,
        %get3A_247 = vector.shape_cast %get3A_246 : vector<1x16xf32> to vector<16xf32>
        %mul3A_248 = arith.mulf %get3A_247, %gather3A_209 : vector<16xf32>
        %swap3A_249 = arith.index_cast %add3A_213 : i32 to index
        %swap3A_250 = arith.constant 48 : index
        %swap3A_251 = tpu.vector_load %arg11[%swap3A_249, %swap3A_250] {strides = array<i32>} : memref<128x64xf32, #tpu.memory_space<vmem>>, vector<1x16xf32>,
        %swap3A_252 = vector.shape_cast %swap3A_251 : vector<1x16xf32> to vector<16xf32>
        %swap3A_253 = vector.shape_cast %mul3A_248 : vector<16xf32> to vector<1x16xf32>
        tpu.vector_store %arg11[%swap3A_249, %swap3A_250], %swap3A_253 {strides = array<i32>} : memref<128x64xf32, #tpu.memory_space<vmem>>, vector<1x16xf32>,
        %broadcast_in_dim3A_254 = arith.constant 3 : i32
        %broadcast_in_dim3A_255 = vector.broadcast %broadcast_in_dim3A_254 : i32 to vector<16x1xi32>
        %gather3A_256 = vector.shape_cast %broadcast_in_dim3A_255 : vector<16x1xi32> to vector<16xi32>
        %gather3A_257 = tpu.dynamic_gather %get3A_111[%gather3A_256] in [0] : vector<16xf32>, vector<16xi32> -> vector<16xf32>
        %mul3A_258 = arith.constant 16 : i32
        %mul3A_259 = arith.muli %scan3A_105, %mul3A_258 : i32
        %add3A_260 = arith.constant 3 : i32
        %add3A_261 = arith.addi %mul3A_259, %add3A_260 : i32
        %get3A_262 = arith.index_cast %add3A_261 : i32 to index
        %get3A_263 = arith.constant 0 : index
        %get3A_264 = tpu.vector_load %arg11[%get3A_262, %get3A_263] {strides = array<i32>} : memref<128x64xf32, #tpu.memory_space<vmem>>, vector<1x16xf32>,
        %get3A_265 = vector.shape_cast %get3A_264 : vector<1x16xf32> to vector<16xf32>
        %mul3A_266 = arith.mulf %get3A_265, %gather3A_257 : vector<16xf32>
        %swap3A_267 = arith.index_cast %add3A_261 : i32 to index
        %swap3A_268 = arith.constant 0 : index
        %swap3A_269 = tpu.vector_load %arg11[%swap3A_267, %swap3A_268] {strides = array<i32>} : memref<128x64xf32, #tpu.memory_space<vmem>>, vector<1x16xf32>,
        %swap3A_270 = vector.shape_cast %swap3A_269 : vector<1x16xf32> to vector<16xf32>
        %swap3A_271 = vector.shape_cast %mul3A_266 : vector<16xf32> to vector<1x16xf32>
        tpu.vector_store %arg11[%swap3A_267, %swap3A_268], %swap3A_271 {strides = array<i32>} : memref<128x64xf32, #tpu.memory_space<vmem>>, vector<1x16xf32>,
        %get3A_272 = arith.index_cast %add3A_261 : i32 to index
        %get3A_273 = arith.constant 16 : index
        %get3A_274 = tpu.vector_load %arg11[%get3A_272, %get3A_273] {strides = array<i32>} : memref<128x64xf32, #tpu.memory_space<vmem>>, vector<1x16xf32>,
        %get3A_275 = vector.shape_cast %get3A_274 : vector<1x16xf32> to vector<16xf32>
        %mul3A_276 = arith.mulf %get3A_275, %gather3A_257 : vector<16xf32>
        %swap3A_277 = arith.index_cast %add3A_261 : i32 to index
        %swap3A_278 = arith.constant 16 : index
        %swap3A_279 = tpu.vector_load %arg11[%swap3A_277, %swap3A_278] {strides = array<i32>} : memref<128x64xf32, #tpu.memory_space<vmem>>, vector<1x16xf32>,
        %swap3A_280 = vector.shape_cast %swap3A_279 : vector<1x16xf32> to vector<16xf32>
        %swap3A_281 = vector.shape_cast %mul3A_276 : vector<16xf32> to vector<1x16xf32>
        tpu.vector_store %arg11[%swap3A_277, %swap3A_278], %swap3A_281 {strides = array<i32>} : memref<128x64xf32, #tpu.memory_space<vmem>>, vector<1x16xf32>,
        %get3A_282 = arith.index_cast %add3A_261 : i32 to index
        %get3A_283 = arith.constant 32 : index
        %get3A_284 = tpu.vector_load %arg11[%get3A_282, %get3A_283] {strides = array<i32>} : memref<128x64xf32, #tpu.memory_space<vmem>>, vector<1x16xf32>,
        %get3A_285 = vector.shape_cast %get3A_284 : vector<1x16xf32> to vector<16xf32>
        %mul3A_286 = arith.mulf %get3A_285, %gather3A_257 : vector<16xf32>
        %swap3A_287 = arith.index_cast %add3A_261 : i32 to index
        %swap3A_288 = arith.constant 32 : index
        %swap3A_289 = tpu.vector_load %arg11[%swap3A_287, %swap3A_288] {strides = array<i32>} : memref<128x64xf32, #tpu.memory_space<vmem>>, vector<1x16xf32>,
        %swap3A_290 = vector.shape_cast %swap3A_289 : vector<1x16xf32> to vector<16xf32>
        %swap3A_291 = vector.shape_cast %mul3A_286 : vector<16xf32> to vector<1x16xf32>
        tpu.vector_store %arg11[%swap3A_287, %swap3A_288], %swap3A_291 {strides = array<i32>} : memref<128x64xf32, #tpu.memory_space<vmem>>, vector<1x16xf32>,
        %get3A_292 = arith.index_cast %add3A_261 : i32 to index
        %get3A_293 = arith.constant 48 : index
        %get3A_294 = tpu.vector_load %arg11[%get3A_292, %get3A_293] {strides = array<i32>} : memref<128x64xf32, #tpu.memory_space<vmem>>, vector<1x16xf32>,
        %get3A_295 = vector.shape_cast %get3A_294 : vector<1x16xf32> to vector<16xf32>
        %mul3A_296 = arith.mulf %get3A_295, %gather3A_257 : vector<16xf32>
        %swap3A_297 = arith.index_cast %add3A_261 : i32 to index
        %swap3A_298 = arith.constant 48 : index
        %swap3A_299 = tpu.vector_load %arg11[%swap3A_297, %swap3A_298] {strides = array<i32>} : memref<128x64xf32, #tpu.memory_space<vmem>>, vector<1x16xf32>,
        %swap3A_300 = vector.shape_cast %swap3A_299 : vector<1x16xf32> to vector<16xf32>
        %swap3A_301 = vector.shape_cast %mul3A_296 : vector<16xf32> to vector<1x16xf32>
        tpu.vector_store %arg11[%swap3A_297, %swap3A_298], %swap3A_301 {strides = array<i32>} : memref<128x64xf32, #tpu.memory_space<vmem>>, vector<1x16xf32>,
        %broadcast_in_dim3A_302 = arith.constant 4 : i32
        %broadcast_in_dim3A_303 = vector.broadcast %broadcast_in_dim3A_302 : i32 to vector<16x1xi32>
        %gather3A_304 = vector.shape_cast %broadcast_in_dim3A_303 : vector<16x1xi32> to vector<16xi32>
        %gather3A_305 = tpu.dynamic_gather %get3A_111[%gather3A_304] in [0] : vector<16xf32>, vector<16xi32> -> vector<16xf32>
        %mul3A_306 = arith.constant 16 : i32
        %mul3A_307 = arith.muli %scan3A_105, %mul3A_306 : i32
        %add3A_308 = arith.constant 4 : i32
        %add3A_309 = arith.addi %mul3A_307, %add3A_308 : i32
        %get3A_310 = arith.index_cast %add3A_309 : i32 to index
        %get3A_311 = arith.constant 0 : index
        %get3A_312 = tpu.vector_load %arg11[%get3A_310, %get3A_311] {strides = array<i32>} : memref<128x64xf32, #tpu.memory_space<vmem>>, vector<1x16xf32>,
        %get3A_313 = vector.shape_cast %get3A_312 : vector<1x16xf32> to vector<16xf32>
        %mul3A_314 = arith.mulf %get3A_313, %gather3A_305 : vector<16xf32>
        %swap3A_315 = arith.index_cast %add3A_309 : i32 to index
        %swap3A_316 = arith.constant 0 : index
        %swap3A_317 = tpu.vector_load %arg11[%swap3A_315, %swap3A_316] {strides = array<i32>} : memref<128x64xf32, #tpu.memory_space<vmem>>, vector<1x16xf32>,
        %swap3A_318 = vector.shape_cast %swap3A_317 : vector<1x16xf32> to vector<16xf32>
        %swap3A_319 = vector.shape_cast %mul3A_314 : vector<16xf32> to vector<1x16xf32>
        tpu.vector_store %arg11[%swap3A_315, %swap3A_316], %swap3A_319 {strides = array<i32>} : memref<128x64xf32, #tpu.memory_space<vmem>>, vector<1x16xf32>,
        %get3A_320 = arith.index_cast %add3A_309 : i32 to index
        %get3A_321 = arith.constant 16 : index
        %get3A_322 = tpu.vector_load %arg11[%get3A_320, %get3A_321] {strides = array<i32>} : memref<128x64xf32, #tpu.memory_space<vmem>>, vector<1x16xf32>,
        %get3A_323 = vector.shape_cast %get3A_322 : vector<1x16xf32> to vector<16xf32>
        %mul3A_324 = arith.mulf %get3A_323, %gather3A_305 : vector<16xf32>
        %swap3A_325 = arith.index_cast %add3A_309 : i32 to index
        %swap3A_326 = arith.constant 16 : index
        %swap3A_327 = tpu.vector_load %arg11[%swap3A_325, %swap3A_326] {strides = array<i32>} : memref<128x64xf32, #tpu.memory_space<vmem>>, vector<1x16xf32>,
        %swap3A_328 = vector.shape_cast %swap3A_327 : vector<1x16xf32> to vector<16xf32>
        %swap3A_329 = vector.shape_cast %mul3A_324 : vector<16xf32> to vector<1x16xf32>
        tpu.vector_store %arg11[%swap3A_325, %swap3A_326], %swap3A_329 {strides = array<i32>} : memref<128x64xf32, #tpu.memory_space<vmem>>, vector<1x16xf32>,
        %get3A_330 = arith.index_cast %add3A_309 : i32 to index
        %get3A_331 = arith.constant 32 : index
        %get3A_332 = tpu.vector_load %arg11[%get3A_330, %get3A_331] {strides = array<i32>} : memref<128x64xf32, #tpu.memory_space<vmem>>, vector<1x16xf32>,
        %get3A_333 = vector.shape_cast %get3A_332 : vector<1x16xf32> to vector<16xf32>
        %mul3A_334 = arith.mulf %get3A_333, %gather3A_305 : vector<16xf32>
        %swap3A_335 = arith.index_cast %add3A_309 : i32 to index
        %swap3A_336 = arith.constant 32 : index
        %swap3A_337 = tpu.vector_load %arg11[%swap3A_335, %swap3A_336] {strides = array<i32>} : memref<128x64xf32, #tpu.memory_space<vmem>>, vector<1x16xf32>,
        %swap3A_338 = vector.shape_cast %swap3A_337 : vector<1x16xf32> to vector<16xf32>
        %swap3A_339 = vector.shape_cast %mul3A_334 : vector<16xf32> to vector<1x16xf32>
        tpu.vector_store %arg11[%swap3A_335, %swap3A_336], %swap3A_339 {strides = array<i32>} : memref<128x64xf32, #tpu.memory_space<vmem>>, vector<1x16xf32>,
        %get3A_340 = arith.index_cast %add3A_309 : i32 to index
        %get3A_341 = arith.constant 48 : index
        %get3A_342 = tpu.vector_load %arg11[%get3A_340, %get3A_341] {strides = array<i32>} : memref<128x64xf32, #tpu.memory_space<vmem>>, vector<1x16xf32>,
        %get3A_343 = vector.shape_cast %get3A_342 : vector<1x16xf32> to vector<16xf32>
        %mul3A_344 = arith.mulf %get3A_343, %gather3A_305 : vector<16xf32>
        %swap3A_345 = arith.index_cast %add3A_309 : i32 to index
        %swap3A_346 = arith.constant 48 : index
        %swap3A_347 = tpu.vector_load %arg11[%swap3A_345, %swap3A_346] {strides = array<i32>} : memref<128x64xf32, #tpu.memory_space<vmem>>, vector<1x16xf32>,
        %swap3A_348 = vector.shape_cast %swap3A_347 : vector<1x16xf32> to vector<16xf32>
        %swap3A_349 = vector.shape_cast %mul3A_344 : vector<16xf32> to vector<1x16xf32>
        tpu.vector_store %arg11[%swap3A_345, %swap3A_346], %swap3A_349 {strides = array<i32>} : memref<128x64xf32, #tpu.memory_space<vmem>>, vector<1x16xf32>,
        %broadcast_in_dim3A_350 = arith.constant 5 : i32
        %broadcast_in_dim3A_351 = vector.broadcast %broadcast_in_dim3A_350 : i32 to vector<16x1xi32>
        %gather3A_352 = vector.shape_cast %broadcast_in_dim3A_351 : vector<16x1xi32> to vector<16xi32>
        %gather3A_353 = tpu.dynamic_gather %get3A_111[%gather3A_352] in [0] : vector<16xf32>, vector<16xi32> -> vector<16xf32>
        %mul3A_354 = arith.constant 16 : i32
        %mul3A_355 = arith.muli %scan3A_105, %mul3A_354 : i32
        %add3A_356 = arith.constant 5 : i32
        %add3A_357 = arith.addi %mul3A_355, %add3A_356 : i32
        %get3A_358 = arith.index_cast %add3A_357 : i32 to index
        %get3A_359 = arith.constant 0 : index
        %get3A_360 = tpu.vector_load %arg11[%get3A_358, %get3A_359] {strides = array<i32>} : memref<128x64xf32, #tpu.memory_space<vmem>>, vector<1x16xf32>,
        %get3A_361 = vector.shape_cast %get3A_360 : vector<1x16xf32> to vector<16xf32>
        %mul3A_362 = arith.mulf %get3A_361, %gather3A_353 : vector<16xf32>
        %swap3A_363 = arith.index_cast %add3A_357 : i32 to index
        %swap3A_364 = arith.constant 0 : index
        %swap3A_365 = tpu.vector_load %arg11[%swap3A_363, %swap3A_364] {strides = array<i32>} : memref<128x64xf32, #tpu.memory_space<vmem>>, vector<1x16xf32>,
        %swap3A_366 = vector.shape_cast %swap3A_365 : vector<1x16xf32> to vector<16xf32>
        %swap3A_367 = vector.shape_cast %mul3A_362 : vector<16xf32> to vector<1x16xf32>
        tpu.vector_store %arg11[%swap3A_363, %swap3A_364], %swap3A_367 {strides = array<i32>} : memref<128x64xf32, #tpu.memory_space<vmem>>, vector<1x16xf32>,
        %get3A_368 = arith.index_cast %add3A_357 : i32 to index
        %get3A_369 = arith.constant 16 : index
        %get3A_370 = tpu.vector_load %arg11[%get3A_368, %get3A_369] {strides = array<i32>} : memref<128x64xf32, #tpu.memory_space<vmem>>, vector<1x16xf32>,
        %get3A_371 = vector.shape_cast %get3A_370 : vector<1x16xf32> to vector<16xf32>
        %mul3A_372 = arith.mulf %get3A_371, %gather3A_353 : vector<16xf32>
        %swap3A_373 = arith.index_cast %add3A_357 : i32 to index
        %swap3A_374 = arith.constant 16 : index
        %swap3A_375 = tpu.vector_load %arg11[%swap3A_373, %swap3A_374] {strides = array<i32>} : memref<128x64xf32, #tpu.memory_space<vmem>>, vector<1x16xf32>,
        %swap3A_376 = vector.shape_cast %swap3A_375 : vector<1x16xf32> to vector<16xf32>
        %swap3A_377 = vector.shape_cast %mul3A_372 : vector<16xf32> to vector<1x16xf32>
        tpu.vector_store %arg11[%swap3A_373, %swap3A_374], %swap3A_377 {strides = array<i32>} : memref<128x64xf32, #tpu.memory_space<vmem>>, vector<1x16xf32>,
        %get3A_378 = arith.index_cast %add3A_357 : i32 to index
        %get3A_379 = arith.constant 32 : index
        %get3A_380 = tpu.vector_load %arg11[%get3A_378, %get3A_379] {strides = array<i32>} : memref<128x64xf32, #tpu.memory_space<vmem>>, vector<1x16xf32>,
        %get3A_381 = vector.shape_cast %get3A_380 : vector<1x16xf32> to vector<16xf32>
        %mul3A_382 = arith.mulf %get3A_381, %gather3A_353 : vector<16xf32>
        %swap3A_383 = arith.index_cast %add3A_357 : i32 to index
        %swap3A_384 = arith.constant 32 : index
        %swap3A_385 = tpu.vector_load %arg11[%swap3A_383, %swap3A_384] {strides = array<i32>} : memref<128x64xf32, #tpu.memory_space<vmem>>, vector<1x16xf32>,
        %swap3A_386 = vector.shape_cast %swap3A_385 : vector<1x16xf32> to vector<16xf32>
        %swap3A_387 = vector.shape_cast %mul3A_382 : vector<16xf32> to vector<1x16xf32>
        tpu.vector_store %arg11[%swap3A_383, %swap3A_384], %swap3A_387 {strides = array<i32>} : memref<128x64xf32, #tpu.memory_space<vmem>>, vector<1x16xf32>,
        %get3A_388 = arith.index_cast %add3A_357 : i32 to index
        %get3A_389 = arith.constant 48 : index
        %get3A_390 = tpu.vector_load %arg11[%get3A_388, %get3A_389] {strides = array<i32>} : memref<128x64xf32, #tpu.memory_space<vmem>>, vector<1x16xf32>,
        %get3A_391 = vector.shape_cast %get3A_390 : vector<1x16xf32> to vector<16xf32>
        %mul3A_392 = arith.mulf %get3A_391, %gather3A_353 : vector<16xf32>
        %swap3A_393 = arith.index_cast %add3A_357 : i32 to index
        %swap3A_394 = arith.constant 48 : index
        %swap3A_395 = tpu.vector_load %arg11[%swap3A_393, %swap3A_394] {strides = array<i32>} : memref<128x64xf32, #tpu.memory_space<vmem>>, vector<1x16xf32>,
        %swap3A_396 = vector.shape_cast %swap3A_395 : vector<1x16xf32> to vector<16xf32>
        %swap3A_397 = vector.shape_cast %mul3A_392 : vector<16xf32> to vector<1x16xf32>
        tpu.vector_store %arg11[%swap3A_393, %swap3A_394], %swap3A_397 {strides = array<i32>} : memref<128x64xf32, #tpu.memory_space<vmem>>, vector<1x16xf32>,
        %broadcast_in_dim3A_398 = arith.constant 6 : i32
        %broadcast_in_dim3A_399 = vector.broadcast %broadcast_in_dim3A_398 : i32 to vector<16x1xi32>
        %gather3A_400 = vector.shape_cast %broadcast_in_dim3A_399 : vector<16x1xi32> to vector<16xi32>
        %gather3A_401 = tpu.dynamic_gather %get3A_111[%gather3A_400] in [0] : vector<16xf32>, vector<16xi32> -> vector<16xf32>
        %mul3A_402 = arith.constant 16 : i32
        %mul3A_403 = arith.muli %scan3A_105, %mul3A_402 : i32
        %add3A_404 = arith.constant 6 : i32
        %add3A_405 = arith.addi %mul3A_403, %add3A_404 : i32
        %get3A_406 = arith.index_cast %add3A_405 : i32 to index
        %get3A_407 = arith.constant 0 : index
        %get3A_408 = tpu.vector_load %arg11[%get3A_406, %get3A_407] {strides = array<i32>} : memref<128x64xf32, #tpu.memory_space<vmem>>, vector<1x16xf32>,
        %get3A_409 = vector.shape_cast %get3A_408 : vector<1x16xf32> to vector<16xf32>
        %mul3A_410 = arith.mulf %get3A_409, %gather3A_401 : vector<16xf32>
        %swap3A_411 = arith.index_cast %add3A_405 : i32 to index
        %swap3A_412 = arith.constant 0 : index
        %swap3A_413 = tpu.vector_load %arg11[%swap3A_411, %swap3A_412] {strides = array<i32>} : memref<128x64xf32, #tpu.memory_space<vmem>>, vector<1x16xf32>,
        %swap3A_414 = vector.shape_cast %swap3A_413 : vector<1x16xf32> to vector<16xf32>
        %swap3A_415 = vector.shape_cast %mul3A_410 : vector<16xf32> to vector<1x16xf32>
        tpu.vector_store %arg11[%swap3A_411, %swap3A_412], %swap3A_415 {strides = array<i32>} : memref<128x64xf32, #tpu.memory_space<vmem>>, vector<1x16xf32>,
        %get3A_416 = arith.index_cast %add3A_405 : i32 to index
        %get3A_417 = arith.constant 16 : index
        %get3A_418 = tpu.vector_load %arg11[%get3A_416, %get3A_417] {strides = array<i32>} : memref<128x64xf32, #tpu.memory_space<vmem>>, vector<1x16xf32>,
        %get3A_419 = vector.shape_cast %get3A_418 : vector<1x16xf32> to vector<16xf32>
        %mul3A_420 = arith.mulf %get3A_419, %gather3A_401 : vector<16xf32>
        %swap3A_421 = arith.index_cast %add3A_405 : i32 to index
        %swap3A_422 = arith.constant 16 : index
        %swap3A_423 = tpu.vector_load %arg11[%swap3A_421, %swap3A_422] {strides = array<i32>} : memref<128x64xf32, #tpu.memory_space<vmem>>, vector<1x16xf32>,
        %swap3A_424 = vector.shape_cast %swap3A_423 : vector<1x16xf32> to vector<16xf32>
        %swap3A_425 = vector.shape_cast %mul3A_420 : vector<16xf32> to vector<1x16xf32>
        tpu.vector_store %arg11[%swap3A_421, %swap3A_422], %swap3A_425 {strides = array<i32>} : memref<128x64xf32, #tpu.memory_space<vmem>>, vector<1x16xf32>,
        %get3A_426 = arith.index_cast %add3A_405 : i32 to index
        %get3A_427 = arith.constant 32 : index
        %get3A_428 = tpu.vector_load %arg11[%get3A_426, %get3A_427] {strides = array<i32>} : memref<128x64xf32, #tpu.memory_space<vmem>>, vector<1x16xf32>,
        %get3A_429 = vector.shape_cast %get3A_428 : vector<1x16xf32> to vector<16xf32>
        %mul3A_430 = arith.mulf %get3A_429, %gather3A_401 : vector<16xf32>
        %swap3A_431 = arith.index_cast %add3A_405 : i32 to index
        %swap3A_432 = arith.constant 32 : index
        %swap3A_433 = tpu.vector_load %arg11[%swap3A_431, %swap3A_432] {strides = array<i32>} : memref<128x64xf32, #tpu.memory_space<vmem>>, vector<1x16xf32>,
        %swap3A_434 = vector.shape_cast %swap3A_433 : vector<1x16xf32> to vector<16xf32>
        %swap3A_435 = vector.shape_cast %mul3A_430 : vector<16xf32> to vector<1x16xf32>
        tpu.vector_store %arg11[%swap3A_431, %swap3A_432], %swap3A_435 {strides = array<i32>} : memref<128x64xf32, #tpu.memory_space<vmem>>, vector<1x16xf32>,
        %get3A_436 = arith.index_cast %add3A_405 : i32 to index
        %get3A_437 = arith.constant 48 : index
        %get3A_438 = tpu.vector_load %arg11[%get3A_436, %get3A_437] {strides = array<i32>} : memref<128x64xf32, #tpu.memory_space<vmem>>, vector<1x16xf32>,
        %get3A_439 = vector.shape_cast %get3A_438 : vector<1x16xf32> to vector<16xf32>
        %mul3A_440 = arith.mulf %get3A_439, %gather3A_401 : vector<16xf32>
        %swap3A_441 = arith.index_cast %add3A_405 : i32 to index
        %swap3A_442 = arith.constant 48 : index
        %swap3A_443 = tpu.vector_load %arg11[%swap3A_441, %swap3A_442] {strides = array<i32>} : memref<128x64xf32, #tpu.memory_space<vmem>>, vector<1x16xf32>,
        %swap3A_444 = vector.shape_cast %swap3A_443 : vector<1x16xf32> to vector<16xf32>
        %swap3A_445 = vector.shape_cast %mul3A_440 : vector<16xf32> to vector<1x16xf32>
        tpu.vector_store %arg11[%swap3A_441, %swap3A_442], %swap3A_445 {strides = array<i32>} : memref<128x64xf32, #tpu.memory_space<vmem>>, vector<1x16xf32>,
        %broadcast_in_dim3A_446 = arith.constant 7 : i32
        %broadcast_in_dim3A_447 = vector.broadcast %broadcast_in_dim3A_446 : i32 to vector<16x1xi32>
        %gather3A_448 = vector.shape_cast %broadcast_in_dim3A_447 : vector<16x1xi32> to vector<16xi32>
        %gather3A_449 = tpu.dynamic_gather %get3A_111[%gather3A_448] in [0] : vector<16xf32>, vector<16xi32> -> vector<16xf32>
        %mul3A_450 = arith.constant 16 : i32
        %mul3A_451 = arith.muli %scan3A_105, %mul3A_450 : i32
        %add3A_452 = arith.constant 7 : i32
        %add3A_453 = arith.addi %mul3A_451, %add3A_452 : i32
        %get3A_454 = arith.index_cast %add3A_453 : i32 to index
        %get3A_455 = arith.constant 0 : index
        %get3A_456 = tpu.vector_load %arg11[%get3A_454, %get3A_455] {strides = array<i32>} : memref<128x64xf32, #tpu.memory_space<vmem>>, vector<1x16xf32>,
        %get3A_457 = vector.shape_cast %get3A_456 : vector<1x16xf32> to vector<16xf32>
        %mul3A_458 = arith.mulf %get3A_457, %gather3A_449 : vector<16xf32>
        %swap3A_459 = arith.index_cast %add3A_453 : i32 to index
        %swap3A_460 = arith.constant 0 : index
        %swap3A_461 = tpu.vector_load %arg11[%swap3A_459, %swap3A_460] {strides = array<i32>} : memref<128x64xf32, #tpu.memory_space<vmem>>, vector<1x16xf32>,
        %swap3A_462 = vector.shape_cast %swap3A_461 : vector<1x16xf32> to vector<16xf32>
        %swap3A_463 = vector.shape_cast %mul3A_458 : vector<16xf32> to vector<1x16xf32>
        tpu.vector_store %arg11[%swap3A_459, %swap3A_460], %swap3A_463 {strides = array<i32>} : memref<128x64xf32, #tpu.memory_space<vmem>>, vector<1x16xf32>,
        %get3A_464 = arith.index_cast %add3A_453 : i32 to index
        %get3A_465 = arith.constant 16 : index
        %get3A_466 = tpu.vector_load %arg11[%get3A_464, %get3A_465] {strides = array<i32>} : memref<128x64xf32, #tpu.memory_space<vmem>>, vector<1x16xf32>,
        %get3A_467 = vector.shape_cast %get3A_466 : vector<1x16xf32> to vector<16xf32>
        %mul3A_468 = arith.mulf %get3A_467, %gather3A_449 : vector<16xf32>
        %swap3A_469 = arith.index_cast %add3A_453 : i32 to index
        %swap3A_470 = arith.constant 16 : index
        %swap3A_471 = tpu.vector_load %arg11[%swap3A_469, %swap3A_470] {strides = array<i32>} : memref<128x64xf32, #tpu.memory_space<vmem>>, vector<1x16xf32>,
        %swap3A_472 = vector.shape_cast %swap3A_471 : vector<1x16xf32> to vector<16xf32>
        %swap3A_473 = vector.shape_cast %mul3A_468 : vector<16xf32> to vector<1x16xf32>
        tpu.vector_store %arg11[%swap3A_469, %swap3A_470], %swap3A_473 {strides = array<i32>} : memref<128x64xf32, #tpu.memory_space<vmem>>, vector<1x16xf32>,
        %get3A_474 = arith.index_cast %add3A_453 : i32 to index
        %get3A_475 = arith.constant 32 : index
        %get3A_476 = tpu.vector_load %arg11[%get3A_474, %get3A_475] {strides = array<i32>} : memref<128x64xf32, #tpu.memory_space<vmem>>, vector<1x16xf32>,
        %get3A_477 = vector.shape_cast %get3A_476 : vector<1x16xf32> to vector<16xf32>
        %mul3A_478 = arith.mulf %get3A_477, %gather3A_449 : vector<16xf32>
        %swap3A_479 = arith.index_cast %add3A_453 : i32 to index
        %swap3A_480 = arith.constant 32 : index
        %swap3A_481 = tpu.vector_load %arg11[%swap3A_479, %swap3A_480] {strides = array<i32>} : memref<128x64xf32, #tpu.memory_space<vmem>>, vector<1x16xf32>,
        %swap3A_482 = vector.shape_cast %swap3A_481 : vector<1x16xf32> to vector<16xf32>
        %swap3A_483 = vector.shape_cast %mul3A_478 : vector<16xf32> to vector<1x16xf32>
        tpu.vector_store %arg11[%swap3A_479, %swap3A_480], %swap3A_483 {strides = array<i32>} : memref<128x64xf32, #tpu.memory_space<vmem>>, vector<1x16xf32>,
        %get3A_484 = arith.index_cast %add3A_453 : i32 to index
        %get3A_485 = arith.constant 48 : index
        %get3A_486 = tpu.vector_load %arg11[%get3A_484, %get3A_485] {strides = array<i32>} : memref<128x64xf32, #tpu.memory_space<vmem>>, vector<1x16xf32>,
        %get3A_487 = vector.shape_cast %get3A_486 : vector<1x16xf32> to vector<16xf32>
        %mul3A_488 = arith.mulf %get3A_487, %gather3A_449 : vector<16xf32>
        %swap3A_489 = arith.index_cast %add3A_453 : i32 to index
        %swap3A_490 = arith.constant 48 : index
        %swap3A_491 = tpu.vector_load %arg11[%swap3A_489, %swap3A_490] {strides = array<i32>} : memref<128x64xf32, #tpu.memory_space<vmem>>, vector<1x16xf32>,
        %swap3A_492 = vector.shape_cast %swap3A_491 : vector<1x16xf32> to vector<16xf32>
        %swap3A_493 = vector.shape_cast %mul3A_488 : vector<16xf32> to vector<1x16xf32>
        tpu.vector_store %arg11[%swap3A_489, %swap3A_490], %swap3A_493 {strides = array<i32>} : memref<128x64xf32, #tpu.memory_space<vmem>>, vector<1x16xf32>,
        %broadcast_in_dim3A_494 = arith.constant 8 : i32
        %broadcast_in_dim3A_495 = vector.broadcast %broadcast_in_dim3A_494 : i32 to vector<16x1xi32>
        %gather3A_496 = vector.shape_cast %broadcast_in_dim3A_495 : vector<16x1xi32> to vector<16xi32>
        %gather3A_497 = tpu.dynamic_gather %get3A_111[%gather3A_496] in [0] : vector<16xf32>, vector<16xi32> -> vector<16xf32>
        %mul3A_498 = arith.constant 16 : i32
        %mul3A_499 = arith.muli %scan3A_105, %mul3A_498 : i32
        %add3A_500 = arith.constant 8 : i32
        %add3A_501 = arith.addi %mul3A_499, %add3A_500 : i32
        %get3A_502 = arith.index_cast %add3A_501 : i32 to index
        %get3A_503 = arith.constant 0 : index
        %get3A_504 = tpu.vector_load %arg11[%get3A_502, %get3A_503] {strides = array<i32>} : memref<128x64xf32, #tpu.memory_space<vmem>>, vector<1x16xf32>,
        %get3A_505 = vector.shape_cast %get3A_504 : vector<1x16xf32> to vector<16xf32>
        %mul3A_506 = arith.mulf %get3A_505, %gather3A_497 : vector<16xf32>
        %swap3A_507 = arith.index_cast %add3A_501 : i32 to index
        %swap3A_508 = arith.constant 0 : index
        %swap3A_509 = tpu.vector_load %arg11[%swap3A_507, %swap3A_508] {strides = array<i32>} : memref<128x64xf32, #tpu.memory_space<vmem>>, vector<1x16xf32>,
        %swap3A_510 = vector.shape_cast %swap3A_509 : vector<1x16xf32> to vector<16xf32>
        %swap3A_511 = vector.shape_cast %mul3A_506 : vector<16xf32> to vector<1x16xf32>
        tpu.vector_store %arg11[%swap3A_507, %swap3A_508], %swap3A_511 {strides = array<i32>} : memref<128x64xf32, #tpu.memory_space<vmem>>, vector<1x16xf32>,
        %get3A_512 = arith.index_cast %add3A_501 : i32 to index
        %get3A_513 = arith.constant 16 : index
        %get3A_514 = tpu.vector_load %arg11[%get3A_512, %get3A_513] {strides = array<i32>} : memref<128x64xf32, #tpu.memory_space<vmem>>, vector<1x16xf32>,
        %get3A_515 = vector.shape_cast %get3A_514 : vector<1x16xf32> to vector<16xf32>
        %mul3A_516 = arith.mulf %get3A_515, %gather3A_497 : vector<16xf32>
        %swap3A_517 = arith.index_cast %add3A_501 : i32 to index
        %swap3A_518 = arith.constant 16 : index
        %swap3A_519 = tpu.vector_load %arg11[%swap3A_517, %swap3A_518] {strides = array<i32>} : memref<128x64xf32, #tpu.memory_space<vmem>>, vector<1x16xf32>,
        %swap3A_520 = vector.shape_cast %swap3A_519 : vector<1x16xf32> to vector<16xf32>
        %swap3A_521 = vector.shape_cast %mul3A_516 : vector<16xf32> to vector<1x16xf32>
        tpu.vector_store %arg11[%swap3A_517, %swap3A_518], %swap3A_521 {strides = array<i32>} : memref<128x64xf32, #tpu.memory_space<vmem>>, vector<1x16xf32>,
        %get3A_522 = arith.index_cast %add3A_501 : i32 to index
        %get3A_523 = arith.constant 32 : index
        %get3A_524 = tpu.vector_load %arg11[%get3A_522, %get3A_523] {strides = array<i32>} : memref<128x64xf32, #tpu.memory_space<vmem>>, vector<1x16xf32>,
        %get3A_525 = vector.shape_cast %get3A_524 : vector<1x16xf32> to vector<16xf32>
        %mul3A_526 = arith.mulf %get3A_525, %gather3A_497 : vector<16xf32>
        %swap3A_527 = arith.index_cast %add3A_501 : i32 to index
        %swap3A_528 = arith.constant 32 : index
        %swap3A_529 = tpu.vector_load %arg11[%swap3A_527, %swap3A_528] {strides = array<i32>} : memref<128x64xf32, #tpu.memory_space<vmem>>, vector<1x16xf32>,
        %swap3A_530 = vector.shape_cast %swap3A_529 : vector<1x16xf32> to vector<16xf32>
        %swap3A_531 = vector.shape_cast %mul3A_526 : vector<16xf32> to vector<1x16xf32>
        tpu.vector_store %arg11[%swap3A_527, %swap3A_528], %swap3A_531 {strides = array<i32>} : memref<128x64xf32, #tpu.memory_space<vmem>>, vector<1x16xf32>,
        %get3A_532 = arith.index_cast %add3A_501 : i32 to index
        %get3A_533 = arith.constant 48 : index
        %get3A_534 = tpu.vector_load %arg11[%get3A_532, %get3A_533] {strides = array<i32>} : memref<128x64xf32, #tpu.memory_space<vmem>>, vector<1x16xf32>,
        %get3A_535 = vector.shape_cast %get3A_534 : vector<1x16xf32> to vector<16xf32>
        %mul3A_536 = arith.mulf %get3A_535, %gather3A_497 : vector<16xf32>
        %swap3A_537 = arith.index_cast %add3A_501 : i32 to index
        %swap3A_538 = arith.constant 48 : index
        %swap3A_539 = tpu.vector_load %arg11[%swap3A_537, %swap3A_538] {strides = array<i32>} : memref<128x64xf32, #tpu.memory_space<vmem>>, vector<1x16xf32>,
        %swap3A_540 = vector.shape_cast %swap3A_539 : vector<1x16xf32> to vector<16xf32>
        %swap3A_541 = vector.shape_cast %mul3A_536 : vector<16xf32> to vector<1x16xf32>
        tpu.vector_store %arg11[%swap3A_537, %swap3A_538], %swap3A_541 {strides = array<i32>} : memref<128x64xf32, #tpu.memory_space<vmem>>, vector<1x16xf32>,
        %broadcast_in_dim3A_542 = arith.constant 9 : i32
        %broadcast_in_dim3A_543 = vector.broadcast %broadcast_in_dim3A_542 : i32 to vector<16x1xi32>
        %gather3A_544 = vector.shape_cast %broadcast_in_dim3A_543 : vector<16x1xi32> to vector<16xi32>
        %gather3A_545 = tpu.dynamic_gather %get3A_111[%gather3A_544] in [0] : vector<16xf32>, vector<16xi32> -> vector<16xf32>
        %mul3A_546 = arith.constant 16 : i32
        %mul3A_547 = arith.muli %scan3A_105, %mul3A_546 : i32
        %add3A_548 = arith.constant 9 : i32
        %add3A_549 = arith.addi %mul3A_547, %add3A_548 : i32
        %get3A_550 = arith.index_cast %add3A_549 : i32 to index
        %get3A_551 = arith.constant 0 : index
        %get3A_552 = tpu.vector_load %arg11[%get3A_550, %get3A_551] {strides = array<i32>} : memref<128x64xf32, #tpu.memory_space<vmem>>, vector<1x16xf32>,
        %get3A_553 = vector.shape_cast %get3A_552 : vector<1x16xf32> to vector<16xf32>
        %mul3A_554 = arith.mulf %get3A_553, %gather3A_545 : vector<16xf32>
        %swap3A_555 = arith.index_cast %add3A_549 : i32 to index
        %swap3A_556 = arith.constant 0 : index
        %swap3A_557 = tpu.vector_load %arg11[%swap3A_555, %swap3A_556] {strides = array<i32>} : memref<128x64xf32, #tpu.memory_space<vmem>>, vector<1x16xf32>,
        %swap3A_558 = vector.shape_cast %swap3A_557 : vector<1x16xf32> to vector<16xf32>
        %swap3A_559 = vector.shape_cast %mul3A_554 : vector<16xf32> to vector<1x16xf32>
        tpu.vector_store %arg11[%swap3A_555, %swap3A_556], %swap3A_559 {strides = array<i32>} : memref<128x64xf32, #tpu.memory_space<vmem>>, vector<1x16xf32>,
        %get3A_560 = arith.index_cast %add3A_549 : i32 to index
        %get3A_561 = arith.constant 16 : index
        %get3A_562 = tpu.vector_load %arg11[%get3A_560, %get3A_561] {strides = array<i32>} : memref<128x64xf32, #tpu.memory_space<vmem>>, vector<1x16xf32>,
        %get3A_563 = vector.shape_cast %get3A_562 : vector<1x16xf32> to vector<16xf32>
        %mul3A_564 = arith.mulf %get3A_563, %gather3A_545 : vector<16xf32>
        %swap3A_565 = arith.index_cast %add3A_549 : i32 to index
        %swap3A_566 = arith.constant 16 : index
        %swap3A_567 = tpu.vector_load %arg11[%swap3A_565, %swap3A_566] {strides = array<i32>} : memref<128x64xf32, #tpu.memory_space<vmem>>, vector<1x16xf32>,
        %swap3A_568 = vector.shape_cast %swap3A_567 : vector<1x16xf32> to vector<16xf32>
        %swap3A_569 = vector.shape_cast %mul3A_564 : vector<16xf32> to vector<1x16xf32>
        tpu.vector_store %arg11[%swap3A_565, %swap3A_566], %swap3A_569 {strides = array<i32>} : memref<128x64xf32, #tpu.memory_space<vmem>>, vector<1x16xf32>,
        %get3A_570 = arith.index_cast %add3A_549 : i32 to index
        %get3A_571 = arith.constant 32 : index
        %get3A_572 = tpu.vector_load %arg11[%get3A_570, %get3A_571] {strides = array<i32>} : memref<128x64xf32, #tpu.memory_space<vmem>>, vector<1x16xf32>,
        %get3A_573 = vector.shape_cast %get3A_572 : vector<1x16xf32> to vector<16xf32>
        %mul3A_574 = arith.mulf %get3A_573, %gather3A_545 : vector<16xf32>
        %swap3A_575 = arith.index_cast %add3A_549 : i32 to index
        %swap3A_576 = arith.constant 32 : index
        %swap3A_577 = tpu.vector_load %arg11[%swap3A_575, %swap3A_576] {strides = array<i32>} : memref<128x64xf32, #tpu.memory_space<vmem>>, vector<1x16xf32>,
        %swap3A_578 = vector.shape_cast %swap3A_577 : vector<1x16xf32> to vector<16xf32>
        %swap3A_579 = vector.shape_cast %mul3A_574 : vector<16xf32> to vector<1x16xf32>
        tpu.vector_store %arg11[%swap3A_575, %swap3A_576], %swap3A_579 {strides = array<i32>} : memref<128x64xf32, #tpu.memory_space<vmem>>, vector<1x16xf32>,
        %get3A_580 = arith.index_cast %add3A_549 : i32 to index
        %get3A_581 = arith.constant 48 : index
        %get3A_582 = tpu.vector_load %arg11[%get3A_580, %get3A_581] {strides = array<i32>} : memref<128x64xf32, #tpu.memory_space<vmem>>, vector<1x16xf32>,
        %get3A_583 = vector.shape_cast %get3A_582 : vector<1x16xf32> to vector<16xf32>
        %mul3A_584 = arith.mulf %get3A_583, %gather3A_545 : vector<16xf32>
        %swap3A_585 = arith.index_cast %add3A_549 : i32 to index
        %swap3A_586 = arith.constant 48 : index
        %swap3A_587 = tpu.vector_load %arg11[%swap3A_585, %swap3A_586] {strides = array<i32>} : memref<128x64xf32, #tpu.memory_space<vmem>>, vector<1x16xf32>,
        %swap3A_588 = vector.shape_cast %swap3A_587 : vector<1x16xf32> to vector<16xf32>
        %swap3A_589 = vector.shape_cast %mul3A_584 : vector<16xf32> to vector<1x16xf32>
        tpu.vector_store %arg11[%swap3A_585, %swap3A_586], %swap3A_589 {strides = array<i32>} : memref<128x64xf32, #tpu.memory_space<vmem>>, vector<1x16xf32>,
        %broadcast_in_dim3A_590 = arith.constant 10 : i32
        %broadcast_in_dim3A_591 = vector.broadcast %broadcast_in_dim3A_590 : i32 to vector<16x1xi32>
        %gather3A_592 = vector.shape_cast %broadcast_in_dim3A_591 : vector<16x1xi32> to vector<16xi32>
        %gather3A_593 = tpu.dynamic_gather %get3A_111[%gather3A_592] in [0] : vector<16xf32>, vector<16xi32> -> vector<16xf32>
        %mul3A_594 = arith.constant 16 : i32
        %mul3A_595 = arith.muli %scan3A_105, %mul3A_594 : i32
        %add3A_596 = arith.constant 10 : i32
        %add3A_597 = arith.addi %mul3A_595, %add3A_596 : i32
        %get3A_598 = arith.index_cast %add3A_597 : i32 to index
        %get3A_599 = arith.constant 0 : index
        %get3A_600 = tpu.vector_load %arg11[%get3A_598, %get3A_599] {strides = array<i32>} : memref<128x64xf32, #tpu.memory_space<vmem>>, vector<1x16xf32>,
        %get3A_601 = vector.shape_cast %get3A_600 : vector<1x16xf32> to vector<16xf32>
        %mul3A_602 = arith.mulf %get3A_601, %gather3A_593 : vector<16xf32>
        %swap3A_603 = arith.index_cast %add3A_597 : i32 to index
        %swap3A_604 = arith.constant 0 : index
        %swap3A_605 = tpu.vector_load %arg11[%swap3A_603, %swap3A_604] {strides = array<i32>} : memref<128x64xf32, #tpu.memory_space<vmem>>, vector<1x16xf32>,
        %swap3A_606 = vector.shape_cast %swap3A_605 : vector<1x16xf32> to vector<16xf32>
        %swap3A_607 = vector.shape_cast %mul3A_602 : vector<16xf32> to vector<1x16xf32>
        tpu.vector_store %arg11[%swap3A_603, %swap3A_604], %swap3A_607 {strides = array<i32>} : memref<128x64xf32, #tpu.memory_space<vmem>>, vector<1x16xf32>,
        %get3A_608 = arith.index_cast %add3A_597 : i32 to index
        %get3A_609 = arith.constant 16 : index
        %get3A_610 = tpu.vector_load %arg11[%get3A_608, %get3A_609] {strides = array<i32>} : memref<128x64xf32, #tpu.memory_space<vmem>>, vector<1x16xf32>,
        %get3A_611 = vector.shape_cast %get3A_610 : vector<1x16xf32> to vector<16xf32>
        %mul3A_612 = arith.mulf %get3A_611, %gather3A_593 : vector<16xf32>
        %swap3A_613 = arith.index_cast %add3A_597 : i32 to index
        %swap3A_614 = arith.constant 16 : index
        %swap3A_615 = tpu.vector_load %arg11[%swap3A_613, %swap3A_614] {strides = array<i32>} : memref<128x64xf32, #tpu.memory_space<vmem>>, vector<1x16xf32>,
        %swap3A_616 = vector.shape_cast %swap3A_615 : vector<1x16xf32> to vector<16xf32>
        %swap3A_617 = vector.shape_cast %mul3A_612 : vector<16xf32> to vector<1x16xf32>
        tpu.vector_store %arg11[%swap3A_613, %swap3A_614], %swap3A_617 {strides = array<i32>} : memref<128x64xf32, #tpu.memory_space<vmem>>, vector<1x16xf32>,
        %get3A_618 = arith.index_cast %add3A_597 : i32 to index
        %get3A_619 = arith.constant 32 : index
        %get3A_620 = tpu.vector_load %arg11[%get3A_618, %get3A_619] {strides = array<i32>} : memref<128x64xf32, #tpu.memory_space<vmem>>, vector<1x16xf32>,
        %get3A_621 = vector.shape_cast %get3A_620 : vector<1x16xf32> to vector<16xf32>
        %mul3A_622 = arith.mulf %get3A_621, %gather3A_593 : vector<16xf32>
        %swap3A_623 = arith.index_cast %add3A_597 : i32 to index
        %swap3A_624 = arith.constant 32 : index
        %swap3A_625 = tpu.vector_load %arg11[%swap3A_623, %swap3A_624] {strides = array<i32>} : memref<128x64xf32, #tpu.memory_space<vmem>>, vector<1x16xf32>,
        %swap3A_626 = vector.shape_cast %swap3A_625 : vector<1x16xf32> to vector<16xf32>
        %swap3A_627 = vector.shape_cast %mul3A_622 : vector<16xf32> to vector<1x16xf32>
        tpu.vector_store %arg11[%swap3A_623, %swap3A_624], %swap3A_627 {strides = array<i32>} : memref<128x64xf32, #tpu.memory_space<vmem>>, vector<1x16xf32>,
        %get3A_628 = arith.index_cast %add3A_597 : i32 to index
        %get3A_629 = arith.constant 48 : index
        %get3A_630 = tpu.vector_load %arg11[%get3A_628, %get3A_629] {strides = array<i32>} : memref<128x64xf32, #tpu.memory_space<vmem>>, vector<1x16xf32>,
        %get3A_631 = vector.shape_cast %get3A_630 : vector<1x16xf32> to vector<16xf32>
        %mul3A_632 = arith.mulf %get3A_631, %gather3A_593 : vector<16xf32>
        %swap3A_633 = arith.index_cast %add3A_597 : i32 to index
        %swap3A_634 = arith.constant 48 : index
        %swap3A_635 = tpu.vector_load %arg11[%swap3A_633, %swap3A_634] {strides = array<i32>} : memref<128x64xf32, #tpu.memory_space<vmem>>, vector<1x16xf32>,
        %swap3A_636 = vector.shape_cast %swap3A_635 : vector<1x16xf32> to vector<16xf32>
        %swap3A_637 = vector.shape_cast %mul3A_632 : vector<16xf32> to vector<1x16xf32>
        tpu.vector_store %arg11[%swap3A_633, %swap3A_634], %swap3A_637 {strides = array<i32>} : memref<128x64xf32, #tpu.memory_space<vmem>>, vector<1x16xf32>,
        %broadcast_in_dim3A_638 = arith.constant 11 : i32
        %broadcast_in_dim3A_639 = vector.broadcast %broadcast_in_dim3A_638 : i32 to vector<16x1xi32>
        %gather3A_640 = vector.shape_cast %broadcast_in_dim3A_639 : vector<16x1xi32> to vector<16xi32>
        %gather3A_641 = tpu.dynamic_gather %get3A_111[%gather3A_640] in [0] : vector<16xf32>, vector<16xi32> -> vector<16xf32>
        %mul3A_642 = arith.constant 16 : i32
        %mul3A_643 = arith.muli %scan3A_105, %mul3A_642 : i32
        %add3A_644 = arith.constant 11 : i32
        %add3A_645 = arith.addi %mul3A_643, %add3A_644 : i32
        %get3A_646 = arith.index_cast %add3A_645 : i32 to index
        %get3A_647 = arith.constant 0 : index
        %get3A_648 = tpu.vector_load %arg11[%get3A_646, %get3A_647] {strides = array<i32>} : memref<128x64xf32, #tpu.memory_space<vmem>>, vector<1x16xf32>,
        %get3A_649 = vector.shape_cast %get3A_648 : vector<1x16xf32> to vector<16xf32>
        %mul3A_650 = arith.mulf %get3A_649, %gather3A_641 : vector<16xf32>
        %swap3A_651 = arith.index_cast %add3A_645 : i32 to index
        %swap3A_652 = arith.constant 0 : index
        %swap3A_653 = tpu.vector_load %arg11[%swap3A_651, %swap3A_652] {strides = array<i32>} : memref<128x64xf32, #tpu.memory_space<vmem>>, vector<1x16xf32>,
        %swap3A_654 = vector.shape_cast %swap3A_653 : vector<1x16xf32> to vector<16xf32>
        %swap3A_655 = vector.shape_cast %mul3A_650 : vector<16xf32> to vector<1x16xf32>
        tpu.vector_store %arg11[%swap3A_651, %swap3A_652], %swap3A_655 {strides = array<i32>} : memref<128x64xf32, #tpu.memory_space<vmem>>, vector<1x16xf32>,
        %get3A_656 = arith.index_cast %add3A_645 : i32 to index
        %get3A_657 = arith.constant 16 : index
        %get3A_658 = tpu.vector_load %arg11[%get3A_656, %get3A_657] {strides = array<i32>} : memref<128x64xf32, #tpu.memory_space<vmem>>, vector<1x16xf32>,
        %get3A_659 = vector.shape_cast %get3A_658 : vector<1x16xf32> to vector<16xf32>
        %mul3A_660 = arith.mulf %get3A_659, %gather3A_641 : vector<16xf32>
        %swap3A_661 = arith.index_cast %add3A_645 : i32 to index
        %swap3A_662 = arith.constant 16 : index
        %swap3A_663 = tpu.vector_load %arg11[%swap3A_661, %swap3A_662] {strides = array<i32>} : memref<128x64xf32, #tpu.memory_space<vmem>>, vector<1x16xf32>,
        %swap3A_664 = vector.shape_cast %swap3A_663 : vector<1x16xf32> to vector<16xf32>
        %swap3A_665 = vector.shape_cast %mul3A_660 : vector<16xf32> to vector<1x16xf32>
        tpu.vector_store %arg11[%swap3A_661, %swap3A_662], %swap3A_665 {strides = array<i32>} : memref<128x64xf32, #tpu.memory_space<vmem>>, vector<1x16xf32>,
        %get3A_666 = arith.index_cast %add3A_645 : i32 to index
        %get3A_667 = arith.constant 32 : index
        %get3A_668 = tpu.vector_load %arg11[%get3A_666, %get3A_667] {strides = array<i32>} : memref<128x64xf32, #tpu.memory_space<vmem>>, vector<1x16xf32>,
        %get3A_669 = vector.shape_cast %get3A_668 : vector<1x16xf32> to vector<16xf32>
        %mul3A_670 = arith.mulf %get3A_669, %gather3A_641 : vector<16xf32>
        %swap3A_671 = arith.index_cast %add3A_645 : i32 to index
        %swap3A_672 = arith.constant 32 : index
        %swap3A_673 = tpu.vector_load %arg11[%swap3A_671, %swap3A_672] {strides = array<i32>} : memref<128x64xf32, #tpu.memory_space<vmem>>, vector<1x16xf32>,
        %swap3A_674 = vector.shape_cast %swap3A_673 : vector<1x16xf32> to vector<16xf32>
        %swap3A_675 = vector.shape_cast %mul3A_670 : vector<16xf32> to vector<1x16xf32>
        tpu.vector_store %arg11[%swap3A_671, %swap3A_672], %swap3A_675 {strides = array<i32>} : memref<128x64xf32, #tpu.memory_space<vmem>>, vector<1x16xf32>,
        %get3A_676 = arith.index_cast %add3A_645 : i32 to index
        %get3A_677 = arith.constant 48 : index
        %get3A_678 = tpu.vector_load %arg11[%get3A_676, %get3A_677] {strides = array<i32>} : memref<128x64xf32, #tpu.memory_space<vmem>>, vector<1x16xf32>,
        %get3A_679 = vector.shape_cast %get3A_678 : vector<1x16xf32> to vector<16xf32>
        %mul3A_680 = arith.mulf %get3A_679, %gather3A_641 : vector<16xf32>
        %swap3A_681 = arith.index_cast %add3A_645 : i32 to index
        %swap3A_682 = arith.constant 48 : index
        %swap3A_683 = tpu.vector_load %arg11[%swap3A_681, %swap3A_682] {strides = array<i32>} : memref<128x64xf32, #tpu.memory_space<vmem>>, vector<1x16xf32>,
        %swap3A_684 = vector.shape_cast %swap3A_683 : vector<1x16xf32> to vector<16xf32>
        %swap3A_685 = vector.shape_cast %mul3A_680 : vector<16xf32> to vector<1x16xf32>
        tpu.vector_store %arg11[%swap3A_681, %swap3A_682], %swap3A_685 {strides = array<i32>} : memref<128x64xf32, #tpu.memory_space<vmem>>, vector<1x16xf32>,
        %broadcast_in_dim3A_686 = arith.constant 12 : i32
        %broadcast_in_dim3A_687 = vector.broadcast %broadcast_in_dim3A_686 : i32 to vector<16x1xi32>
        %gather3A_688 = vector.shape_cast %broadcast_in_dim3A_687 : vector<16x1xi32> to vector<16xi32>
        %gather3A_689 = tpu.dynamic_gather %get3A_111[%gather3A_688] in [0] : vector<16xf32>, vector<16xi32> -> vector<16xf32>
        %mul3A_690 = arith.constant 16 : i32
        %mul3A_691 = arith.muli %scan3A_105, %mul3A_690 : i32
        %add3A_692 = arith.constant 12 : i32
        %add3A_693 = arith.addi %mul3A_691, %add3A_692 : i32
        %get3A_694 = arith.index_cast %add3A_693 : i32 to index
        %get3A_695 = arith.constant 0 : index
        %get3A_696 = tpu.vector_load %arg11[%get3A_694, %get3A_695] {strides = array<i32>} : memref<128x64xf32, #tpu.memory_space<vmem>>, vector<1x16xf32>,
        %get3A_697 = vector.shape_cast %get3A_696 : vector<1x16xf32> to vector<16xf32>
        %mul3A_698 = arith.mulf %get3A_697, %gather3A_689 : vector<16xf32>
        %swap3A_699 = arith.index_cast %add3A_693 : i32 to index
        %swap3A_700 = arith.constant 0 : index
        %swap3A_701 = tpu.vector_load %arg11[%swap3A_699, %swap3A_700] {strides = array<i32>} : memref<128x64xf32, #tpu.memory_space<vmem>>, vector<1x16xf32>,
        %swap3A_702 = vector.shape_cast %swap3A_701 : vector<1x16xf32> to vector<16xf32>
        %swap3A_703 = vector.shape_cast %mul3A_698 : vector<16xf32> to vector<1x16xf32>
        tpu.vector_store %arg11[%swap3A_699, %swap3A_700], %swap3A_703 {strides = array<i32>} : memref<128x64xf32, #tpu.memory_space<vmem>>, vector<1x16xf32>,
        %get3A_704 = arith.index_cast %add3A_693 : i32 to index
        %get3A_705 = arith.constant 16 : index
        %get3A_706 = tpu.vector_load %arg11[%get3A_704, %get3A_705] {strides = array<i32>} : memref<128x64xf32, #tpu.memory_space<vmem>>, vector<1x16xf32>,
        %get3A_707 = vector.shape_cast %get3A_706 : vector<1x16xf32> to vector<16xf32>
        %mul3A_708 = arith.mulf %get3A_707, %gather3A_689 : vector<16xf32>
        %swap3A_709 = arith.index_cast %add3A_693 : i32 to index
        %swap3A_710 = arith.constant 16 : index
        %swap3A_711 = tpu.vector_load %arg11[%swap3A_709, %swap3A_710] {strides = array<i32>} : memref<128x64xf32, #tpu.memory_space<vmem>>, vector<1x16xf32>,
        %swap3A_712 = vector.shape_cast %swap3A_711 : vector<1x16xf32> to vector<16xf32>
        %swap3A_713 = vector.shape_cast %mul3A_708 : vector<16xf32> to vector<1x16xf32>
        tpu.vector_store %arg11[%swap3A_709, %swap3A_710], %swap3A_713 {strides = array<i32>} : memref<128x64xf32, #tpu.memory_space<vmem>>, vector<1x16xf32>,
        %get3A_714 = arith.index_cast %add3A_693 : i32 to index
        %get3A_715 = arith.constant 32 : index
        %get3A_716 = tpu.vector_load %arg11[%get3A_714, %get3A_715] {strides = array<i32>} : memref<128x64xf32, #tpu.memory_space<vmem>>, vector<1x16xf32>,
        %get3A_717 = vector.shape_cast %get3A_716 : vector<1x16xf32> to vector<16xf32>
        %mul3A_718 = arith.mulf %get3A_717, %gather3A_689 : vector<16xf32>
        %swap3A_719 = arith.index_cast %add3A_693 : i32 to index
        %swap3A_720 = arith.constant 32 : index
        %swap3A_721 = tpu.vector_load %arg11[%swap3A_719, %swap3A_720] {strides = array<i32>} : memref<128x64xf32, #tpu.memory_space<vmem>>, vector<1x16xf32>,
        %swap3A_722 = vector.shape_cast %swap3A_721 : vector<1x16xf32> to vector<16xf32>
        %swap3A_723 = vector.shape_cast %mul3A_718 : vector<16xf32> to vector<1x16xf32>
        tpu.vector_store %arg11[%swap3A_719, %swap3A_720], %swap3A_723 {strides = array<i32>} : memref<128x64xf32, #tpu.memory_space<vmem>>, vector<1x16xf32>,
        %get3A_724 = arith.index_cast %add3A_693 : i32 to index
        %get3A_725 = arith.constant 48 : index
        %get3A_726 = tpu.vector_load %arg11[%get3A_724, %get3A_725] {strides = array<i32>} : memref<128x64xf32, #tpu.memory_space<vmem>>, vector<1x16xf32>,
        %get3A_727 = vector.shape_cast %get3A_726 : vector<1x16xf32> to vector<16xf32>
        %mul3A_728 = arith.mulf %get3A_727, %gather3A_689 : vector<16xf32>
        %swap3A_729 = arith.index_cast %add3A_693 : i32 to index
        %swap3A_730 = arith.constant 48 : index
        %swap3A_731 = tpu.vector_load %arg11[%swap3A_729, %swap3A_730] {strides = array<i32>} : memref<128x64xf32, #tpu.memory_space<vmem>>, vector<1x16xf32>,
        %swap3A_732 = vector.shape_cast %swap3A_731 : vector<1x16xf32> to vector<16xf32>
        %swap3A_733 = vector.shape_cast %mul3A_728 : vector<16xf32> to vector<1x16xf32>
        tpu.vector_store %arg11[%swap3A_729, %swap3A_730], %swap3A_733 {strides = array<i32>} : memref<128x64xf32, #tpu.memory_space<vmem>>, vector<1x16xf32>,
        %broadcast_in_dim3A_734 = arith.constant 13 : i32
        %broadcast_in_dim3A_735 = vector.broadcast %broadcast_in_dim3A_734 : i32 to vector<16x1xi32>
        %gather3A_736 = vector.shape_cast %broadcast_in_dim3A_735 : vector<16x1xi32> to vector<16xi32>
        %gather3A_737 = tpu.dynamic_gather %get3A_111[%gather3A_736] in [0] : vector<16xf32>, vector<16xi32> -> vector<16xf32>
        %mul3A_738 = arith.constant 16 : i32
        %mul3A_739 = arith.muli %scan3A_105, %mul3A_738 : i32
        %add3A_740 = arith.constant 13 : i32
        %add3A_741 = arith.addi %mul3A_739, %add3A_740 : i32
        %get3A_742 = arith.index_cast %add3A_741 : i32 to index
        %get3A_743 = arith.constant 0 : index
        %get3A_744 = tpu.vector_load %arg11[%get3A_742, %get3A_743] {strides = array<i32>} : memref<128x64xf32, #tpu.memory_space<vmem>>, vector<1x16xf32>,
        %get3A_745 = vector.shape_cast %get3A_744 : vector<1x16xf32> to vector<16xf32>
        %mul3A_746 = arith.mulf %get3A_745, %gather3A_737 : vector<16xf32>
        %swap3A_747 = arith.index_cast %add3A_741 : i32 to index
        %swap3A_748 = arith.constant 0 : index
        %swap3A_749 = tpu.vector_load %arg11[%swap3A_747, %swap3A_748] {strides = array<i32>} : memref<128x64xf32, #tpu.memory_space<vmem>>, vector<1x16xf32>,
        %swap3A_750 = vector.shape_cast %swap3A_749 : vector<1x16xf32> to vector<16xf32>
        %swap3A_751 = vector.shape_cast %mul3A_746 : vector<16xf32> to vector<1x16xf32>
        tpu.vector_store %arg11[%swap3A_747, %swap3A_748], %swap3A_751 {strides = array<i32>} : memref<128x64xf32, #tpu.memory_space<vmem>>, vector<1x16xf32>,
        %get3A_752 = arith.index_cast %add3A_741 : i32 to index
        %get3A_753 = arith.constant 16 : index
        %get3A_754 = tpu.vector_load %arg11[%get3A_752, %get3A_753] {strides = array<i32>} : memref<128x64xf32, #tpu.memory_space<vmem>>, vector<1x16xf32>,
        %get3A_755 = vector.shape_cast %get3A_754 : vector<1x16xf32> to vector<16xf32>
        %mul3A_756 = arith.mulf %get3A_755, %gather3A_737 : vector<16xf32>
        %swap3A_757 = arith.index_cast %add3A_741 : i32 to index
        %swap3A_758 = arith.constant 16 : index
        %swap3A_759 = tpu.vector_load %arg11[%swap3A_757, %swap3A_758] {strides = array<i32>} : memref<128x64xf32, #tpu.memory_space<vmem>>, vector<1x16xf32>,
        %swap3A_760 = vector.shape_cast %swap3A_759 : vector<1x16xf32> to vector<16xf32>
        %swap3A_761 = vector.shape_cast %mul3A_756 : vector<16xf32> to vector<1x16xf32>
        tpu.vector_store %arg11[%swap3A_757, %swap3A_758], %swap3A_761 {strides = array<i32>} : memref<128x64xf32, #tpu.memory_space<vmem>>, vector<1x16xf32>,
        %get3A_762 = arith.index_cast %add3A_741 : i32 to index
        %get3A_763 = arith.constant 32 : index
        %get3A_764 = tpu.vector_load %arg11[%get3A_762, %get3A_763] {strides = array<i32>} : memref<128x64xf32, #tpu.memory_space<vmem>>, vector<1x16xf32>,
        %get3A_765 = vector.shape_cast %get3A_764 : vector<1x16xf32> to vector<16xf32>
        %mul3A_766 = arith.mulf %get3A_765, %gather3A_737 : vector<16xf32>
        %swap3A_767 = arith.index_cast %add3A_741 : i32 to index
        %swap3A_768 = arith.constant 32 : index
        %swap3A_769 = tpu.vector_load %arg11[%swap3A_767, %swap3A_768] {strides = array<i32>} : memref<128x64xf32, #tpu.memory_space<vmem>>, vector<1x16xf32>,
        %swap3A_770 = vector.shape_cast %swap3A_769 : vector<1x16xf32> to vector<16xf32>
        %swap3A_771 = vector.shape_cast %mul3A_766 : vector<16xf32> to vector<1x16xf32>
        tpu.vector_store %arg11[%swap3A_767, %swap3A_768], %swap3A_771 {strides = array<i32>} : memref<128x64xf32, #tpu.memory_space<vmem>>, vector<1x16xf32>,
        %get3A_772 = arith.index_cast %add3A_741 : i32 to index
        %get3A_773 = arith.constant 48 : index
        %get3A_774 = tpu.vector_load %arg11[%get3A_772, %get3A_773] {strides = array<i32>} : memref<128x64xf32, #tpu.memory_space<vmem>>, vector<1x16xf32>,
        %get3A_775 = vector.shape_cast %get3A_774 : vector<1x16xf32> to vector<16xf32>
        %mul3A_776 = arith.mulf %get3A_775, %gather3A_737 : vector<16xf32>
        %swap3A_777 = arith.index_cast %add3A_741 : i32 to index
        %swap3A_778 = arith.constant 48 : index
        %swap3A_779 = tpu.vector_load %arg11[%swap3A_777, %swap3A_778] {strides = array<i32>} : memref<128x64xf32, #tpu.memory_space<vmem>>, vector<1x16xf32>,
        %swap3A_780 = vector.shape_cast %swap3A_779 : vector<1x16xf32> to vector<16xf32>
        %swap3A_781 = vector.shape_cast %mul3A_776 : vector<16xf32> to vector<1x16xf32>
        tpu.vector_store %arg11[%swap3A_777, %swap3A_778], %swap3A_781 {strides = array<i32>} : memref<128x64xf32, #tpu.memory_space<vmem>>, vector<1x16xf32>,
        %broadcast_in_dim3A_782 = arith.constant 14 : i32
        %broadcast_in_dim3A_783 = vector.broadcast %broadcast_in_dim3A_782 : i32 to vector<16x1xi32>
        %gather3A_784 = vector.shape_cast %broadcast_in_dim3A_783 : vector<16x1xi32> to vector<16xi32>
        %gather3A_785 = tpu.dynamic_gather %get3A_111[%gather3A_784] in [0] : vector<16xf32>, vector<16xi32> -> vector<16xf32>
        %mul3A_786 = arith.constant 16 : i32
        %mul3A_787 = arith.muli %scan3A_105, %mul3A_786 : i32
        %add3A_788 = arith.constant 14 : i32
        %add3A_789 = arith.addi %mul3A_787, %add3A_788 : i32
        %get3A_790 = arith.index_cast %add3A_789 : i32 to index
        %get3A_791 = arith.constant 0 : index
        %get3A_792 = tpu.vector_load %arg11[%get3A_790, %get3A_791] {strides = array<i32>} : memref<128x64xf32, #tpu.memory_space<vmem>>, vector<1x16xf32>,
        %get3A_793 = vector.shape_cast %get3A_792 : vector<1x16xf32> to vector<16xf32>
        %mul3A_794 = arith.mulf %get3A_793, %gather3A_785 : vector<16xf32>
        %swap3A_795 = arith.index_cast %add3A_789 : i32 to index
        %swap3A_796 = arith.constant 0 : index
        %swap3A_797 = tpu.vector_load %arg11[%swap3A_795, %swap3A_796] {strides = array<i32>} : memref<128x64xf32, #tpu.memory_space<vmem>>, vector<1x16xf32>,
        %swap3A_798 = vector.shape_cast %swap3A_797 : vector<1x16xf32> to vector<16xf32>
        %swap3A_799 = vector.shape_cast %mul3A_794 : vector<16xf32> to vector<1x16xf32>
        tpu.vector_store %arg11[%swap3A_795, %swap3A_796], %swap3A_799 {strides = array<i32>} : memref<128x64xf32, #tpu.memory_space<vmem>>, vector<1x16xf32>,
        %get3A_800 = arith.index_cast %add3A_789 : i32 to index
        %get3A_801 = arith.constant 16 : index
        %get3A_802 = tpu.vector_load %arg11[%get3A_800, %get3A_801] {strides = array<i32>} : memref<128x64xf32, #tpu.memory_space<vmem>>, vector<1x16xf32>,
        %get3A_803 = vector.shape_cast %get3A_802 : vector<1x16xf32> to vector<16xf32>
        %mul3A_804 = arith.mulf %get3A_803, %gather3A_785 : vector<16xf32>
        %swap3A_805 = arith.index_cast %add3A_789 : i32 to index
        %swap3A_806 = arith.constant 16 : index
        %swap3A_807 = tpu.vector_load %arg11[%swap3A_805, %swap3A_806] {strides = array<i32>} : memref<128x64xf32, #tpu.memory_space<vmem>>, vector<1x16xf32>,
        %swap3A_808 = vector.shape_cast %swap3A_807 : vector<1x16xf32> to vector<16xf32>
        %swap3A_809 = vector.shape_cast %mul3A_804 : vector<16xf32> to vector<1x16xf32>
        tpu.vector_store %arg11[%swap3A_805, %swap3A_806], %swap3A_809 {strides = array<i32>} : memref<128x64xf32, #tpu.memory_space<vmem>>, vector<1x16xf32>,
        %get3A_810 = arith.index_cast %add3A_789 : i32 to index
        %get3A_811 = arith.constant 32 : index
        %get3A_812 = tpu.vector_load %arg11[%get3A_810, %get3A_811] {strides = array<i32>} : memref<128x64xf32, #tpu.memory_space<vmem>>, vector<1x16xf32>,
        %get3A_813 = vector.shape_cast %get3A_812 : vector<1x16xf32> to vector<16xf32>
        %mul3A_814 = arith.mulf %get3A_813, %gather3A_785 : vector<16xf32>
        %swap3A_815 = arith.index_cast %add3A_789 : i32 to index
        %swap3A_816 = arith.constant 32 : index
        %swap3A_817 = tpu.vector_load %arg11[%swap3A_815, %swap3A_816] {strides = array<i32>} : memref<128x64xf32, #tpu.memory_space<vmem>>, vector<1x16xf32>,
        %swap3A_818 = vector.shape_cast %swap3A_817 : vector<1x16xf32> to vector<16xf32>
        %swap3A_819 = vector.shape_cast %mul3A_814 : vector<16xf32> to vector<1x16xf32>
        tpu.vector_store %arg11[%swap3A_815, %swap3A_816], %swap3A_819 {strides = array<i32>} : memref<128x64xf32, #tpu.memory_space<vmem>>, vector<1x16xf32>,
        %get3A_820 = arith.index_cast %add3A_789 : i32 to index
        %get3A_821 = arith.constant 48 : index
        %get3A_822 = tpu.vector_load %arg11[%get3A_820, %get3A_821] {strides = array<i32>} : memref<128x64xf32, #tpu.memory_space<vmem>>, vector<1x16xf32>,
        %get3A_823 = vector.shape_cast %get3A_822 : vector<1x16xf32> to vector<16xf32>
        %mul3A_824 = arith.mulf %get3A_823, %gather3A_785 : vector<16xf32>
        %swap3A_825 = arith.index_cast %add3A_789 : i32 to index
        %swap3A_826 = arith.constant 48 : index
        %swap3A_827 = tpu.vector_load %arg11[%swap3A_825, %swap3A_826] {strides = array<i32>} : memref<128x64xf32, #tpu.memory_space<vmem>>, vector<1x16xf32>,
        %swap3A_828 = vector.shape_cast %swap3A_827 : vector<1x16xf32> to vector<16xf32>
        %swap3A_829 = vector.shape_cast %mul3A_824 : vector<16xf32> to vector<1x16xf32>
        tpu.vector_store %arg11[%swap3A_825, %swap3A_826], %swap3A_829 {strides = array<i32>} : memref<128x64xf32, #tpu.memory_space<vmem>>, vector<1x16xf32>,
        %broadcast_in_dim3A_830 = arith.constant 15 : i32
        %broadcast_in_dim3A_831 = vector.broadcast %broadcast_in_dim3A_830 : i32 to vector<16x1xi32>
        %gather3A_832 = vector.shape_cast %broadcast_in_dim3A_831 : vector<16x1xi32> to vector<16xi32>
        %gather3A_833 = tpu.dynamic_gather %get3A_111[%gather3A_832] in [0] : vector<16xf32>, vector<16xi32> -> vector<16xf32>
        %mul3A_834 = arith.constant 16 : i32
        %mul3A_835 = arith.muli %scan3A_105, %mul3A_834 : i32
        %add3A_836 = arith.constant 15 : i32
        %add3A_837 = arith.addi %mul3A_835, %add3A_836 : i32
        %get3A_838 = arith.index_cast %add3A_837 : i32 to index
        %get3A_839 = arith.constant 0 : index
        %get3A_840 = tpu.vector_load %arg11[%get3A_838, %get3A_839] {strides = array<i32>} : memref<128x64xf32, #tpu.memory_space<vmem>>, vector<1x16xf32>,
        %get3A_841 = vector.shape_cast %get3A_840 : vector<1x16xf32> to vector<16xf32>
        %mul3A_842 = arith.mulf %get3A_841, %gather3A_833 : vector<16xf32>
        %swap3A_843 = arith.index_cast %add3A_837 : i32 to index
        %swap3A_844 = arith.constant 0 : index
        %swap3A_845 = tpu.vector_load %arg11[%swap3A_843, %swap3A_844] {strides = array<i32>} : memref<128x64xf32, #tpu.memory_space<vmem>>, vector<1x16xf32>,
        %swap3A_846 = vector.shape_cast %swap3A_845 : vector<1x16xf32> to vector<16xf32>
        %swap3A_847 = vector.shape_cast %mul3A_842 : vector<16xf32> to vector<1x16xf32>
        tpu.vector_store %arg11[%swap3A_843, %swap3A_844], %swap3A_847 {strides = array<i32>} : memref<128x64xf32, #tpu.memory_space<vmem>>, vector<1x16xf32>,
        %get3A_848 = arith.index_cast %add3A_837 : i32 to index
        %get3A_849 = arith.constant 16 : index
        %get3A_850 = tpu.vector_load %arg11[%get3A_848, %get3A_849] {strides = array<i32>} : memref<128x64xf32, #tpu.memory_space<vmem>>, vector<1x16xf32>,
        %get3A_851 = vector.shape_cast %get3A_850 : vector<1x16xf32> to vector<16xf32>
        %mul3A_852 = arith.mulf %get3A_851, %gather3A_833 : vector<16xf32>
        %swap3A_853 = arith.index_cast %add3A_837 : i32 to index
        %swap3A_854 = arith.constant 16 : index
        %swap3A_855 = tpu.vector_load %arg11[%swap3A_853, %swap3A_854] {strides = array<i32>} : memref<128x64xf32, #tpu.memory_space<vmem>>, vector<1x16xf32>,
        %swap3A_856 = vector.shape_cast %swap3A_855 : vector<1x16xf32> to vector<16xf32>
        %swap3A_857 = vector.shape_cast %mul3A_852 : vector<16xf32> to vector<1x16xf32>
        tpu.vector_store %arg11[%swap3A_853, %swap3A_854], %swap3A_857 {strides = array<i32>} : memref<128x64xf32, #tpu.memory_space<vmem>>, vector<1x16xf32>,
        %get3A_858 = arith.index_cast %add3A_837 : i32 to index
        %get3A_859 = arith.constant 32 : index
        %get3A_860 = tpu.vector_load %arg11[%get3A_858, %get3A_859] {strides = array<i32>} : memref<128x64xf32, #tpu.memory_space<vmem>>, vector<1x16xf32>,
        %get3A_861 = vector.shape_cast %get3A_860 : vector<1x16xf32> to vector<16xf32>
        %mul3A_862 = arith.mulf %get3A_861, %gather3A_833 : vector<16xf32>
        %swap3A_863 = arith.index_cast %add3A_837 : i32 to index
        %swap3A_864 = arith.constant 32 : index
        %swap3A_865 = tpu.vector_load %arg11[%swap3A_863, %swap3A_864] {strides = array<i32>} : memref<128x64xf32, #tpu.memory_space<vmem>>, vector<1x16xf32>,
        %swap3A_866 = vector.shape_cast %swap3A_865 : vector<1x16xf32> to vector<16xf32>
        %swap3A_867 = vector.shape_cast %mul3A_862 : vector<16xf32> to vector<1x16xf32>
        tpu.vector_store %arg11[%swap3A_863, %swap3A_864], %swap3A_867 {strides = array<i32>} : memref<128x64xf32, #tpu.memory_space<vmem>>, vector<1x16xf32>,
        %get3A_868 = arith.index_cast %add3A_837 : i32 to index
        %get3A_869 = arith.constant 48 : index
        %get3A_870 = tpu.vector_load %arg11[%get3A_868, %get3A_869] {strides = array<i32>} : memref<128x64xf32, #tpu.memory_space<vmem>>, vector<1x16xf32>,
        %get3A_871 = vector.shape_cast %get3A_870 : vector<1x16xf32> to vector<16xf32>
        %mul3A_872 = arith.mulf %get3A_871, %gather3A_833 : vector<16xf32>
        %swap3A_873 = arith.index_cast %add3A_837 : i32 to index
        %swap3A_874 = arith.constant 48 : index
        %swap3A_875 = tpu.vector_load %arg11[%swap3A_873, %swap3A_874] {strides = array<i32>} : memref<128x64xf32, #tpu.memory_space<vmem>>, vector<1x16xf32>,
        %swap3A_876 = vector.shape_cast %swap3A_875 : vector<1x16xf32> to vector<16xf32>
        %swap3A_877 = vector.shape_cast %mul3A_872 : vector<16xf32> to vector<1x16xf32>
        tpu.vector_store %arg11[%swap3A_873, %swap3A_874], %swap3A_877 {strides = array<i32>} : memref<128x64xf32, #tpu.memory_space<vmem>>, vector<1x16xf32>,
      }
      %scan3A_36 = arith.constant 8 : i32
      %get3A = arith.index_cast %scan3A_20 : i32 to index
      %get3A_37 = arith.constant 0 : index
      %get3A_38 = tpu.vector_load %arg9[%get3A, %get3A_37] {strides = array<i32>} : memref<79x128xi32, #tpu.memory_space<vmem>>, vector<1x16xi32>,
      %get3A_39 = vector.shape_cast %get3A_38 : vector<1x16xi32> to vector<16xi32>
      %swap3A = arith.constant 0 : index
      %swap3A_40 = tpu.vector_load %arg12[%swap3A] {strides = array<i32>} : memref<128xi32, #tpu.memory_space<vmem>>, vector<16xi32>,
      %swap3A_41 = vector.shape_cast %swap3A_40 : vector<16xi32> to vector<16xi32>
      %swap3A_42 = vector.shape_cast %get3A_39 : vector<16xi32> to vector<16xi32>
      tpu.vector_store %arg12[%swap3A], %swap3A_42 {strides = array<i32>} : memref<128xi32, #tpu.memory_space<vmem>>, vector<16xi32>,
      %get3A_43 = arith.index_cast %scan3A_20 : i32 to index
      %get3A_44 = arith.constant 16 : index
      %get3A_45 = tpu.vector_load %arg9[%get3A_43, %get3A_44] {strides = array<i32>} : memref<79x128xi32, #tpu.memory_space<vmem>>, vector<1x16xi32>,
      %get3A_46 = vector.shape_cast %get3A_45 : vector<1x16xi32> to vector<16xi32>
      %swap3A_47 = arith.constant 16 : index
      %swap3A_48 = tpu.vector_load %arg12[%swap3A_47] {strides = array<i32>} : memref<128xi32, #tpu.memory_space<vmem>>, vector<16xi32>,
      %swap3A_49 = vector.shape_cast %swap3A_48 : vector<16xi32> to vector<16xi32>
      %swap3A_50 = vector.shape_cast %get3A_46 : vector<16xi32> to vector<16xi32>
      tpu.vector_store %arg12[%swap3A_47], %swap3A_50 {strides = array<i32>} : memref<128xi32, #tpu.memory_space<vmem>>, vector<16xi32>,
      %get3A_51 = arith.index_cast %scan3A_20 : i32 to index
      %get3A_52 = arith.constant 32 : index
      %get3A_53 = tpu.vector_load %arg9[%get3A_51, %get3A_52] {strides = array<i32>} : memref<79x128xi32, #tpu.memory_space<vmem>>, vector<1x16xi32>,
      %get3A_54 = vector.shape_cast %get3A_53 : vector<1x16xi32> to vector<16xi32>
      %swap3A_55 = arith.constant 32 : index
      %swap3A_56 = tpu.vector_load %arg12[%swap3A_55] {strides = array<i32>} : memref<128xi32, #tpu.memory_space<vmem>>, vector<16xi32>,
      %swap3A_57 = vector.shape_cast %swap3A_56 : vector<16xi32> to vector<16xi32>
      %swap3A_58 = vector.shape_cast %get3A_54 : vector<16xi32> to vector<16xi32>
      tpu.vector_store %arg12[%swap3A_55], %swap3A_58 {strides = array<i32>} : memref<128xi32, #tpu.memory_space<vmem>>, vector<16xi32>,
      %get3A_59 = arith.index_cast %scan3A_20 : i32 to index
      %get3A_60 = arith.constant 48 : index
      %get3A_61 = tpu.vector_load %arg9[%get3A_59, %get3A_60] {strides = array<i32>} : memref<79x128xi32, #tpu.memory_space<vmem>>, vector<1x16xi32>,
      %get3A_62 = vector.shape_cast %get3A_61 : vector<1x16xi32> to vector<16xi32>
      %swap3A_63 = arith.constant 48 : index
      %swap3A_64 = tpu.vector_load %arg12[%swap3A_63] {strides = array<i32>} : memref<128xi32, #tpu.memory_space<vmem>>, vector<16xi32>,
      %swap3A_65 = vector.shape_cast %swap3A_64 : vector<16xi32> to vector<16xi32>
      %swap3A_66 = vector.shape_cast %get3A_62 : vector<16xi32> to vector<16xi32>
      tpu.vector_store %arg12[%swap3A_63], %swap3A_66 {strides = array<i32>} : memref<128xi32, #tpu.memory_space<vmem>>, vector<16xi32>,
      %get3A_67 = arith.index_cast %scan3A_20 : i32 to index
      %get3A_68 = arith.constant 64 : index
      %get3A_69 = tpu.vector_load %arg9[%get3A_67, %get3A_68] {strides = array<i32>} : memref<79x128xi32, #tpu.memory_space<vmem>>, vector<1x16xi32>,
      %get3A_70 = vector.shape_cast %get3A_69 : vector<1x16xi32> to vector<16xi32>
      %swap3A_71 = arith.constant 64 : index
      %swap3A_72 = tpu.vector_load %arg12[%swap3A_71] {strides = array<i32>} : memref<128xi32, #tpu.memory_space<vmem>>, vector<16xi32>,
      %swap3A_73 = vector.shape_cast %swap3A_72 : vector<16xi32> to vector<16xi32>
      %swap3A_74 = vector.shape_cast %get3A_70 : vector<16xi32> to vector<16xi32>
      tpu.vector_store %arg12[%swap3A_71], %swap3A_74 {strides = array<i32>} : memref<128xi32, #tpu.memory_space<vmem>>, vector<16xi32>,
      %get3A_75 = arith.index_cast %scan3A_20 : i32 to index
      %get3A_76 = arith.constant 80 : index
      %get3A_77 = tpu.vector_load %arg9[%get3A_75, %get3A_76] {strides = array<i32>} : memref<79x128xi32, #tpu.memory_space<vmem>>, vector<1x16xi32>,
      %get3A_78 = vector.shape_cast %get3A_77 : vector<1x16xi32> to vector<16xi32>
      %swap3A_79 = arith.constant 80 : index
      %swap3A_80 = tpu.vector_load %arg12[%swap3A_79] {strides = array<i32>} : memref<128xi32, #tpu.memory_space<vmem>>, vector<16xi32>,
      %swap3A_81 = vector.shape_cast %swap3A_80 : vector<16xi32> to vector<16xi32>
      %swap3A_82 = vector.shape_cast %get3A_78 : vector<16xi32> to vector<16xi32>
      tpu.vector_store %arg12[%swap3A_79], %swap3A_82 {strides = array<i32>} : memref<128xi32, #tpu.memory_space<vmem>>, vector<16xi32>,
      %get3A_83 = arith.index_cast %scan3A_20 : i32 to index
      %get3A_84 = arith.constant 96 : index
      %get3A_85 = tpu.vector_load %arg9[%get3A_83, %get3A_84] {strides = array<i32>} : memref<79x128xi32, #tpu.memory_space<vmem>>, vector<1x16xi32>,
      %get3A_86 = vector.shape_cast %get3A_85 : vector<1x16xi32> to vector<16xi32>
      %swap3A_87 = arith.constant 96 : index
      %swap3A_88 = tpu.vector_load %arg12[%swap3A_87] {strides = array<i32>} : memref<128xi32, #tpu.memory_space<vmem>>, vector<16xi32>,
      %swap3A_89 = vector.shape_cast %swap3A_88 : vector<16xi32> to vector<16xi32>
      %swap3A_90 = vector.shape_cast %get3A_86 : vector<16xi32> to vector<16xi32>
      tpu.vector_store %arg12[%swap3A_87], %swap3A_90 {strides = array<i32>} : memref<128xi32, #tpu.memory_space<vmem>>, vector<16xi32>,
      %get3A_91 = arith.index_cast %scan3A_20 : i32 to index
      %get3A_92 = arith.constant 112 : index
      %get3A_93 = tpu.vector_load %arg9[%get3A_91, %get3A_92] {strides = array<i32>} : memref<79x128xi32, #tpu.memory_space<vmem>>, vector<1x16xi32>,
      %get3A_94 = vector.shape_cast %get3A_93 : vector<1x16xi32> to vector<16xi32>
      %swap3A_95 = arith.constant 112 : index
      %swap3A_96 = tpu.vector_load %arg12[%swap3A_95] {strides = array<i32>} : memref<128xi32, #tpu.memory_space<vmem>>, vector<16xi32>,
      %swap3A_97 = vector.shape_cast %swap3A_96 : vector<16xi32> to vector<16xi32>
      %swap3A_98 = vector.shape_cast %get3A_94 : vector<16xi32> to vector<16xi32>
      tpu.vector_store %arg12[%swap3A_95], %swap3A_98 {strides = array<i32>} : memref<128xi32, #tpu.memory_space<vmem>>, vector<16xi32>,
      %dma_start3A_99 = arith.constant 0 : i32
      %dma_start3A_100 = arith.constant 0 : i32
      %dma_start3A_101 = tpu.memref_slice %arg13[%dma_start3A_99, %dma_start3A_100] : memref<10240x64xf32, #tpu.memory_space<vmem_shared>> -> memref<10240x64xf32, #tpu.memory_space<vmem_shared>>
      tpu.enqueue_indirect_dma source(%arg11 : memref<128x64xf32, #tpu.memory_space<vmem>>) target(%dma_start3A_101 : memref<10240x64xf32, #tpu.memory_space<vmem_shared>>) offsets(%arg12 : memref<128xi32, #tpu.memory_space<vmem>>) semaphore(%arg16 : memref<!tpu.dma_semaphore, #tpu.memory_space<semaphore_mem>>) {add = true}
      %dma_wait3A_102 = arith.constant 0 : i32
      %dma_wait3A_103 = arith.constant 0 : i32
      %dma_wait3A_104 = tpu.memref_slice %arg13[%dma_wait3A_102, %dma_wait3A_103] : memref<10240x64xf32, #tpu.memory_space<vmem_shared>> -> memref<10240x64xf32, #tpu.memory_space<vmem_shared>>
      tpu.wait_indirect_dma semaphore(%arg16 : memref<!tpu.dma_semaphore, #tpu.memory_space<semaphore_mem>>) src(%arg11 : memref<128x64xf32, #tpu.memory_space<vmem>>) dst(%dma_wait3A_104 : memref<10240x64xf32, #tpu.memory_space<vmem_shared>>)
    }
    %scan3A_11 = arith.constant 79 : i32
    %barrier3A_12 = arith.constant 0 : index
    tpu.barrier barrier_id(%barrier3A_12)
    %mul3A_13 = arith.constant 640 : i32
    %mul3A_14 = arith.muli %arg1, %mul3A_13 : i32
    %mul3A_15 = arith.constant 10240 : i32
    %mul3A_16 = arith.muli %arg0, %mul3A_15 : i32
    %mul3A_17 = arith.constant 640 : i32
    %mul3A_18 = arith.muli %arg1, %mul3A_17 : i32
    %add3A_19 = arith.addi %mul3A_16, %mul3A_18 : i32
    "tpu.region"() ({
      %run_scoped3A = tpu.sem_alloc : memref<!tpu.dma_semaphore, #tpu.memory_space<semaphore_mem>>
      %dma_start3A = arith.constant 0 : i32
      %dma_start3A_20 = tpu.memref_slice %arg7[%add3A_19, %dma_start3A] : memref<20480x64xf32, #tpu.memory_space<hbm>> -> memref<640x64xf32, #tpu.memory_space<hbm>>
      %dma_start3A_21 = arith.constant 0 : i32
      %dma_start3A_22 = tpu.memref_slice %arg13[%mul3A_14, %dma_start3A_21] : memref<10240x64xf32, #tpu.memory_space<vmem_shared>> -> memref<640x64xf32, #tpu.memory_space<vmem_shared>>
      tpu.enqueue_dma source(%dma_start3A_22 : memref<640x64xf32, #tpu.memory_space<vmem_shared>>) target(%dma_start3A_20 : memref<640x64xf32, #tpu.memory_space<hbm>>) target_semaphore(%run_scoped3A : memref<!tpu.dma_semaphore, #tpu.memory_space<semaphore_mem>>)
      %dma_wait3A = arith.constant 0 : i32
      %dma_wait3A_23 = tpu.memref_slice %arg7[%add3A_19, %dma_wait3A] : memref<20480x64xf32, #tpu.memory_space<hbm>> -> memref<640x64xf32, #tpu.memory_space<hbm>>
      %dma_wait3A_24 = arith.constant 0 : i32
      %dma_wait3A_25 = tpu.memref_slice %arg13[%mul3A_14, %dma_wait3A_24] : memref<10240x64xf32, #tpu.memory_space<vmem_shared>> -> memref<640x64xf32, #tpu.memory_space<vmem_shared>>
      tpu.wait_dma2 semaphore(%run_scoped3A : memref<!tpu.dma_semaphore, #tpu.memory_space<semaphore_mem>>) src(%dma_wait3A_25 : memref<640x64xf32, #tpu.memory_space<vmem_shared>>) dst(%dma_wait3A_23 : memref<640x64xf32, #tpu.memory_space<hbm>>)
      tpu.yield
    }) : () -> ()
    return
  }
}

#map = affine_map<(d0, d1) -> (0, 0)>
#map1 = affine_map<(d0, d1) -> (0, 0, 0)>
module attributes {stable_mosaic.version = 14 : i64} {
  func.func @run(%arg0: i32, %arg1: i32, %arg2: memref<10240x16xf32, #tpu.memory_space<hbm>>, %arg3: memref<32x79x128xi32, #tpu.memory_space<hbm>>, %arg4: memref<32x79x128xi32, #tpu.memory_space<hbm>>, %arg5: memref<32x79x128xf32, #tpu.memory_space<hbm>>, %arg6: memref<640x16xf32, #tpu.memory_space<hbm>>, %arg7: memref<20480x16xf32, #tpu.memory_space<hbm>>, %arg8: memref<79x128xi32, #tpu.memory_space<vmem>>, %arg9: memref<79x128xi32, #tpu.memory_space<vmem>>, %arg10: memref<79x128xf32, #tpu.memory_space<vmem>>, %arg11: memref<128x16xf32, #tpu.memory_space<vmem>>, %arg12: memref<128xi32, #tpu.memory_space<vmem>>, %arg13: memref<10240x16xf32, #tpu.memory_space<vmem_shared>>, %arg14: memref<10240x16xf32, #tpu.memory_space<vmem_shared>>, %arg15: memref<!tpu.dma_semaphore, #tpu.memory_space<semaphore_mem>>, %arg16: memref<!tpu.dma_semaphore, #tpu.memory_space<semaphore_mem>>) attributes {dimension_semantics = [#tpu.dimension_semantics<core_parallel>, #tpu.dimension_semantics<subcore_parallel>], iteration_bounds = array<i64: 2, 16>, scalar_prefetch = 0 : i64, scratch_operands = 9 : i64, tpu.core_type = #tpu.core_type<sc_vector_subcore>, window_params = [{transform_indices = #map}, {transform_indices = #map1}, {transform_indices = #map1}, {transform_indices = #map1}, {transform_indices = #map}, {transform_indices = #map}]} {
    %mul3A = arith.constant 2 : i32
    %mul3A_0 = arith.muli %arg1, %mul3A : i32
    %add3A = arith.addi %mul3A_0, %arg0 : i32
    "tpu.region"() ({
      %run_scoped3A = tpu.sem_alloc : memref<!tpu.dma_semaphore, #tpu.memory_space<semaphore_mem>>
      %dma_start3A = arith.constant 0 : i32
      %dma_start3A_20 = arith.constant 0 : i32
      %dma_start3A_21 = tpu.memref_slice %arg3[%add3A, %dma_start3A, %dma_start3A_20] : memref<32x79x128xi32, #tpu.memory_space<hbm>> -> memref<1x79x128xi32, #tpu.memory_space<hbm>>
      %dma_start3A_22 = tpu.memref_squeeze %dma_start3A_21 : memref<1x79x128xi32, #tpu.memory_space<hbm>> -> memref<79x128xi32, #tpu.memory_space<hbm>>
      %dma_start3A_23 = arith.constant 0 : i32
      %dma_start3A_24 = arith.constant 0 : i32
      %dma_start3A_25 = tpu.memref_slice %arg3[%add3A, %dma_start3A_23, %dma_start3A_24] : memref<32x79x128xi32, #tpu.memory_space<hbm>> -> memref<1x79x128xi32, #tpu.memory_space<hbm>>
      %dma_start3A_26 = tpu.memref_squeeze %dma_start3A_25 : memref<1x79x128xi32, #tpu.memory_space<hbm>> -> memref<79x128xi32, #tpu.memory_space<hbm>>
      tpu.enqueue_dma source(%dma_start3A_26 : memref<79x128xi32, #tpu.memory_space<hbm>>) target(%arg8 : memref<79x128xi32, #tpu.memory_space<vmem>>) target_semaphore(%run_scoped3A : memref<!tpu.dma_semaphore, #tpu.memory_space<semaphore_mem>>)
      %dma_wait3A = arith.constant 0 : i32
      %dma_wait3A_27 = arith.constant 0 : i32
      %dma_wait3A_28 = tpu.memref_slice %arg3[%add3A, %dma_wait3A, %dma_wait3A_27] : memref<32x79x128xi32, #tpu.memory_space<hbm>> -> memref<1x79x128xi32, #tpu.memory_space<hbm>>
      %dma_wait3A_29 = tpu.memref_squeeze %dma_wait3A_28 : memref<1x79x128xi32, #tpu.memory_space<hbm>> -> memref<79x128xi32, #tpu.memory_space<hbm>>
      %dma_wait3A_30 = arith.constant 0 : i32
      %dma_wait3A_31 = arith.constant 0 : i32
      %dma_wait3A_32 = tpu.memref_slice %arg3[%add3A, %dma_wait3A_30, %dma_wait3A_31] : memref<32x79x128xi32, #tpu.memory_space<hbm>> -> memref<1x79x128xi32, #tpu.memory_space<hbm>>
      %dma_wait3A_33 = tpu.memref_squeeze %dma_wait3A_32 : memref<1x79x128xi32, #tpu.memory_space<hbm>> -> memref<79x128xi32, #tpu.memory_space<hbm>>
      tpu.wait_dma2 semaphore(%run_scoped3A : memref<!tpu.dma_semaphore, #tpu.memory_space<semaphore_mem>>) src(%dma_wait3A_33 : memref<79x128xi32, #tpu.memory_space<hbm>>) dst(%arg8 : memref<79x128xi32, #tpu.memory_space<vmem>>)
      tpu.yield
    }) : () -> ()
    "tpu.region"() ({
      %run_scoped3A = tpu.sem_alloc : memref<!tpu.dma_semaphore, #tpu.memory_space<semaphore_mem>>
      %dma_start3A = arith.constant 0 : i32
      %dma_start3A_20 = arith.constant 0 : i32
      %dma_start3A_21 = tpu.memref_slice %arg4[%add3A, %dma_start3A, %dma_start3A_20] : memref<32x79x128xi32, #tpu.memory_space<hbm>> -> memref<1x79x128xi32, #tpu.memory_space<hbm>>
      %dma_start3A_22 = tpu.memref_squeeze %dma_start3A_21 : memref<1x79x128xi32, #tpu.memory_space<hbm>> -> memref<79x128xi32, #tpu.memory_space<hbm>>
      %dma_start3A_23 = arith.constant 0 : i32
      %dma_start3A_24 = arith.constant 0 : i32
      %dma_start3A_25 = tpu.memref_slice %arg4[%add3A, %dma_start3A_23, %dma_start3A_24] : memref<32x79x128xi32, #tpu.memory_space<hbm>> -> memref<1x79x128xi32, #tpu.memory_space<hbm>>
      %dma_start3A_26 = tpu.memref_squeeze %dma_start3A_25 : memref<1x79x128xi32, #tpu.memory_space<hbm>> -> memref<79x128xi32, #tpu.memory_space<hbm>>
      tpu.enqueue_dma source(%dma_start3A_26 : memref<79x128xi32, #tpu.memory_space<hbm>>) target(%arg9 : memref<79x128xi32, #tpu.memory_space<vmem>>) target_semaphore(%run_scoped3A : memref<!tpu.dma_semaphore, #tpu.memory_space<semaphore_mem>>)
      %dma_wait3A = arith.constant 0 : i32
      %dma_wait3A_27 = arith.constant 0 : i32
      %dma_wait3A_28 = tpu.memref_slice %arg4[%add3A, %dma_wait3A, %dma_wait3A_27] : memref<32x79x128xi32, #tpu.memory_space<hbm>> -> memref<1x79x128xi32, #tpu.memory_space<hbm>>
      %dma_wait3A_29 = tpu.memref_squeeze %dma_wait3A_28 : memref<1x79x128xi32, #tpu.memory_space<hbm>> -> memref<79x128xi32, #tpu.memory_space<hbm>>
      %dma_wait3A_30 = arith.constant 0 : i32
      %dma_wait3A_31 = arith.constant 0 : i32
      %dma_wait3A_32 = tpu.memref_slice %arg4[%add3A, %dma_wait3A_30, %dma_wait3A_31] : memref<32x79x128xi32, #tpu.memory_space<hbm>> -> memref<1x79x128xi32, #tpu.memory_space<hbm>>
      %dma_wait3A_33 = tpu.memref_squeeze %dma_wait3A_32 : memref<1x79x128xi32, #tpu.memory_space<hbm>> -> memref<79x128xi32, #tpu.memory_space<hbm>>
      tpu.wait_dma2 semaphore(%run_scoped3A : memref<!tpu.dma_semaphore, #tpu.memory_space<semaphore_mem>>) src(%dma_wait3A_33 : memref<79x128xi32, #tpu.memory_space<hbm>>) dst(%arg9 : memref<79x128xi32, #tpu.memory_space<vmem>>)
      tpu.yield
    }) : () -> ()
    "tpu.region"() ({
      %run_scoped3A = tpu.sem_alloc : memref<!tpu.dma_semaphore, #tpu.memory_space<semaphore_mem>>
      %dma_start3A = arith.constant 0 : i32
      %dma_start3A_20 = arith.constant 0 : i32
      %dma_start3A_21 = tpu.memref_slice %arg5[%add3A, %dma_start3A, %dma_start3A_20] : memref<32x79x128xf32, #tpu.memory_space<hbm>> -> memref<1x79x128xf32, #tpu.memory_space<hbm>>
      %dma_start3A_22 = tpu.memref_squeeze %dma_start3A_21 : memref<1x79x128xf32, #tpu.memory_space<hbm>> -> memref<79x128xf32, #tpu.memory_space<hbm>>
      %dma_start3A_23 = arith.constant 0 : i32
      %dma_start3A_24 = arith.constant 0 : i32
      %dma_start3A_25 = tpu.memref_slice %arg5[%add3A, %dma_start3A_23, %dma_start3A_24] : memref<32x79x128xf32, #tpu.memory_space<hbm>> -> memref<1x79x128xf32, #tpu.memory_space<hbm>>
      %dma_start3A_26 = tpu.memref_squeeze %dma_start3A_25 : memref<1x79x128xf32, #tpu.memory_space<hbm>> -> memref<79x128xf32, #tpu.memory_space<hbm>>
      tpu.enqueue_dma source(%dma_start3A_26 : memref<79x128xf32, #tpu.memory_space<hbm>>) target(%arg10 : memref<79x128xf32, #tpu.memory_space<vmem>>) target_semaphore(%run_scoped3A : memref<!tpu.dma_semaphore, #tpu.memory_space<semaphore_mem>>)
      %dma_wait3A = arith.constant 0 : i32
      %dma_wait3A_27 = arith.constant 0 : i32
      %dma_wait3A_28 = tpu.memref_slice %arg5[%add3A, %dma_wait3A, %dma_wait3A_27] : memref<32x79x128xf32, #tpu.memory_space<hbm>> -> memref<1x79x128xf32, #tpu.memory_space<hbm>>
      %dma_wait3A_29 = tpu.memref_squeeze %dma_wait3A_28 : memref<1x79x128xf32, #tpu.memory_space<hbm>> -> memref<79x128xf32, #tpu.memory_space<hbm>>
      %dma_wait3A_30 = arith.constant 0 : i32
      %dma_wait3A_31 = arith.constant 0 : i32
      %dma_wait3A_32 = tpu.memref_slice %arg5[%add3A, %dma_wait3A_30, %dma_wait3A_31] : memref<32x79x128xf32, #tpu.memory_space<hbm>> -> memref<1x79x128xf32, #tpu.memory_space<hbm>>
      %dma_wait3A_33 = tpu.memref_squeeze %dma_wait3A_32 : memref<1x79x128xf32, #tpu.memory_space<hbm>> -> memref<79x128xf32, #tpu.memory_space<hbm>>
      tpu.wait_dma2 semaphore(%run_scoped3A : memref<!tpu.dma_semaphore, #tpu.memory_space<semaphore_mem>>) src(%dma_wait3A_33 : memref<79x128xf32, #tpu.memory_space<hbm>>) dst(%arg10 : memref<79x128xf32, #tpu.memory_space<vmem>>)
      tpu.yield
    }) : () -> ()
    %mul3A_1 = arith.constant 640 : i32
    %mul3A_2 = arith.muli %arg1, %mul3A_1 : i32
    "tpu.region"() ({
      %run_scoped3A = tpu.sem_alloc : memref<!tpu.dma_semaphore, #tpu.memory_space<semaphore_mem>>
      %dma_start3A = arith.constant 0 : i32
      %dma_start3A_20 = tpu.memref_slice %arg13[%mul3A_2, %dma_start3A] : memref<10240x16xf32, #tpu.memory_space<vmem_shared>> -> memref<640x16xf32, #tpu.memory_space<vmem_shared>>
      tpu.enqueue_dma source(%arg6 : memref<640x16xf32, #tpu.memory_space<hbm>>) target(%dma_start3A_20 : memref<640x16xf32, #tpu.memory_space<vmem_shared>>) target_semaphore(%run_scoped3A : memref<!tpu.dma_semaphore, #tpu.memory_space<semaphore_mem>>)
      %dma_wait3A = arith.constant 0 : i32
      %dma_wait3A_21 = tpu.memref_slice %arg13[%mul3A_2, %dma_wait3A] : memref<10240x16xf32, #tpu.memory_space<vmem_shared>> -> memref<640x16xf32, #tpu.memory_space<vmem_shared>>
      tpu.wait_dma2 semaphore(%run_scoped3A : memref<!tpu.dma_semaphore, #tpu.memory_space<semaphore_mem>>) src(%arg6 : memref<640x16xf32, #tpu.memory_space<hbm>>) dst(%dma_wait3A_21 : memref<640x16xf32, #tpu.memory_space<vmem_shared>>)
      tpu.yield
    }) : () -> ()
    %mul3A_3 = arith.constant 640 : i32
    %mul3A_4 = arith.muli %arg1, %mul3A_3 : i32
    %mul3A_5 = arith.constant 640 : i32
    %mul3A_6 = arith.muli %arg1, %mul3A_5 : i32
    "tpu.region"() ({
      %run_scoped3A = tpu.sem_alloc : memref<!tpu.dma_semaphore, #tpu.memory_space<semaphore_mem>>
      %dma_start3A = arith.constant 0 : i32
      %dma_start3A_20 = tpu.memref_slice %arg14[%mul3A_6, %dma_start3A] : memref<10240x16xf32, #tpu.memory_space<vmem_shared>> -> memref<640x16xf32, #tpu.memory_space<vmem_shared>>
      %dma_start3A_21 = arith.constant 0 : i32
      %dma_start3A_22 = tpu.memref_slice %arg2[%mul3A_4, %dma_start3A_21] : memref<10240x16xf32, #tpu.memory_space<hbm>> -> memref<640x16xf32, #tpu.memory_space<hbm>>
      tpu.enqueue_dma source(%dma_start3A_22 : memref<640x16xf32, #tpu.memory_space<hbm>>) target(%dma_start3A_20 : memref<640x16xf32, #tpu.memory_space<vmem_shared>>) target_semaphore(%run_scoped3A : memref<!tpu.dma_semaphore, #tpu.memory_space<semaphore_mem>>)
      %dma_wait3A = arith.constant 0 : i32
      %dma_wait3A_23 = tpu.memref_slice %arg14[%mul3A_6, %dma_wait3A] : memref<10240x16xf32, #tpu.memory_space<vmem_shared>> -> memref<640x16xf32, #tpu.memory_space<vmem_shared>>
      %dma_wait3A_24 = arith.constant 0 : i32
      %dma_wait3A_25 = tpu.memref_slice %arg2[%mul3A_4, %dma_wait3A_24] : memref<10240x16xf32, #tpu.memory_space<hbm>> -> memref<640x16xf32, #tpu.memory_space<hbm>>
      tpu.wait_dma2 semaphore(%run_scoped3A : memref<!tpu.dma_semaphore, #tpu.memory_space<semaphore_mem>>) src(%dma_wait3A_25 : memref<640x16xf32, #tpu.memory_space<hbm>>) dst(%dma_wait3A_23 : memref<640x16xf32, #tpu.memory_space<vmem_shared>>)
      tpu.yield
    }) : () -> ()
    %barrier3A = arith.constant 0 : index
    tpu.barrier barrier_id(%barrier3A)
    %scan3A = arith.constant 0 : i32
    %scan3A_7 = arith.constant 0 : i32
    %scan3A_8 = arith.constant 79 : i32
    %scan3A_9 = arith.addi %scan3A_7, %scan3A_8 : i32
    %scan3A_10 = arith.constant 1 : i32
    scf.for %scan3A_20 = %scan3A_7 to %scan3A_9 step %scan3A_10  : i32 {
      %dma_start3A = arith.constant 0 : i32
      %dma_start3A_21 = tpu.memref_slice %arg8[%scan3A_20, %dma_start3A] : memref<79x128xi32, #tpu.memory_space<vmem>> -> memref<1x128xi32, #tpu.memory_space<vmem>>
      %dma_start3A_22 = tpu.memref_squeeze %dma_start3A_21 : memref<1x128xi32, #tpu.memory_space<vmem>> -> memref<128xi32, #tpu.memory_space<vmem>>
      %dma_start3A_23 = arith.constant 0 : i32
      %dma_start3A_24 = arith.constant 0 : i32
      %dma_start3A_25 = tpu.memref_slice %arg14[%dma_start3A_23, %dma_start3A_24] : memref<10240x16xf32, #tpu.memory_space<vmem_shared>> -> memref<10240x16xf32, #tpu.memory_space<vmem_shared>>
      tpu.enqueue_indirect_dma source(%dma_start3A_25 : memref<10240x16xf32, #tpu.memory_space<vmem_shared>>) target(%arg11 : memref<128x16xf32, #tpu.memory_space<vmem>>) offsets(%dma_start3A_22 : memref<128xi32, #tpu.memory_space<vmem>>) semaphore(%arg15 : memref<!tpu.dma_semaphore, #tpu.memory_space<semaphore_mem>>)
      %dma_wait3A = arith.constant 0 : i32
      %dma_wait3A_26 = tpu.memref_slice %arg8[%scan3A_20, %dma_wait3A] : memref<79x128xi32, #tpu.memory_space<vmem>> -> memref<1x128xi32, #tpu.memory_space<vmem>>
      %dma_wait3A_27 = tpu.memref_squeeze %dma_wait3A_26 : memref<1x128xi32, #tpu.memory_space<vmem>> -> memref<128xi32, #tpu.memory_space<vmem>>
      %dma_wait3A_28 = arith.constant 0 : i32
      %dma_wait3A_29 = arith.constant 0 : i32
      %dma_wait3A_30 = tpu.memref_slice %arg14[%dma_wait3A_28, %dma_wait3A_29] : memref<10240x16xf32, #tpu.memory_space<vmem_shared>> -> memref<10240x16xf32, #tpu.memory_space<vmem_shared>>
      tpu.wait_indirect_dma semaphore(%arg15 : memref<!tpu.dma_semaphore, #tpu.memory_space<semaphore_mem>>) src(%dma_wait3A_30 : memref<10240x16xf32, #tpu.memory_space<vmem_shared>>) dst(%arg11 : memref<128x16xf32, #tpu.memory_space<vmem>>)
      %scan3A_31 = arith.constant 0 : i32
      %scan3A_32 = arith.constant 0 : i32
      %scan3A_33 = arith.constant 8 : i32
      %scan3A_34 = arith.addi %scan3A_32, %scan3A_33 : i32
      %scan3A_35 = arith.constant 1 : i32
      scf.for %scan3A_105 = %scan3A_32 to %scan3A_34 step %scan3A_35  : i32 {
        %mul3A_106 = arith.constant 16 : i32
        %mul3A_107 = arith.muli %scan3A_105, %mul3A_106 : i32
        %get3A_108 = arith.index_cast %scan3A_20 : i32 to index
        %get3A_109 = arith.index_cast %mul3A_107 : i32 to index
        %get3A_110 = tpu.vector_load %arg10[%get3A_108, %get3A_109] {strides = array<i32>} : memref<79x128xf32, #tpu.memory_space<vmem>>, vector<1x16xf32>,
        %get3A_111 = vector.shape_cast %get3A_110 : vector<1x16xf32> to vector<16xf32>
        %broadcast_in_dim3A = arith.constant 0 : i32
        %broadcast_in_dim3A_112 = vector.broadcast %broadcast_in_dim3A : i32 to vector<16x1xi32>
        %gather3A = vector.shape_cast %broadcast_in_dim3A_112 : vector<16x1xi32> to vector<16xi32>
        %gather3A_113 = tpu.dynamic_gather %get3A_111[%gather3A] in [0] : vector<16xf32>, vector<16xi32> -> vector<16xf32>
        %mul3A_114 = arith.constant 16 : i32
        %mul3A_115 = arith.muli %scan3A_105, %mul3A_114 : i32
        %add3A_116 = arith.constant 0 : i32
        %add3A_117 = arith.addi %mul3A_115, %add3A_116 : i32
        %get3A_118 = arith.index_cast %add3A_117 : i32 to index
        %get3A_119 = arith.constant 0 : index
        %get3A_120 = tpu.vector_load %arg11[%get3A_118, %get3A_119] {strides = array<i32>} : memref<128x16xf32, #tpu.memory_space<vmem>>, vector<1x16xf32>,
        %get3A_121 = vector.shape_cast %get3A_120 : vector<1x16xf32> to vector<16xf32>
        %mul3A_122 = arith.mulf %get3A_121, %gather3A_113 : vector<16xf32>
        %swap3A_123 = arith.index_cast %add3A_117 : i32 to index
        %swap3A_124 = arith.constant 0 : index
        %swap3A_125 = tpu.vector_load %arg11[%swap3A_123, %swap3A_124] {strides = array<i32>} : memref<128x16xf32, #tpu.memory_space<vmem>>, vector<1x16xf32>,
        %swap3A_126 = vector.shape_cast %swap3A_125 : vector<1x16xf32> to vector<16xf32>
        %swap3A_127 = vector.shape_cast %mul3A_122 : vector<16xf32> to vector<1x16xf32>
        tpu.vector_store %arg11[%swap3A_123, %swap3A_124], %swap3A_127 {strides = array<i32>} : memref<128x16xf32, #tpu.memory_space<vmem>>, vector<1x16xf32>,
        %broadcast_in_dim3A_128 = arith.constant 1 : i32
        %broadcast_in_dim3A_129 = vector.broadcast %broadcast_in_dim3A_128 : i32 to vector<16x1xi32>
        %gather3A_130 = vector.shape_cast %broadcast_in_dim3A_129 : vector<16x1xi32> to vector<16xi32>
        %gather3A_131 = tpu.dynamic_gather %get3A_111[%gather3A_130] in [0] : vector<16xf32>, vector<16xi32> -> vector<16xf32>
        %mul3A_132 = arith.constant 16 : i32
        %mul3A_133 = arith.muli %scan3A_105, %mul3A_132 : i32
        %add3A_134 = arith.constant 1 : i32
        %add3A_135 = arith.addi %mul3A_133, %add3A_134 : i32
        %get3A_136 = arith.index_cast %add3A_135 : i32 to index
        %get3A_137 = arith.constant 0 : index
        %get3A_138 = tpu.vector_load %arg11[%get3A_136, %get3A_137] {strides = array<i32>} : memref<128x16xf32, #tpu.memory_space<vmem>>, vector<1x16xf32>,
        %get3A_139 = vector.shape_cast %get3A_138 : vector<1x16xf32> to vector<16xf32>
        %mul3A_140 = arith.mulf %get3A_139, %gather3A_131 : vector<16xf32>
        %swap3A_141 = arith.index_cast %add3A_135 : i32 to index
        %swap3A_142 = arith.constant 0 : index
        %swap3A_143 = tpu.vector_load %arg11[%swap3A_141, %swap3A_142] {strides = array<i32>} : memref<128x16xf32, #tpu.memory_space<vmem>>, vector<1x16xf32>,
        %swap3A_144 = vector.shape_cast %swap3A_143 : vector<1x16xf32> to vector<16xf32>
        %swap3A_145 = vector.shape_cast %mul3A_140 : vector<16xf32> to vector<1x16xf32>
        tpu.vector_store %arg11[%swap3A_141, %swap3A_142], %swap3A_145 {strides = array<i32>} : memref<128x16xf32, #tpu.memory_space<vmem>>, vector<1x16xf32>,
        %broadcast_in_dim3A_146 = arith.constant 2 : i32
        %broadcast_in_dim3A_147 = vector.broadcast %broadcast_in_dim3A_146 : i32 to vector<16x1xi32>
        %gather3A_148 = vector.shape_cast %broadcast_in_dim3A_147 : vector<16x1xi32> to vector<16xi32>
        %gather3A_149 = tpu.dynamic_gather %get3A_111[%gather3A_148] in [0] : vector<16xf32>, vector<16xi32> -> vector<16xf32>
        %mul3A_150 = arith.constant 16 : i32
        %mul3A_151 = arith.muli %scan3A_105, %mul3A_150 : i32
        %add3A_152 = arith.constant 2 : i32
        %add3A_153 = arith.addi %mul3A_151, %add3A_152 : i32
        %get3A_154 = arith.index_cast %add3A_153 : i32 to index
        %get3A_155 = arith.constant 0 : index
        %get3A_156 = tpu.vector_load %arg11[%get3A_154, %get3A_155] {strides = array<i32>} : memref<128x16xf32, #tpu.memory_space<vmem>>, vector<1x16xf32>,
        %get3A_157 = vector.shape_cast %get3A_156 : vector<1x16xf32> to vector<16xf32>
        %mul3A_158 = arith.mulf %get3A_157, %gather3A_149 : vector<16xf32>
        %swap3A_159 = arith.index_cast %add3A_153 : i32 to index
        %swap3A_160 = arith.constant 0 : index
        %swap3A_161 = tpu.vector_load %arg11[%swap3A_159, %swap3A_160] {strides = array<i32>} : memref<128x16xf32, #tpu.memory_space<vmem>>, vector<1x16xf32>,
        %swap3A_162 = vector.shape_cast %swap3A_161 : vector<1x16xf32> to vector<16xf32>
        %swap3A_163 = vector.shape_cast %mul3A_158 : vector<16xf32> to vector<1x16xf32>
        tpu.vector_store %arg11[%swap3A_159, %swap3A_160], %swap3A_163 {strides = array<i32>} : memref<128x16xf32, #tpu.memory_space<vmem>>, vector<1x16xf32>,
        %broadcast_in_dim3A_164 = arith.constant 3 : i32
        %broadcast_in_dim3A_165 = vector.broadcast %broadcast_in_dim3A_164 : i32 to vector<16x1xi32>
        %gather3A_166 = vector.shape_cast %broadcast_in_dim3A_165 : vector<16x1xi32> to vector<16xi32>
        %gather3A_167 = tpu.dynamic_gather %get3A_111[%gather3A_166] in [0] : vector<16xf32>, vector<16xi32> -> vector<16xf32>
        %mul3A_168 = arith.constant 16 : i32
        %mul3A_169 = arith.muli %scan3A_105, %mul3A_168 : i32
        %add3A_170 = arith.constant 3 : i32
        %add3A_171 = arith.addi %mul3A_169, %add3A_170 : i32
        %get3A_172 = arith.index_cast %add3A_171 : i32 to index
        %get3A_173 = arith.constant 0 : index
        %get3A_174 = tpu.vector_load %arg11[%get3A_172, %get3A_173] {strides = array<i32>} : memref<128x16xf32, #tpu.memory_space<vmem>>, vector<1x16xf32>,
        %get3A_175 = vector.shape_cast %get3A_174 : vector<1x16xf32> to vector<16xf32>
        %mul3A_176 = arith.mulf %get3A_175, %gather3A_167 : vector<16xf32>
        %swap3A_177 = arith.index_cast %add3A_171 : i32 to index
        %swap3A_178 = arith.constant 0 : index
        %swap3A_179 = tpu.vector_load %arg11[%swap3A_177, %swap3A_178] {strides = array<i32>} : memref<128x16xf32, #tpu.memory_space<vmem>>, vector<1x16xf32>,
        %swap3A_180 = vector.shape_cast %swap3A_179 : vector<1x16xf32> to vector<16xf32>
        %swap3A_181 = vector.shape_cast %mul3A_176 : vector<16xf32> to vector<1x16xf32>
        tpu.vector_store %arg11[%swap3A_177, %swap3A_178], %swap3A_181 {strides = array<i32>} : memref<128x16xf32, #tpu.memory_space<vmem>>, vector<1x16xf32>,
        %broadcast_in_dim3A_182 = arith.constant 4 : i32
        %broadcast_in_dim3A_183 = vector.broadcast %broadcast_in_dim3A_182 : i32 to vector<16x1xi32>
        %gather3A_184 = vector.shape_cast %broadcast_in_dim3A_183 : vector<16x1xi32> to vector<16xi32>
        %gather3A_185 = tpu.dynamic_gather %get3A_111[%gather3A_184] in [0] : vector<16xf32>, vector<16xi32> -> vector<16xf32>
        %mul3A_186 = arith.constant 16 : i32
        %mul3A_187 = arith.muli %scan3A_105, %mul3A_186 : i32
        %add3A_188 = arith.constant 4 : i32
        %add3A_189 = arith.addi %mul3A_187, %add3A_188 : i32
        %get3A_190 = arith.index_cast %add3A_189 : i32 to index
        %get3A_191 = arith.constant 0 : index
        %get3A_192 = tpu.vector_load %arg11[%get3A_190, %get3A_191] {strides = array<i32>} : memref<128x16xf32, #tpu.memory_space<vmem>>, vector<1x16xf32>,
        %get3A_193 = vector.shape_cast %get3A_192 : vector<1x16xf32> to vector<16xf32>
        %mul3A_194 = arith.mulf %get3A_193, %gather3A_185 : vector<16xf32>
        %swap3A_195 = arith.index_cast %add3A_189 : i32 to index
        %swap3A_196 = arith.constant 0 : index
        %swap3A_197 = tpu.vector_load %arg11[%swap3A_195, %swap3A_196] {strides = array<i32>} : memref<128x16xf32, #tpu.memory_space<vmem>>, vector<1x16xf32>,
        %swap3A_198 = vector.shape_cast %swap3A_197 : vector<1x16xf32> to vector<16xf32>
        %swap3A_199 = vector.shape_cast %mul3A_194 : vector<16xf32> to vector<1x16xf32>
        tpu.vector_store %arg11[%swap3A_195, %swap3A_196], %swap3A_199 {strides = array<i32>} : memref<128x16xf32, #tpu.memory_space<vmem>>, vector<1x16xf32>,
        %broadcast_in_dim3A_200 = arith.constant 5 : i32
        %broadcast_in_dim3A_201 = vector.broadcast %broadcast_in_dim3A_200 : i32 to vector<16x1xi32>
        %gather3A_202 = vector.shape_cast %broadcast_in_dim3A_201 : vector<16x1xi32> to vector<16xi32>
        %gather3A_203 = tpu.dynamic_gather %get3A_111[%gather3A_202] in [0] : vector<16xf32>, vector<16xi32> -> vector<16xf32>
        %mul3A_204 = arith.constant 16 : i32
        %mul3A_205 = arith.muli %scan3A_105, %mul3A_204 : i32
        %add3A_206 = arith.constant 5 : i32
        %add3A_207 = arith.addi %mul3A_205, %add3A_206 : i32
        %get3A_208 = arith.index_cast %add3A_207 : i32 to index
        %get3A_209 = arith.constant 0 : index
        %get3A_210 = tpu.vector_load %arg11[%get3A_208, %get3A_209] {strides = array<i32>} : memref<128x16xf32, #tpu.memory_space<vmem>>, vector<1x16xf32>,
        %get3A_211 = vector.shape_cast %get3A_210 : vector<1x16xf32> to vector<16xf32>
        %mul3A_212 = arith.mulf %get3A_211, %gather3A_203 : vector<16xf32>
        %swap3A_213 = arith.index_cast %add3A_207 : i32 to index
        %swap3A_214 = arith.constant 0 : index
        %swap3A_215 = tpu.vector_load %arg11[%swap3A_213, %swap3A_214] {strides = array<i32>} : memref<128x16xf32, #tpu.memory_space<vmem>>, vector<1x16xf32>,
        %swap3A_216 = vector.shape_cast %swap3A_215 : vector<1x16xf32> to vector<16xf32>
        %swap3A_217 = vector.shape_cast %mul3A_212 : vector<16xf32> to vector<1x16xf32>
        tpu.vector_store %arg11[%swap3A_213, %swap3A_214], %swap3A_217 {strides = array<i32>} : memref<128x16xf32, #tpu.memory_space<vmem>>, vector<1x16xf32>,
        %broadcast_in_dim3A_218 = arith.constant 6 : i32
        %broadcast_in_dim3A_219 = vector.broadcast %broadcast_in_dim3A_218 : i32 to vector<16x1xi32>
        %gather3A_220 = vector.shape_cast %broadcast_in_dim3A_219 : vector<16x1xi32> to vector<16xi32>
        %gather3A_221 = tpu.dynamic_gather %get3A_111[%gather3A_220] in [0] : vector<16xf32>, vector<16xi32> -> vector<16xf32>
        %mul3A_222 = arith.constant 16 : i32
        %mul3A_223 = arith.muli %scan3A_105, %mul3A_222 : i32
        %add3A_224 = arith.constant 6 : i32
        %add3A_225 = arith.addi %mul3A_223, %add3A_224 : i32
        %get3A_226 = arith.index_cast %add3A_225 : i32 to index
        %get3A_227 = arith.constant 0 : index
        %get3A_228 = tpu.vector_load %arg11[%get3A_226, %get3A_227] {strides = array<i32>} : memref<128x16xf32, #tpu.memory_space<vmem>>, vector<1x16xf32>,
        %get3A_229 = vector.shape_cast %get3A_228 : vector<1x16xf32> to vector<16xf32>
        %mul3A_230 = arith.mulf %get3A_229, %gather3A_221 : vector<16xf32>
        %swap3A_231 = arith.index_cast %add3A_225 : i32 to index
        %swap3A_232 = arith.constant 0 : index
        %swap3A_233 = tpu.vector_load %arg11[%swap3A_231, %swap3A_232] {strides = array<i32>} : memref<128x16xf32, #tpu.memory_space<vmem>>, vector<1x16xf32>,
        %swap3A_234 = vector.shape_cast %swap3A_233 : vector<1x16xf32> to vector<16xf32>
        %swap3A_235 = vector.shape_cast %mul3A_230 : vector<16xf32> to vector<1x16xf32>
        tpu.vector_store %arg11[%swap3A_231, %swap3A_232], %swap3A_235 {strides = array<i32>} : memref<128x16xf32, #tpu.memory_space<vmem>>, vector<1x16xf32>,
        %broadcast_in_dim3A_236 = arith.constant 7 : i32
        %broadcast_in_dim3A_237 = vector.broadcast %broadcast_in_dim3A_236 : i32 to vector<16x1xi32>
        %gather3A_238 = vector.shape_cast %broadcast_in_dim3A_237 : vector<16x1xi32> to vector<16xi32>
        %gather3A_239 = tpu.dynamic_gather %get3A_111[%gather3A_238] in [0] : vector<16xf32>, vector<16xi32> -> vector<16xf32>
        %mul3A_240 = arith.constant 16 : i32
        %mul3A_241 = arith.muli %scan3A_105, %mul3A_240 : i32
        %add3A_242 = arith.constant 7 : i32
        %add3A_243 = arith.addi %mul3A_241, %add3A_242 : i32
        %get3A_244 = arith.index_cast %add3A_243 : i32 to index
        %get3A_245 = arith.constant 0 : index
        %get3A_246 = tpu.vector_load %arg11[%get3A_244, %get3A_245] {strides = array<i32>} : memref<128x16xf32, #tpu.memory_space<vmem>>, vector<1x16xf32>,
        %get3A_247 = vector.shape_cast %get3A_246 : vector<1x16xf32> to vector<16xf32>
        %mul3A_248 = arith.mulf %get3A_247, %gather3A_239 : vector<16xf32>
        %swap3A_249 = arith.index_cast %add3A_243 : i32 to index
        %swap3A_250 = arith.constant 0 : index
        %swap3A_251 = tpu.vector_load %arg11[%swap3A_249, %swap3A_250] {strides = array<i32>} : memref<128x16xf32, #tpu.memory_space<vmem>>, vector<1x16xf32>,
        %swap3A_252 = vector.shape_cast %swap3A_251 : vector<1x16xf32> to vector<16xf32>
        %swap3A_253 = vector.shape_cast %mul3A_248 : vector<16xf32> to vector<1x16xf32>
        tpu.vector_store %arg11[%swap3A_249, %swap3A_250], %swap3A_253 {strides = array<i32>} : memref<128x16xf32, #tpu.memory_space<vmem>>, vector<1x16xf32>,
        %broadcast_in_dim3A_254 = arith.constant 8 : i32
        %broadcast_in_dim3A_255 = vector.broadcast %broadcast_in_dim3A_254 : i32 to vector<16x1xi32>
        %gather3A_256 = vector.shape_cast %broadcast_in_dim3A_255 : vector<16x1xi32> to vector<16xi32>
        %gather3A_257 = tpu.dynamic_gather %get3A_111[%gather3A_256] in [0] : vector<16xf32>, vector<16xi32> -> vector<16xf32>
        %mul3A_258 = arith.constant 16 : i32
        %mul3A_259 = arith.muli %scan3A_105, %mul3A_258 : i32
        %add3A_260 = arith.constant 8 : i32
        %add3A_261 = arith.addi %mul3A_259, %add3A_260 : i32
        %get3A_262 = arith.index_cast %add3A_261 : i32 to index
        %get3A_263 = arith.constant 0 : index
        %get3A_264 = tpu.vector_load %arg11[%get3A_262, %get3A_263] {strides = array<i32>} : memref<128x16xf32, #tpu.memory_space<vmem>>, vector<1x16xf32>,
        %get3A_265 = vector.shape_cast %get3A_264 : vector<1x16xf32> to vector<16xf32>
        %mul3A_266 = arith.mulf %get3A_265, %gather3A_257 : vector<16xf32>
        %swap3A_267 = arith.index_cast %add3A_261 : i32 to index
        %swap3A_268 = arith.constant 0 : index
        %swap3A_269 = tpu.vector_load %arg11[%swap3A_267, %swap3A_268] {strides = array<i32>} : memref<128x16xf32, #tpu.memory_space<vmem>>, vector<1x16xf32>,
        %swap3A_270 = vector.shape_cast %swap3A_269 : vector<1x16xf32> to vector<16xf32>
        %swap3A_271 = vector.shape_cast %mul3A_266 : vector<16xf32> to vector<1x16xf32>
        tpu.vector_store %arg11[%swap3A_267, %swap3A_268], %swap3A_271 {strides = array<i32>} : memref<128x16xf32, #tpu.memory_space<vmem>>, vector<1x16xf32>,
        %broadcast_in_dim3A_272 = arith.constant 9 : i32
        %broadcast_in_dim3A_273 = vector.broadcast %broadcast_in_dim3A_272 : i32 to vector<16x1xi32>
        %gather3A_274 = vector.shape_cast %broadcast_in_dim3A_273 : vector<16x1xi32> to vector<16xi32>
        %gather3A_275 = tpu.dynamic_gather %get3A_111[%gather3A_274] in [0] : vector<16xf32>, vector<16xi32> -> vector<16xf32>
        %mul3A_276 = arith.constant 16 : i32
        %mul3A_277 = arith.muli %scan3A_105, %mul3A_276 : i32
        %add3A_278 = arith.constant 9 : i32
        %add3A_279 = arith.addi %mul3A_277, %add3A_278 : i32
        %get3A_280 = arith.index_cast %add3A_279 : i32 to index
        %get3A_281 = arith.constant 0 : index
        %get3A_282 = tpu.vector_load %arg11[%get3A_280, %get3A_281] {strides = array<i32>} : memref<128x16xf32, #tpu.memory_space<vmem>>, vector<1x16xf32>,
        %get3A_283 = vector.shape_cast %get3A_282 : vector<1x16xf32> to vector<16xf32>
        %mul3A_284 = arith.mulf %get3A_283, %gather3A_275 : vector<16xf32>
        %swap3A_285 = arith.index_cast %add3A_279 : i32 to index
        %swap3A_286 = arith.constant 0 : index
        %swap3A_287 = tpu.vector_load %arg11[%swap3A_285, %swap3A_286] {strides = array<i32>} : memref<128x16xf32, #tpu.memory_space<vmem>>, vector<1x16xf32>,
        %swap3A_288 = vector.shape_cast %swap3A_287 : vector<1x16xf32> to vector<16xf32>
        %swap3A_289 = vector.shape_cast %mul3A_284 : vector<16xf32> to vector<1x16xf32>
        tpu.vector_store %arg11[%swap3A_285, %swap3A_286], %swap3A_289 {strides = array<i32>} : memref<128x16xf32, #tpu.memory_space<vmem>>, vector<1x16xf32>,
        %broadcast_in_dim3A_290 = arith.constant 10 : i32
        %broadcast_in_dim3A_291 = vector.broadcast %broadcast_in_dim3A_290 : i32 to vector<16x1xi32>
        %gather3A_292 = vector.shape_cast %broadcast_in_dim3A_291 : vector<16x1xi32> to vector<16xi32>
        %gather3A_293 = tpu.dynamic_gather %get3A_111[%gather3A_292] in [0] : vector<16xf32>, vector<16xi32> -> vector<16xf32>
        %mul3A_294 = arith.constant 16 : i32
        %mul3A_295 = arith.muli %scan3A_105, %mul3A_294 : i32
        %add3A_296 = arith.constant 10 : i32
        %add3A_297 = arith.addi %mul3A_295, %add3A_296 : i32
        %get3A_298 = arith.index_cast %add3A_297 : i32 to index
        %get3A_299 = arith.constant 0 : index
        %get3A_300 = tpu.vector_load %arg11[%get3A_298, %get3A_299] {strides = array<i32>} : memref<128x16xf32, #tpu.memory_space<vmem>>, vector<1x16xf32>,
        %get3A_301 = vector.shape_cast %get3A_300 : vector<1x16xf32> to vector<16xf32>
        %mul3A_302 = arith.mulf %get3A_301, %gather3A_293 : vector<16xf32>
        %swap3A_303 = arith.index_cast %add3A_297 : i32 to index
        %swap3A_304 = arith.constant 0 : index
        %swap3A_305 = tpu.vector_load %arg11[%swap3A_303, %swap3A_304] {strides = array<i32>} : memref<128x16xf32, #tpu.memory_space<vmem>>, vector<1x16xf32>,
        %swap3A_306 = vector.shape_cast %swap3A_305 : vector<1x16xf32> to vector<16xf32>
        %swap3A_307 = vector.shape_cast %mul3A_302 : vector<16xf32> to vector<1x16xf32>
        tpu.vector_store %arg11[%swap3A_303, %swap3A_304], %swap3A_307 {strides = array<i32>} : memref<128x16xf32, #tpu.memory_space<vmem>>, vector<1x16xf32>,
        %broadcast_in_dim3A_308 = arith.constant 11 : i32
        %broadcast_in_dim3A_309 = vector.broadcast %broadcast_in_dim3A_308 : i32 to vector<16x1xi32>
        %gather3A_310 = vector.shape_cast %broadcast_in_dim3A_309 : vector<16x1xi32> to vector<16xi32>
        %gather3A_311 = tpu.dynamic_gather %get3A_111[%gather3A_310] in [0] : vector<16xf32>, vector<16xi32> -> vector<16xf32>
        %mul3A_312 = arith.constant 16 : i32
        %mul3A_313 = arith.muli %scan3A_105, %mul3A_312 : i32
        %add3A_314 = arith.constant 11 : i32
        %add3A_315 = arith.addi %mul3A_313, %add3A_314 : i32
        %get3A_316 = arith.index_cast %add3A_315 : i32 to index
        %get3A_317 = arith.constant 0 : index
        %get3A_318 = tpu.vector_load %arg11[%get3A_316, %get3A_317] {strides = array<i32>} : memref<128x16xf32, #tpu.memory_space<vmem>>, vector<1x16xf32>,
        %get3A_319 = vector.shape_cast %get3A_318 : vector<1x16xf32> to vector<16xf32>
        %mul3A_320 = arith.mulf %get3A_319, %gather3A_311 : vector<16xf32>
        %swap3A_321 = arith.index_cast %add3A_315 : i32 to index
        %swap3A_322 = arith.constant 0 : index
        %swap3A_323 = tpu.vector_load %arg11[%swap3A_321, %swap3A_322] {strides = array<i32>} : memref<128x16xf32, #tpu.memory_space<vmem>>, vector<1x16xf32>,
        %swap3A_324 = vector.shape_cast %swap3A_323 : vector<1x16xf32> to vector<16xf32>
        %swap3A_325 = vector.shape_cast %mul3A_320 : vector<16xf32> to vector<1x16xf32>
        tpu.vector_store %arg11[%swap3A_321, %swap3A_322], %swap3A_325 {strides = array<i32>} : memref<128x16xf32, #tpu.memory_space<vmem>>, vector<1x16xf32>,
        %broadcast_in_dim3A_326 = arith.constant 12 : i32
        %broadcast_in_dim3A_327 = vector.broadcast %broadcast_in_dim3A_326 : i32 to vector<16x1xi32>
        %gather3A_328 = vector.shape_cast %broadcast_in_dim3A_327 : vector<16x1xi32> to vector<16xi32>
        %gather3A_329 = tpu.dynamic_gather %get3A_111[%gather3A_328] in [0] : vector<16xf32>, vector<16xi32> -> vector<16xf32>
        %mul3A_330 = arith.constant 16 : i32
        %mul3A_331 = arith.muli %scan3A_105, %mul3A_330 : i32
        %add3A_332 = arith.constant 12 : i32
        %add3A_333 = arith.addi %mul3A_331, %add3A_332 : i32
        %get3A_334 = arith.index_cast %add3A_333 : i32 to index
        %get3A_335 = arith.constant 0 : index
        %get3A_336 = tpu.vector_load %arg11[%get3A_334, %get3A_335] {strides = array<i32>} : memref<128x16xf32, #tpu.memory_space<vmem>>, vector<1x16xf32>,
        %get3A_337 = vector.shape_cast %get3A_336 : vector<1x16xf32> to vector<16xf32>
        %mul3A_338 = arith.mulf %get3A_337, %gather3A_329 : vector<16xf32>
        %swap3A_339 = arith.index_cast %add3A_333 : i32 to index
        %swap3A_340 = arith.constant 0 : index
        %swap3A_341 = tpu.vector_load %arg11[%swap3A_339, %swap3A_340] {strides = array<i32>} : memref<128x16xf32, #tpu.memory_space<vmem>>, vector<1x16xf32>,
        %swap3A_342 = vector.shape_cast %swap3A_341 : vector<1x16xf32> to vector<16xf32>
        %swap3A_343 = vector.shape_cast %mul3A_338 : vector<16xf32> to vector<1x16xf32>
        tpu.vector_store %arg11[%swap3A_339, %swap3A_340], %swap3A_343 {strides = array<i32>} : memref<128x16xf32, #tpu.memory_space<vmem>>, vector<1x16xf32>,
        %broadcast_in_dim3A_344 = arith.constant 13 : i32
        %broadcast_in_dim3A_345 = vector.broadcast %broadcast_in_dim3A_344 : i32 to vector<16x1xi32>
        %gather3A_346 = vector.shape_cast %broadcast_in_dim3A_345 : vector<16x1xi32> to vector<16xi32>
        %gather3A_347 = tpu.dynamic_gather %get3A_111[%gather3A_346] in [0] : vector<16xf32>, vector<16xi32> -> vector<16xf32>
        %mul3A_348 = arith.constant 16 : i32
        %mul3A_349 = arith.muli %scan3A_105, %mul3A_348 : i32
        %add3A_350 = arith.constant 13 : i32
        %add3A_351 = arith.addi %mul3A_349, %add3A_350 : i32
        %get3A_352 = arith.index_cast %add3A_351 : i32 to index
        %get3A_353 = arith.constant 0 : index
        %get3A_354 = tpu.vector_load %arg11[%get3A_352, %get3A_353] {strides = array<i32>} : memref<128x16xf32, #tpu.memory_space<vmem>>, vector<1x16xf32>,
        %get3A_355 = vector.shape_cast %get3A_354 : vector<1x16xf32> to vector<16xf32>
        %mul3A_356 = arith.mulf %get3A_355, %gather3A_347 : vector<16xf32>
        %swap3A_357 = arith.index_cast %add3A_351 : i32 to index
        %swap3A_358 = arith.constant 0 : index
        %swap3A_359 = tpu.vector_load %arg11[%swap3A_357, %swap3A_358] {strides = array<i32>} : memref<128x16xf32, #tpu.memory_space<vmem>>, vector<1x16xf32>,
        %swap3A_360 = vector.shape_cast %swap3A_359 : vector<1x16xf32> to vector<16xf32>
        %swap3A_361 = vector.shape_cast %mul3A_356 : vector<16xf32> to vector<1x16xf32>
        tpu.vector_store %arg11[%swap3A_357, %swap3A_358], %swap3A_361 {strides = array<i32>} : memref<128x16xf32, #tpu.memory_space<vmem>>, vector<1x16xf32>,
        %broadcast_in_dim3A_362 = arith.constant 14 : i32
        %broadcast_in_dim3A_363 = vector.broadcast %broadcast_in_dim3A_362 : i32 to vector<16x1xi32>
        %gather3A_364 = vector.shape_cast %broadcast_in_dim3A_363 : vector<16x1xi32> to vector<16xi32>
        %gather3A_365 = tpu.dynamic_gather %get3A_111[%gather3A_364] in [0] : vector<16xf32>, vector<16xi32> -> vector<16xf32>
        %mul3A_366 = arith.constant 16 : i32
        %mul3A_367 = arith.muli %scan3A_105, %mul3A_366 : i32
        %add3A_368 = arith.constant 14 : i32
        %add3A_369 = arith.addi %mul3A_367, %add3A_368 : i32
        %get3A_370 = arith.index_cast %add3A_369 : i32 to index
        %get3A_371 = arith.constant 0 : index
        %get3A_372 = tpu.vector_load %arg11[%get3A_370, %get3A_371] {strides = array<i32>} : memref<128x16xf32, #tpu.memory_space<vmem>>, vector<1x16xf32>,
        %get3A_373 = vector.shape_cast %get3A_372 : vector<1x16xf32> to vector<16xf32>
        %mul3A_374 = arith.mulf %get3A_373, %gather3A_365 : vector<16xf32>
        %swap3A_375 = arith.index_cast %add3A_369 : i32 to index
        %swap3A_376 = arith.constant 0 : index
        %swap3A_377 = tpu.vector_load %arg11[%swap3A_375, %swap3A_376] {strides = array<i32>} : memref<128x16xf32, #tpu.memory_space<vmem>>, vector<1x16xf32>,
        %swap3A_378 = vector.shape_cast %swap3A_377 : vector<1x16xf32> to vector<16xf32>
        %swap3A_379 = vector.shape_cast %mul3A_374 : vector<16xf32> to vector<1x16xf32>
        tpu.vector_store %arg11[%swap3A_375, %swap3A_376], %swap3A_379 {strides = array<i32>} : memref<128x16xf32, #tpu.memory_space<vmem>>, vector<1x16xf32>,
        %broadcast_in_dim3A_380 = arith.constant 15 : i32
        %broadcast_in_dim3A_381 = vector.broadcast %broadcast_in_dim3A_380 : i32 to vector<16x1xi32>
        %gather3A_382 = vector.shape_cast %broadcast_in_dim3A_381 : vector<16x1xi32> to vector<16xi32>
        %gather3A_383 = tpu.dynamic_gather %get3A_111[%gather3A_382] in [0] : vector<16xf32>, vector<16xi32> -> vector<16xf32>
        %mul3A_384 = arith.constant 16 : i32
        %mul3A_385 = arith.muli %scan3A_105, %mul3A_384 : i32
        %add3A_386 = arith.constant 15 : i32
        %add3A_387 = arith.addi %mul3A_385, %add3A_386 : i32
        %get3A_388 = arith.index_cast %add3A_387 : i32 to index
        %get3A_389 = arith.constant 0 : index
        %get3A_390 = tpu.vector_load %arg11[%get3A_388, %get3A_389] {strides = array<i32>} : memref<128x16xf32, #tpu.memory_space<vmem>>, vector<1x16xf32>,
        %get3A_391 = vector.shape_cast %get3A_390 : vector<1x16xf32> to vector<16xf32>
        %mul3A_392 = arith.mulf %get3A_391, %gather3A_383 : vector<16xf32>
        %swap3A_393 = arith.index_cast %add3A_387 : i32 to index
        %swap3A_394 = arith.constant 0 : index
        %swap3A_395 = tpu.vector_load %arg11[%swap3A_393, %swap3A_394] {strides = array<i32>} : memref<128x16xf32, #tpu.memory_space<vmem>>, vector<1x16xf32>,
        %swap3A_396 = vector.shape_cast %swap3A_395 : vector<1x16xf32> to vector<16xf32>
        %swap3A_397 = vector.shape_cast %mul3A_392 : vector<16xf32> to vector<1x16xf32>
        tpu.vector_store %arg11[%swap3A_393, %swap3A_394], %swap3A_397 {strides = array<i32>} : memref<128x16xf32, #tpu.memory_space<vmem>>, vector<1x16xf32>,
      }
      %scan3A_36 = arith.constant 8 : i32
      %get3A = arith.index_cast %scan3A_20 : i32 to index
      %get3A_37 = arith.constant 0 : index
      %get3A_38 = tpu.vector_load %arg9[%get3A, %get3A_37] {strides = array<i32>} : memref<79x128xi32, #tpu.memory_space<vmem>>, vector<1x16xi32>,
      %get3A_39 = vector.shape_cast %get3A_38 : vector<1x16xi32> to vector<16xi32>
      %swap3A = arith.constant 0 : index
      %swap3A_40 = tpu.vector_load %arg12[%swap3A] {strides = array<i32>} : memref<128xi32, #tpu.memory_space<vmem>>, vector<16xi32>,
      %swap3A_41 = vector.shape_cast %swap3A_40 : vector<16xi32> to vector<16xi32>
      %swap3A_42 = vector.shape_cast %get3A_39 : vector<16xi32> to vector<16xi32>
      tpu.vector_store %arg12[%swap3A], %swap3A_42 {strides = array<i32>} : memref<128xi32, #tpu.memory_space<vmem>>, vector<16xi32>,
      %get3A_43 = arith.index_cast %scan3A_20 : i32 to index
      %get3A_44 = arith.constant 16 : index
      %get3A_45 = tpu.vector_load %arg9[%get3A_43, %get3A_44] {strides = array<i32>} : memref<79x128xi32, #tpu.memory_space<vmem>>, vector<1x16xi32>,
      %get3A_46 = vector.shape_cast %get3A_45 : vector<1x16xi32> to vector<16xi32>
      %swap3A_47 = arith.constant 16 : index
      %swap3A_48 = tpu.vector_load %arg12[%swap3A_47] {strides = array<i32>} : memref<128xi32, #tpu.memory_space<vmem>>, vector<16xi32>,
      %swap3A_49 = vector.shape_cast %swap3A_48 : vector<16xi32> to vector<16xi32>
      %swap3A_50 = vector.shape_cast %get3A_46 : vector<16xi32> to vector<16xi32>
      tpu.vector_store %arg12[%swap3A_47], %swap3A_50 {strides = array<i32>} : memref<128xi32, #tpu.memory_space<vmem>>, vector<16xi32>,
      %get3A_51 = arith.index_cast %scan3A_20 : i32 to index
      %get3A_52 = arith.constant 32 : index
      %get3A_53 = tpu.vector_load %arg9[%get3A_51, %get3A_52] {strides = array<i32>} : memref<79x128xi32, #tpu.memory_space<vmem>>, vector<1x16xi32>,
      %get3A_54 = vector.shape_cast %get3A_53 : vector<1x16xi32> to vector<16xi32>
      %swap3A_55 = arith.constant 32 : index
      %swap3A_56 = tpu.vector_load %arg12[%swap3A_55] {strides = array<i32>} : memref<128xi32, #tpu.memory_space<vmem>>, vector<16xi32>,
      %swap3A_57 = vector.shape_cast %swap3A_56 : vector<16xi32> to vector<16xi32>
      %swap3A_58 = vector.shape_cast %get3A_54 : vector<16xi32> to vector<16xi32>
      tpu.vector_store %arg12[%swap3A_55], %swap3A_58 {strides = array<i32>} : memref<128xi32, #tpu.memory_space<vmem>>, vector<16xi32>,
      %get3A_59 = arith.index_cast %scan3A_20 : i32 to index
      %get3A_60 = arith.constant 48 : index
      %get3A_61 = tpu.vector_load %arg9[%get3A_59, %get3A_60] {strides = array<i32>} : memref<79x128xi32, #tpu.memory_space<vmem>>, vector<1x16xi32>,
      %get3A_62 = vector.shape_cast %get3A_61 : vector<1x16xi32> to vector<16xi32>
      %swap3A_63 = arith.constant 48 : index
      %swap3A_64 = tpu.vector_load %arg12[%swap3A_63] {strides = array<i32>} : memref<128xi32, #tpu.memory_space<vmem>>, vector<16xi32>,
      %swap3A_65 = vector.shape_cast %swap3A_64 : vector<16xi32> to vector<16xi32>
      %swap3A_66 = vector.shape_cast %get3A_62 : vector<16xi32> to vector<16xi32>
      tpu.vector_store %arg12[%swap3A_63], %swap3A_66 {strides = array<i32>} : memref<128xi32, #tpu.memory_space<vmem>>, vector<16xi32>,
      %get3A_67 = arith.index_cast %scan3A_20 : i32 to index
      %get3A_68 = arith.constant 64 : index
      %get3A_69 = tpu.vector_load %arg9[%get3A_67, %get3A_68] {strides = array<i32>} : memref<79x128xi32, #tpu.memory_space<vmem>>, vector<1x16xi32>,
      %get3A_70 = vector.shape_cast %get3A_69 : vector<1x16xi32> to vector<16xi32>
      %swap3A_71 = arith.constant 64 : index
      %swap3A_72 = tpu.vector_load %arg12[%swap3A_71] {strides = array<i32>} : memref<128xi32, #tpu.memory_space<vmem>>, vector<16xi32>,
      %swap3A_73 = vector.shape_cast %swap3A_72 : vector<16xi32> to vector<16xi32>
      %swap3A_74 = vector.shape_cast %get3A_70 : vector<16xi32> to vector<16xi32>
      tpu.vector_store %arg12[%swap3A_71], %swap3A_74 {strides = array<i32>} : memref<128xi32, #tpu.memory_space<vmem>>, vector<16xi32>,
      %get3A_75 = arith.index_cast %scan3A_20 : i32 to index
      %get3A_76 = arith.constant 80 : index
      %get3A_77 = tpu.vector_load %arg9[%get3A_75, %get3A_76] {strides = array<i32>} : memref<79x128xi32, #tpu.memory_space<vmem>>, vector<1x16xi32>,
      %get3A_78 = vector.shape_cast %get3A_77 : vector<1x16xi32> to vector<16xi32>
      %swap3A_79 = arith.constant 80 : index
      %swap3A_80 = tpu.vector_load %arg12[%swap3A_79] {strides = array<i32>} : memref<128xi32, #tpu.memory_space<vmem>>, vector<16xi32>,
      %swap3A_81 = vector.shape_cast %swap3A_80 : vector<16xi32> to vector<16xi32>
      %swap3A_82 = vector.shape_cast %get3A_78 : vector<16xi32> to vector<16xi32>
      tpu.vector_store %arg12[%swap3A_79], %swap3A_82 {strides = array<i32>} : memref<128xi32, #tpu.memory_space<vmem>>, vector<16xi32>,
      %get3A_83 = arith.index_cast %scan3A_20 : i32 to index
      %get3A_84 = arith.constant 96 : index
      %get3A_85 = tpu.vector_load %arg9[%get3A_83, %get3A_84] {strides = array<i32>} : memref<79x128xi32, #tpu.memory_space<vmem>>, vector<1x16xi32>,
      %get3A_86 = vector.shape_cast %get3A_85 : vector<1x16xi32> to vector<16xi32>
      %swap3A_87 = arith.constant 96 : index
      %swap3A_88 = tpu.vector_load %arg12[%swap3A_87] {strides = array<i32>} : memref<128xi32, #tpu.memory_space<vmem>>, vector<16xi32>,
      %swap3A_89 = vector.shape_cast %swap3A_88 : vector<16xi32> to vector<16xi32>
      %swap3A_90 = vector.shape_cast %get3A_86 : vector<16xi32> to vector<16xi32>
      tpu.vector_store %arg12[%swap3A_87], %swap3A_90 {strides = array<i32>} : memref<128xi32, #tpu.memory_space<vmem>>, vector<16xi32>,
      %get3A_91 = arith.index_cast %scan3A_20 : i32 to index
      %get3A_92 = arith.constant 112 : index
      %get3A_93 = tpu.vector_load %arg9[%get3A_91, %get3A_92] {strides = array<i32>} : memref<79x128xi32, #tpu.memory_space<vmem>>, vector<1x16xi32>,
      %get3A_94 = vector.shape_cast %get3A_93 : vector<1x16xi32> to vector<16xi32>
      %swap3A_95 = arith.constant 112 : index
      %swap3A_96 = tpu.vector_load %arg12[%swap3A_95] {strides = array<i32>} : memref<128xi32, #tpu.memory_space<vmem>>, vector<16xi32>,
      %swap3A_97 = vector.shape_cast %swap3A_96 : vector<16xi32> to vector<16xi32>
      %swap3A_98 = vector.shape_cast %get3A_94 : vector<16xi32> to vector<16xi32>
      tpu.vector_store %arg12[%swap3A_95], %swap3A_98 {strides = array<i32>} : memref<128xi32, #tpu.memory_space<vmem>>, vector<16xi32>,
      %dma_start3A_99 = arith.constant 0 : i32
      %dma_start3A_100 = arith.constant 0 : i32
      %dma_start3A_101 = tpu.memref_slice %arg13[%dma_start3A_99, %dma_start3A_100] : memref<10240x16xf32, #tpu.memory_space<vmem_shared>> -> memref<10240x16xf32, #tpu.memory_space<vmem_shared>>
      tpu.enqueue_indirect_dma source(%arg11 : memref<128x16xf32, #tpu.memory_space<vmem>>) target(%dma_start3A_101 : memref<10240x16xf32, #tpu.memory_space<vmem_shared>>) offsets(%arg12 : memref<128xi32, #tpu.memory_space<vmem>>) semaphore(%arg16 : memref<!tpu.dma_semaphore, #tpu.memory_space<semaphore_mem>>) {add = true}
      %dma_wait3A_102 = arith.constant 0 : i32
      %dma_wait3A_103 = arith.constant 0 : i32
      %dma_wait3A_104 = tpu.memref_slice %arg13[%dma_wait3A_102, %dma_wait3A_103] : memref<10240x16xf32, #tpu.memory_space<vmem_shared>> -> memref<10240x16xf32, #tpu.memory_space<vmem_shared>>
      tpu.wait_indirect_dma semaphore(%arg16 : memref<!tpu.dma_semaphore, #tpu.memory_space<semaphore_mem>>) src(%arg11 : memref<128x16xf32, #tpu.memory_space<vmem>>) dst(%dma_wait3A_104 : memref<10240x16xf32, #tpu.memory_space<vmem_shared>>)
    }
    %scan3A_11 = arith.constant 79 : i32
    %barrier3A_12 = arith.constant 0 : index
    tpu.barrier barrier_id(%barrier3A_12)
    %mul3A_13 = arith.constant 640 : i32
    %mul3A_14 = arith.muli %arg1, %mul3A_13 : i32
    %mul3A_15 = arith.constant 10240 : i32
    %mul3A_16 = arith.muli %arg0, %mul3A_15 : i32
    %mul3A_17 = arith.constant 640 : i32
    %mul3A_18 = arith.muli %arg1, %mul3A_17 : i32
    %add3A_19 = arith.addi %mul3A_16, %mul3A_18 : i32
    "tpu.region"() ({
      %run_scoped3A = tpu.sem_alloc : memref<!tpu.dma_semaphore, #tpu.memory_space<semaphore_mem>>
      %dma_start3A = arith.constant 0 : i32
      %dma_start3A_20 = tpu.memref_slice %arg7[%add3A_19, %dma_start3A] : memref<20480x16xf32, #tpu.memory_space<hbm>> -> memref<640x16xf32, #tpu.memory_space<hbm>>
      %dma_start3A_21 = arith.constant 0 : i32
      %dma_start3A_22 = tpu.memref_slice %arg13[%mul3A_14, %dma_start3A_21] : memref<10240x16xf32, #tpu.memory_space<vmem_shared>> -> memref<640x16xf32, #tpu.memory_space<vmem_shared>>
      tpu.enqueue_dma source(%dma_start3A_22 : memref<640x16xf32, #tpu.memory_space<vmem_shared>>) target(%dma_start3A_20 : memref<640x16xf32, #tpu.memory_space<hbm>>) target_semaphore(%run_scoped3A : memref<!tpu.dma_semaphore, #tpu.memory_space<semaphore_mem>>)
      %dma_wait3A = arith.constant 0 : i32
      %dma_wait3A_23 = tpu.memref_slice %arg7[%add3A_19, %dma_wait3A] : memref<20480x16xf32, #tpu.memory_space<hbm>> -> memref<640x16xf32, #tpu.memory_space<hbm>>
      %dma_wait3A_24 = arith.constant 0 : i32
      %dma_wait3A_25 = tpu.memref_slice %arg13[%mul3A_14, %dma_wait3A_24] : memref<10240x16xf32, #tpu.memory_space<vmem_shared>> -> memref<640x16xf32, #tpu.memory_space<vmem_shared>>
      tpu.wait_dma2 semaphore(%run_scoped3A : memref<!tpu.dma_semaphore, #tpu.memory_space<semaphore_mem>>) src(%dma_wait3A_25 : memref<640x16xf32, #tpu.memory_space<vmem_shared>>) dst(%dma_wait3A_23 : memref<640x16xf32, #tpu.memory_space<hbm>>)
      tpu.yield
    }) : () -> ()
    return
  }
}

module attributes {stable_mosaic.version = 14 : i64} {
  func.func @body(%arg0: memref<2x10240x128xf32, #tpu.memory_space<vmem>>, %arg1: memref<128x64xf32, #tpu.memory_space<vmem>>, %arg2: memref<1x64xf32, #tpu.memory_space<vmem>>, %arg3: memref<10240x64xf32, #tpu.memory_space<vmem>>) attributes {dimension_semantics = [], scalar_prefetch = 0 : i64, scratch_operands = 0 : i64, tpu.core_type = #tpu.core_type<tc>} {
    %get3A = arith.constant 0 : index
    %get3A_0 = arith.constant 0 : index
    %get3A_1 = arith.constant 0 : index
    %get3A_2 = vector.load %arg0[%get3A, %get3A_0, %get3A_1] : memref<2x10240x128xf32, #tpu.memory_space<vmem>>, vector<1x10240x128xf32>
    %get3A_3 = vector.shape_cast %get3A_2 : vector<1x10240x128xf32> to vector<10240x128xf32>
    %get3A_4 = arith.constant 1 : index
    %get3A_5 = arith.constant 0 : index
    %get3A_6 = arith.constant 0 : index
    %get3A_7 = vector.load %arg0[%get3A_4, %get3A_5, %get3A_6] : memref<2x10240x128xf32, #tpu.memory_space<vmem>>, vector<1x10240x128xf32>
    %get3A_8 = vector.shape_cast %get3A_7 : vector<1x10240x128xf32> to vector<10240x128xf32>
    %add3A = arith.addf %get3A_3, %get3A_8 : vector<10240x128xf32>
    %get3A_9 = arith.constant 0 : index
    %get3A_10 = arith.constant 0 : index
    %get3A_11 = vector.load %arg1[%get3A_9, %get3A_10] : memref<128x64xf32, #tpu.memory_space<vmem>>, vector<128x64xf32>
    %dot_general3A = arith.constant dense<0.000000e+00> : vector<10240x64xf32>
    %dot_general3A_12 = tpu.matmul %add3A, %get3A_11, %dot_general3A {dimension_numbers = #tpu.dot_dimension_numbers<[1], [0], [0], [1], [0, 0, 1, 1], [], []>, precision = #tpu.contract_precision<fp32>, transpose_lhs_hint = false} : vector<10240x128xf32>, vector<128x64xf32>, vector<10240x64xf32> -> vector<10240x64xf32>
    %get3A_13 = arith.constant 0 : index
    %get3A_14 = arith.constant 0 : index
    %get3A_15 = vector.load %arg2[%get3A_13, %get3A_14] : memref<1x64xf32, #tpu.memory_space<vmem>>, vector<1x64xf32>
    %add3A_16 = vector.broadcast %get3A_15 : vector<1x64xf32> to vector<10240x64xf32>
    %add3A_17 = arith.addf %dot_general3A_12, %add3A_16 : vector<10240x64xf32>
    %swap3A = arith.constant 0 : index
    %swap3A_18 = arith.constant 0 : index
    %swap3A_19 = vector.load %arg3[%swap3A, %swap3A_18] : memref<10240x64xf32, #tpu.memory_space<vmem>>, vector<10240x64xf32>
    tpu.vector_store %arg3[%swap3A, %swap3A_18], %add3A_17 {strides = array<i32>} : memref<10240x64xf32, #tpu.memory_space<vmem>>, vector<10240x64xf32>,
    return
  }
}

module attributes {stable_mosaic.version = 14 : i64} {
  func.func @body(%arg0: memref<2x10240x64xf32, #tpu.memory_space<vmem>>, %arg1: memref<64x16xf32, #tpu.memory_space<vmem>>, %arg2: memref<1x16xf32, #tpu.memory_space<vmem>>, %arg3: memref<10240x16xf32, #tpu.memory_space<vmem>>) attributes {dimension_semantics = [], scalar_prefetch = 0 : i64, scratch_operands = 0 : i64, tpu.core_type = #tpu.core_type<tc>} {
    %get3A = arith.constant 0 : index
    %get3A_0 = arith.constant 0 : index
    %get3A_1 = arith.constant 0 : index
    %get3A_2 = vector.load %arg0[%get3A, %get3A_0, %get3A_1] : memref<2x10240x64xf32, #tpu.memory_space<vmem>>, vector<1x10240x64xf32>
    %get3A_3 = vector.shape_cast %get3A_2 : vector<1x10240x64xf32> to vector<10240x64xf32>
    %get3A_4 = arith.constant 1 : index
    %get3A_5 = arith.constant 0 : index
    %get3A_6 = arith.constant 0 : index
    %get3A_7 = vector.load %arg0[%get3A_4, %get3A_5, %get3A_6] : memref<2x10240x64xf32, #tpu.memory_space<vmem>>, vector<1x10240x64xf32>
    %get3A_8 = vector.shape_cast %get3A_7 : vector<1x10240x64xf32> to vector<10240x64xf32>
    %add3A = arith.addf %get3A_3, %get3A_8 : vector<10240x64xf32>
    %max3A = arith.constant 0.000000e+00 : f32
    %max3A_9 = vector.broadcast %max3A : f32 to vector<10240x64xf32>
    %max3A_10 = arith.maximumf %add3A, %max3A_9 : vector<10240x64xf32>
    %get3A_11 = arith.constant 0 : index
    %get3A_12 = arith.constant 0 : index
    %get3A_13 = vector.load %arg1[%get3A_11, %get3A_12] : memref<64x16xf32, #tpu.memory_space<vmem>>, vector<64x16xf32>
    %dot_general3A = arith.constant dense<0.000000e+00> : vector<10240x16xf32>
    %dot_general3A_14 = tpu.matmul %max3A_10, %get3A_13, %dot_general3A {dimension_numbers = #tpu.dot_dimension_numbers<[1], [0], [0], [1], [0, 0, 1, 1], [], []>, precision = #tpu.contract_precision<fp32>, transpose_lhs_hint = false} : vector<10240x64xf32>, vector<64x16xf32>, vector<10240x16xf32> -> vector<10240x16xf32>
    %get3A_15 = arith.constant 0 : index
    %get3A_16 = arith.constant 0 : index
    %get3A_17 = vector.load %arg2[%get3A_15, %get3A_16] : memref<1x16xf32, #tpu.memory_space<vmem>>, vector<1x16xf32>
    %add3A_18 = vector.broadcast %get3A_17 : vector<1x16xf32> to vector<10240x16xf32>
    %add3A_19 = arith.addf %dot_general3A_14, %add3A_18 : vector<10240x16xf32>
    %swap3A = arith.constant 0 : index
    %swap3A_20 = arith.constant 0 : index
    %swap3A_21 = vector.load %arg3[%swap3A, %swap3A_20] : memref<10240x16xf32, #tpu.memory_space<vmem>>, vector<10240x16xf32>
    tpu.vector_store %arg3[%swap3A, %swap3A_20], %add3A_19 {strides = array<i32>} : memref<10240x16xf32, #tpu.memory_space<vmem>>, vector<10240x16xf32>,
    return
  }
}

module attributes {stable_mosaic.version = 14 : i64} {
  func.func @body(%arg0: memref<2x10000x16xf32, #tpu.memory_space<vmem>>, %arg1: memref<10000x16xf32, #tpu.memory_space<vmem>>) attributes {dimension_semantics = [], scalar_prefetch = 0 : i64, scratch_operands = 0 : i64, tpu.core_type = #tpu.core_type<tc>} {
    %get3A = arith.constant 0 : index
    %get3A_0 = arith.constant 0 : index
    %get3A_1 = arith.constant 0 : index
    %get3A_2 = vector.load %arg0[%get3A, %get3A_0, %get3A_1] : memref<2x10000x16xf32, #tpu.memory_space<vmem>>, vector<1x10000x16xf32>
    %get3A_3 = vector.shape_cast %get3A_2 : vector<1x10000x16xf32> to vector<10000x16xf32>
    %get3A_4 = arith.constant 1 : index
    %get3A_5 = arith.constant 0 : index
    %get3A_6 = arith.constant 0 : index
    %get3A_7 = vector.load %arg0[%get3A_4, %get3A_5, %get3A_6] : memref<2x10000x16xf32, #tpu.memory_space<vmem>>, vector<1x10000x16xf32>
    %get3A_8 = vector.shape_cast %get3A_7 : vector<1x10000x16xf32> to vector<10000x16xf32>
    %add3A = arith.addf %get3A_3, %get3A_8 : vector<10000x16xf32>
    %reduce_max3A = arith.constant dense<0xFF800000> : vector<10000xf32>
    %reduce_max3A_9 = vector.multi_reduction <maximumf>, %add3A, %reduce_max3A [1] : vector<10000x16xf32> to vector<10000xf32>
    %broadcast_in_dim3A = vector.shape_cast %reduce_max3A_9 : vector<10000xf32> to vector<10000x1xf32>
    %sub3A = vector.broadcast %broadcast_in_dim3A : vector<10000x1xf32> to vector<10000x16xf32>
    %sub3A_10 = arith.subf %add3A, %sub3A : vector<10000x16xf32>
    %exp3A = math.exp %sub3A_10 : vector<10000x16xf32>
    %sub3A_11 = vector.broadcast %broadcast_in_dim3A : vector<10000x1xf32> to vector<10000x16xf32>
    %sub3A_12 = arith.subf %add3A, %sub3A_11 : vector<10000x16xf32>
    %reduce_sum3A = arith.constant dense<0.000000e+00> : vector<10000xf32>
    %reduce_sum3A_13 = vector.multi_reduction <add>, %exp3A, %reduce_sum3A [1] : vector<10000x16xf32> to vector<10000xf32>
    %broadcast_in_dim3A_14 = vector.shape_cast %reduce_sum3A_13 : vector<10000xf32> to vector<10000x1xf32>
    %log3A = math.log %broadcast_in_dim3A_14 : vector<10000x1xf32>
    %sub3A_15 = vector.broadcast %log3A : vector<10000x1xf32> to vector<10000x16xf32>
    %sub3A_16 = arith.subf %sub3A_12, %sub3A_15 : vector<10000x16xf32>
    %swap3A = arith.constant 0 : index
    %swap3A_17 = arith.constant 0 : index
    %swap3A_18 = vector.load %arg1[%swap3A, %swap3A_17] : memref<10000x16xf32, #tpu.memory_space<vmem>>, vector<10000x16xf32>
    tpu.vector_store %arg1[%swap3A, %swap3A_17], %sub3A_16 {strides = array<i32>} : memref<10000x16xf32, #tpu.memory_space<vmem>>, vector<10000x16xf32>,
    return
  }
}

</mosaic_0001>

<sc_bundles>
// kernel: kernel.11.cloned.1.call-start
scs
__scs_entry_jumppad:
0x0: {  	(pc) =	sbr.rel $0x88, $3  }
0x1: {  	(tag) =	ssettag $0x0;
	lr =	simm.s32 $0x1  }
0x2: {  	[smem:$0x3F99] =	sst lr;
	_ =	strace $0xD0000000  }
0x3: {  	_ = 	snop  }
0x4: {  	_ = 	snop  }
0x5: {  	_ = 	snop  }
0x6: {  	_ = 	snop  }
0x7: {  	_ = 	snop  }
__scs_overlays_trampoline_lowered:
0x8: {  	[smem:$0x3FA8] =	sst s0  }
0x9: {  	[smem:$0x3FA9] =	sst s1  }
0xa: {  	[smem:$0x3FAA] =	sst s2  }
0xb: {  	[smem:$0x3FAB] =	sst s3  }
0xc: {  	[smem:$0x3FAC] =	sst s4  }
0xd: {  	[smem:$0x3FAD] =	sst s5  }
0xe: {  	[smem:$0x3FAE] =	sst s6  }
0xf: {  	[smem:$0x3FAF] =	sst s7  }
0x10: {  	[smem:$0x3FB0] =	sst s8  }
0x11: {  	[smem:$0x3FB1] =	sst s9;
	s0 =	simm.s32 @!p0 $0x0  }
0x12: {  	s1 =	sld [smem:$0x3F97];
	s0 =	simm.s32 @p0 $0x1  }
0x13: {  	[smem:$0x3FB2] =	sst s0;
	s0 =	simm.s32 @!p1 $0x0  }
0x14: {  	s2 =	sld [smem:$0x3F96];
	s0 =	simm.s32 @p1 $0x1  }
0x15: {  	[smem:$0x3FB3] =	sst s0;
	s0 =	simm.s32 @!p2 $0x0  }
0x16: {  	s3 =	sld [smem:$0x3FDB];
	s0 =	simm.s32 @p2 $0x1  }
0x17: {  	s4 =	simm.s32 $0x1BF5;
	[smem:$0x3FB5] =	sst s0  }
0x18: {  	s0 =	sld [smem:$0x3F98];
	_ =	swait.ge [sflag:s4], $0x0  }
0x19: {  	s7 =	sld [smem:$0x3F99]  }
0x1a: {  	s8 =	sadd.s32 $0xFFFFE003, lr  }
0x1b: {  	s9 =	sadd.s32 $0xFFFFFEF7, lr;
	s5 =	simm.s32 $0xFFFFFFFF;
	p2 =	slt.u32 s8, $0xFFFFF086  }
0x1c: {  	p1 =	slt.u32 s9, $0xF7A;
	s5 =	simm.s32 @!p2 $0x0  }
0x1d: {  	s5 =	simm.s32 @p1 $0x1;
	p0 =	seq.s32 s7, s2  }
0x1e: {  	s7 =	smul.u32 @!p0 $0xF7A, s2;
	p2 =	seq.s32 @!p0 s5, $0x0  }
0x1f: {  	s9 =	smul.u32 $0xF7A, s1;
	s8 =	simm.s32 @!p0 $0x1BF5;
	p2 =	por !p2, p0  }
0x20: {  	[sflag:s8] =	ssyncset.s32 @!p0 $0xFFFFF086;
	s6 =	sadd.s32 @!p0 s3, s7;
	s7 =	simm.s32 @!p0 $0x108  }
0x21: {  	s3 =	sadd.s32 s3, s9;
	s6 =	sadd.s32 @!p0 $0x88, s6;
	s7 =	simm.s32 @p2 $0x1082  }
0x22: {  	[simem:s7], [sflag:s8] =	dma.local @!p0 [hbm:s6], $0xF7A  }
0x23: {  	s9 =	sor.u32 $0xD0000000, s2;
	s6 =	simm.s32 $0x108;
	_ =	swait.ge @!p0 [sflag:s8], $0x0  }
0x24: {  	s3 =	sadd.s32 $0x88, s3;
	s6 =	simm.s32 @!p1 $0x1082;
	[sflag:s4] =	ssyncset.s32 $0xFFFFF086  }
0x25: {  	[simem:s6], [sflag:s4] =	dma.local [hbm:s3], $0xF7A  }
0x26: {  	[smem:$0x3F99] =	sst s1;
	(tag) =	ssettag s2;
	_ =	strace s9  }
0x27: {  	s1 =	sld [smem:$0x3FA9]  }
0x28: {  	s2 =	sld [smem:$0x3FAA]  }
0x29: {  	s4 =	sld [smem:$0x3FAC]  }
0x2a: {  	p0 =	seq.s32 s5, $0x0;
	s5 =	sld [smem:$0x3FAD]  }
0x2b: {  	s6 =	sld [smem:$0x3FAE]  }
0x2c: {  	s7 =	sld [smem:$0x3FAF]  }
0x2d: {  	s3 =	simm.s32 $0x108;
	s8 =	sld [smem:$0x3FB0]  }
0x2e: {  	s3 =	simm.s32 @!p0 $0x1082;
	s9 =	sld [smem:$0x3FB1]  }
0x2f: {  	lr =	sadd.s32 s0, s3;
	s0 =	sld [smem:$0x3FA8]  }
0x30: {  	s3 =	sld [smem:$0x3FAB]  }
0x31: {  	[smem:$0x3FB4] =	sst s10  }
0x32: {  	s10 =	sld [smem:$0x3FB2];
	_ =	sdelay $0x3  }
0x33: {  	p0 =	seq.s32 s10, $0x1;
	s10 =	sld [smem:$0x3FB4];
	_ =	sdelay $0x3  }
0x34: {  	[smem:$0x3FB4] =	sst s10  }
0x35: {  	s10 =	sld [smem:$0x3FB3];
	_ =	sdelay $0x3  }
0x36: {  	p1 =	seq.s32 s10, $0x1;
	s10 =	sld [smem:$0x3FB4];
	_ =	sdelay $0x3  }
0x37: {  	[smem:$0x3FB4] =	sst s10  }
0x38: {  	s10 =	sld [smem:$0x3FB5]  }
0x39: {  	_ = 	snop;
	(pc) =	sbr.ind lr, $3  }
0x3a: {  	_ = 	snop  }
0x3b: {  	_ = 	snop  }
0x3c: {  	p2 =	seq.s32 s10, $0x1;
	s10 =	sld [smem:$0x3FB4]  }
0x3d: {  	_ =	shalt  }
0x3e: {  	_ =	shalt  }
0x3f: {  	_ =	shalt  }
0x40: {  	_ =	shalt  }
0x41: {  	_ =	shalt  }
0x42: {  	_ =	shalt  }
0x43: {  	_ =	shalt  }
0x44: {  	_ =	shalt  }
0x45: {  	_ =	shalt  }
0x46: {  	_ =	shalt  }
0x47: {  	_ =	shalt  }
0x48: {  	_ =	shalt  }
0x49: {  	_ =	shalt  }
0x4a: {  	_ =	shalt  }
0x4b: {  	_ =	shalt  }
0x4c: {  	_ =	shalt  }
0x4d: {  	_ =	shalt  }
0x4e: {  	_ =	shalt  }
0x4f: {  	_ =	shalt  }
0x50: {  	_ =	shalt  }
0x51: {  	_ =	shalt  }
0x52: {  	_ =	shalt  }
0x53: {  	_ =	shalt  }
0x54: {  	_ =	shalt  }
0x55: {  	_ =	shalt  }
0x56: {  	_ =	shalt  }
0x57: {  	_ =	shalt  }
0x58: {  	_ =	shalt  }
0x59: {  	_ =	shalt  }
0x5a: {  	_ =	shalt  }
0x5b: {  	_ =	shalt  }
0x5c: {  	_ =	shalt  }
0x5d: {  	_ =	shalt  }
0x5e: {  	_ =	shalt  }
0x5f: {  	_ =	shalt  }
0x60: {  	_ =	shalt  }
0x61: {  	_ =	shalt  }
0x62: {  	_ =	shalt  }
0x63: {  	_ =	shalt  }
0x64: {  	_ =	shalt  }
0x65: {  	_ =	shalt  }
0x66: {  	_ =	shalt  }
0x67: {  	_ =	shalt  }
0x68: {  	_ =	shalt  }
0x69: {  	_ =	shalt  }
0x6a: {  	_ =	shalt  }
0x6b: {  	_ =	shalt  }
0x6c: {  	_ =	shalt  }
0x6d: {  	_ =	shalt  }
0x6e: {  	_ =	shalt  }
0x6f: {  	_ =	shalt  }
0x70: {  	_ =	shalt  }
0x71: {  	_ =	shalt  }
0x72: {  	_ =	shalt  }
0x73: {  	_ =	shalt  }
0x74: {  	_ =	shalt  }
0x75: {  	_ =	shalt  }
0x76: {  	_ =	shalt  }
0x77: {  	_ =	shalt  }
0x78: {  	_ =	shalt  }
0x79: {  	_ =	shalt  }
0x7a: {  	_ =	shalt  }
0x7b: {  	_ =	shalt  }
0x7c: {  	_ =	shalt  }
0x7d: {  	_ =	shalt  }
0x7e: {  	_ =	shalt  }
0x7f: {  	_ =	shalt  }
0x80: {  	_ =	shalt  }
0x81: {  	_ =	shalt  }
0x82: {  	_ =	shalt  }
0x83: {  	_ =	shalt  }
0x84: {  	_ =	shalt  }
0x85: {  	_ =	shalt  }
0x86: {  	_ =	shalt  }
0x87: {  	_ =	shalt  }
.Lfunc_end0:
.L_simem_size_0:
called_computation.1_lowered:
.L_overlay_start_0:
0x88: {  	s2 =	sld [smem:$0x3FD9]  }
0x89: {  	s3 =	sld [smem:$0x3FFE];
	_ =	sdelay $0x1  }
0x8a: {  	s1 =	srdreg.scid  }
0x8b: {  	s0 =	sand.u32 $0x1, s1  }
0x8c: {  	s17 =	sshll.u32 s0, $0xA;
	s2 =	sadd.s32 s3, s2  }
0x8d: {  	s2 =	sadd.s32 s2, s17  }
0x8e: {  	[smem:$0x3FC0] =	sst s2  }
0x8f: {  	_ = 	snop  }
0x90: {  	s2 =	sld [smem:$0x3FD0];
	(tm) =	ssettm $0x1  }
0x91: {  	s18 =	sld [smem:$0x3FFB];
	_ =	sdelay $0x3  }
0x92: {  	_ =	strace s18  }
0x93: {  	s3 =	sld [smem:$0x3FFC];
	_ =	sdelay $0x3  }
0x94: {  	_ =	strace s3  }
0x95: {  	s3 =	sld [smem:$0x3FFD];
	_ =	sdelay $0x3  }
0x96: {  	_ =	strace s3  }
0x97: {  	_ =	strace $0x8FFFFFFF  }
0x98: {  	s19 =	sld [smem:$0x3FDB];
	_ =	sdelay $0x1  }
0x99: {  	s4 =	simm.s32 $_scs_section_size  }
0x9a: {  	s5 =	simm.s32 $_size__tile_overlayer_lowered;
	s6 =	simm.s32 $_tile_overlayer_lowered  }
0x9b: {  	s22 =	simm.s32 $0x1BFF;
	s21 =	sshll.u32 s6, $0x1;
	s3 =	sadd.s32 s4, s19  }
0x9c: {  	s7 =	simm.s32 $0x0;
	s20 =	sshll.u32 s5, $0x1;
	s5 =	sadd.s32 s21, s3  }
0x9d: {  	[timem:s7], [sflag:s22] =	dma.local [hbm:s5], s20  }
0x9e: {  	_ =	swait.ge [sflag:s22], s20  }
0x9f: {  	s4 =	ssub.s32 $0x0, s20;
	[sflag:s22] =	ssyncset.done $0x0  }
0xa0: {  	[sflag:s22] =	ssyncadd.s32 s4;
	_ =	sdelay $0x1  }
0xa1: {  	s23 =	simm.s32 $0x1B8B  }
0xa2: {  	_ =	swait.ge [sflag:s23], $0x1  }
0xa3: {  	[sflag:s23] =	ssyncset.done $0x0  }
0xa4: {  	s25 =	simm.s32 $0x1B8E;
	s24 =	sld [smem:$0x3FFE];
	[sflag:s23] =	ssyncadd.s32 $0xFFFFFFFF  }
0xa5: {  	s26 =	simm.s32 $execute0_lowered;
	[smem:$0x3FD2] =	sst s25  }
0xa6: {  	s5 =	sshll.u32 s26, $0x1;
	_ =	strace $0x80000049;
	[dreg:$0x1] =	wrdreg $0xFFFFFFFF  }
0xa7: {  	s28 =	simm.s32 $_size_execute0_lowered;
	s3 =	sadd.s32 s3, s5;
	[dreg:$0x0] =	wrdreg $0x0  }
0xa8: {  	s5 =	sshll.u32 s28, $0x1;
	[dreg:$0x2] =	wrdreg s3  }
0xa9: {  	[dreg:$0x3] =	wrdreg s5  }
0xaa: {  	[dreg:$0x4] =	wrdreg $0xC0  }
0xab: {  	_ =	task [dreg:s7], $0x5FFFF  }
0xac: {  	[dreg:$0x1] =	wrdreg $0xFFFFFFFF  }
0xad: {  	[dreg:$0x0] =	wrdreg $0x60  }
0xae: {  	[dreg:$0x2] =	wrdreg s24  }
0xaf: {  	[dreg:$0x3] =	wrdreg s2  }
0xb0: {  	[dreg:$0x4] =	wrdreg $0x97000  }
0xb1: {  	[dreg:$0x5] =	wrdreg $0x137000  }
0xb2: {  	[dreg:$0x6] =	wrdreg $0x9  }
0xb3: {  	_ =	task.clear_ibuf [dreg:s7], $0x7FFFF;
	_ =	strace $0x90000049  }
0xb4: {  	s29 =	simm.s32 $0x9;
	_ =	strace $0x8000004B  }
0xb5: {  	_ =	swait.ge [sflag:s29], $0x1  }
0xb6: {  	[sflag:s29] =	ssyncadd.s32 $0xFFFFFFFF  }
0xb7: {  	_ =	strace $0x9000004B  }
0xb8: {  	_ =	sfence  }
0xb9: {  	s30 =	sld [smem:$0x0];
	_ =	sdelay $0x2  }
0xba: {  	s31 =	sshll.u32 s1, $0xD;
	s1 =	sshrl.u32 s1, $0x2  }
0xbb: {  	s3 =	sand.u32 $0x4000, s31;
	s1 =	sadd.s32 s1, s30  }
0xbc: {  	s0 =	sor.u32 s3, s0;
	s1 =	sshll.u32 s1, $0x11  }
0xbd: {  	s0 =	sor.u32 s1, s0  }
0xbe: {  	s0 =	sadd.s32 $0x8F2B, s0  }
0xbf: {  	[sflag:s0] =	ssyncadd.remote.s32 $0x1  }
0xc0: {  	_ =	sfence.sel $0xFFFF  }
0xc1: {  	[dreg:$0x0] =	wrdreg $0xFFFFFFFF;
	(pc) =	sbr.abs _section_cstart, $3  }
0xc2: {  	[dreg:$0x1] =	wrdreg $0xFFFFFFFF  }
0xc3: {  	_ =	task.clear_ibuf [dreg:s7], $0x2FFFF;
	_ =	strace $0x9FFFFFFF  }
0xc4: {  	(tm) =	ssettm $0x7FFFFFFF  }
0xc5: {  	_ =	shalt  }
tec
execute0_lowered:
.L_overlay_start_1:
0x0: {  	(tag) =	ssettag $0x1  }
0x1: {  	s6 =	rddreg [dreg:$0x0]  }
0x2: {  	s2 =	rddreg [dreg:$0x1]  }
0x3: {  	s3 =	rddreg [dreg:$0x2]  }
0x4: {  	s4 =	rddreg [dreg:$0x3]  }
0x5: {  	s0 =	rddreg [dreg:$0x4];
	s1 =	stileid.u32  }
0x6: {  	s5 =	simm.s32 $0x0;
	s7 =	srdreg.scid;
	s13 =	simm.s32 $0x2780  }
0x7: {  	s17 =	simm.s32 $0x80;
	s18 =	simm.s32 $0x7680;
	s19 =	simm.s32 $0x1  }
0x8: {  	s20 =	simm.s32 $0x9680;
	s21 =	simm.s32 $0x2;
	s22 =	simm.s32 $0x0  }
0x9: {  	s9 =	smul.u32 $0xA000, s1;
	s7 =	sand.u32 $0x1, s7;
	s8 =	sshll.u32 s1, $0x1  }
0xa: {  	s10 =	smul.u32 $0x1400, s1;
	[smem:$0x7FF] =	sst s5;
	s14 =	sshll.u32 s1, $0x6  }
0xb: {  	s8 =	sor.u32 s7, s8;
	s11 =	smul.u32 $0x14000, s7;
	_ =	strace $0x8000004A  }
0xc: {  	s7 =	ssub.s32 $0x2, s7;
	s14 =	sor.u32 $0x1C03, s14;
	s12 =	sshrl.u32 s9, $0x3  }
0xd: {  	v0 =	vimm.s32 $0x0;
	s8 =	smul.u32 $0x4F0, s8;
	s30 =	sshrl.u32 s7, $0x1;
	s15 =	sadd.s32 s9, s3  }
0xe: {  	v1 =	vimm.s32 $0x1;
	v2 =	vimm.s32 $0x2;
	v3 =	vimm.s32 $0x3;
	s16 =	sadd.s32 s9, s4;
	s12 =	sadd.s32 s12, s6;
	s10 =	sadd.s32 s10, s11  }
0xf: {  	v4 =	vimm.s32 $0x4;
	v5 =	vimm.s32 $0x5;
	v6 =	vimm.s32 $0x6;
	s31 =	ssub.s32 s7, s30;
	s15 =	sshrl.u32 s15, $0x3;
	s16 =	sshrl.u32 s16, $0x3  }
0x10: {  	v7 =	vimm.s32 $0x7;
	v8 =	vimm.s32 $0x8;
	v9 =	vimm.s32 $0x9;
	s8 =	sadd.s32 s8, s6;
	s10 =	sadd.s32 s10, s6;
	s9 =	sadd.s32 $0xE00, s12  }
0x11: {  	v10 =	vimm.s32 $0xA;
	v11 =	vimm.s32 $0xB;
	v12 =	vimm.s32 $0xC;
	s11 =	smax.u32 s31, $0x1;
	s12 =	simm.s32 $0x3;
	s6 =	sadd.s32 $0x78600, s8  }
0x12: {  	v13 =	vimm.s32 $0xD;
	v14 =	vimm.s32 $0xE;
	v15 =	vimm.s32 $0xF;
	s7 =	sadd.s32 $0x6E800, s8;
	s8 =	sadd.s32 $0x64A00, s8;
	s10 =	sadd.s32 $0x14E00, s10  }
.LBB2_1:
0x13: {  	[tilespmem:s5], [sflag:$0x3] =	stream.linear.gather [hbm4b:s6+s5], $0x2780, $0x38;
	[tilespmem:$0x1D700] =	vst v63  }
0x14: {  	_ =	swait.ge [sflag:s12], $0x2780  }
0x15: {  	[sflag:s12] =	ssyncset.done $0x0  }
0x16: {  	[sflag:s12] =	ssyncadd.s32 $0xFFFFD880  }
0x17: {  	[tilespmem:s13], [sflag:$0x3] =	stream.linear.gather [hbm4b:s7+s5], $0x2780, $0x38;
	[tilespmem:$0x1D700] =	vst v63  }
0x18: {  	_ =	swait.ge [sflag:s12], $0x2780  }
0x19: {  	[sflag:s12] =	ssyncset.done $0x0  }
0x1a: {  	s23 =	simm.s32 $0x4F00;
	[sflag:s12] =	ssyncadd.s32 $0xFFFFD880  }
0x1b: {  	[tilespmem:s23], [sflag:$0x3] =	stream.linear.gather [hbm4b:s8+s5], $0x2780, $0x38;
	[tilespmem:$0x1D700] =	vst v63  }
0x1c: {  	_ =	swait.ge [sflag:s12], $0x2780  }
0x1d: {  	[sflag:s12] =	ssyncset.done $0x0  }
0x1e: {  	[sflag:s12] =	ssyncadd.s32 $0xFFFFD880  }
0x1f: {  	[spmem:s15], [sflag:s14] =	dma.local [hbm:s2], $0x1400  }
0x20: {  	_ =	swait.ge [sflag:s12], $0x1400  }
0x21: {  	[sflag:s12] =	ssyncset.done $0x0  }
0x22: {  	[sflag:s12] =	ssyncadd.s32 $0xFFFFEC00  }
0x23: {  	[spmem:s16], [sflag:s14] =	dma.local [hbm:s9], $0x1400  }
0x24: {  	_ =	swait.ge [sflag:s12], $0x1400  }
0x25: {  	[sflag:s12] =	ssyncset.done $0x0  }
0x26: {  	[sflag:s12] =	ssyncadd.s32 $0xFFFFEC00  }
0x27: {  	s24 =	simm.s32 $0x0;
	[bflag:$0x0] =	sbarrier.arrive $0xFFFF  }
.LBB2_2:
0x28: {  	s25 =	sshll.u32 s24, $0x7  }
0x29: {  	v16 =	vmov s23;
	[tilespmem:s18], [sflag:$0x1] =	stream.indirect.gather [spmem:s4], $0x40, s25, s17, $0xb8;
	[tilespmem:$0x1D700] =	vst v63  }
0x2a: {  	_ =	swait.ge [sflag:s19], $0x2000  }
0x2b: {  	[sflag:s19] =	ssyncset.done $0x0  }
0x2c: {  	s26 =	simm.s32 $0x0;
	s28 =	simm.s32 $0x7880;
	[sflag:s19] =	ssyncadd.s32 $0xFFFFE000  }
.LBB2_3:
0x2d: {  	s29 =	sshra.s32 s26, $0x2  }
0x2e: {  	v17 =	vld.idx.msk [tilespmem:v16+s29+$0x0 ss:$0x1], $0xffff;
	_ =	sdelay $0x1  }
0x2f: {  	v18 =	vld [tilespmem:s28+$0xFFFFFE00];
	_ =	sdelay $0x2  }
0x30: {  	v19 =	vperm.xlane v17, v0;
	_ =	sdelay $0x1  }
0x31: {  	v18 =	vmul.f32 v18, v19;
	_ =	sdelay $0x1  }
0x32: {  	[tilespmem:s28+$0xFFFFFE00] =	vst v18;
	v18 =	vld [tilespmem:s28+$0xFFFFFE10];
	_ =	sdelay $0x4  }
0x33: {  	v18 =	vmul.f32 v18, v19;
	_ =	sdelay $0x1  }
0x34: {  	[tilespmem:s28+$0xFFFFFE10] =	vst v18;
	v18 =	vld [tilespmem:s28+$0xFFFFFE20];
	_ =	sdelay $0x4  }
0x35: {  	v18 =	vmul.f32 v18, v19;
	_ =	sdelay $0x1  }
0x36: {  	[tilespmem:s28+$0xFFFFFE20] =	vst v18;
	v18 =	vld [tilespmem:s28+$0xFFFFFE30];
	_ =	sdelay $0x4  }
0x37: {  	v18 =	vmul.f32 v18, v19;
	_ =	sdelay $0x1  }
0x38: {  	[tilespmem:s28+$0xFFFFFE30] =	vst v18;
	v18 =	vld [tilespmem:s28+$0xFFFFFE40];
	_ =	sdelay $0x2  }
0x39: {  	v19 =	vperm.xlane v17, v1;
	_ =	sdelay $0x1  }
0x3a: {  	v18 =	vmul.f32 v18, v19;
	_ =	sdelay $0x1  }
0x3b: {  	[tilespmem:s28+$0xFFFFFE40] =	vst v18;
	v18 =	vld [tilespmem:s28+$0xFFFFFE50];
	_ =	sdelay $0x4  }
0x3c: {  	v18 =	vmul.f32 v18, v19;
	_ =	sdelay $0x1  }
0x3d: {  	[tilespmem:s28+$0xFFFFFE50] =	vst v18;
	v18 =	vld [tilespmem:s28+$0xFFFFFE60];
	_ =	sdelay $0x4  }
0x3e: {  	v18 =	vmul.f32 v18, v19;
	_ =	sdelay $0x1  }
0x3f: {  	[tilespmem:s28+$0xFFFFFE60] =	vst v18;
	v18 =	vld [tilespmem:s28+$0xFFFFFE70];
	_ =	sdelay $0x4  }
0x40: {  	v18 =	vmul.f32 v18, v19;
	_ =	sdelay $0x1  }
0x41: {  	[tilespmem:s28+$0xFFFFFE70] =	vst v18;
	v18 =	vld [tilespmem:s28+$0xFFFFFE80];
	_ =	sdelay $0x2  }
0x42: {  	v19 =	vperm.xlane v17, v2;
	_ =	sdelay $0x1  }
0x43: {  	v18 =	vmul.f32 v18, v19;
	_ =	sdelay $0x1  }
0x44: {  	[tilespmem:s28+$0xFFFFFE80] =	vst v18;
	v18 =	vld [tilespmem:s28+$0xFFFFFE90];
	_ =	sdelay $0x4  }
0x45: {  	v18 =	vmul.f32 v18, v19;
	_ =	sdelay $0x1  }
0x46: {  	[tilespmem:s28+$0xFFFFFE90] =	vst v18;
	v18 =	vld [tilespmem:s28+$0xFFFFFEA0];
	_ =	sdelay $0x4  }
0x47: {  	v18 =	vmul.f32 v18, v19;
	_ =	sdelay $0x1  }
0x48: {  	[tilespmem:s28+$0xFFFFFEA0] =	vst v18;
	v18 =	vld [tilespmem:s28+$0xFFFFFEB0];
	_ =	sdelay $0x4  }
0x49: {  	v18 =	vmul.f32 v18, v19;
	_ =	sdelay $0x1  }
0x4a: {  	[tilespmem:s28+$0xFFFFFEB0] =	vst v18;
	v18 =	vld [tilespmem:s28+$0xFFFFFEC0];
	_ =	sdelay $0x2  }
0x4b: {  	v19 =	vperm.xlane v17, v3;
	_ =	sdelay $0x1  }
0x4c: {  	v18 =	vmul.f32 v18, v19;
	_ =	sdelay $0x1  }
0x4d: {  	[tilespmem:s28+$0xFFFFFEC0] =	vst v18;
	v18 =	vld [tilespmem:s28+$0xFFFFFED0];
	_ =	sdelay $0x4  }
0x4e: {  	v18 =	vmul.f32 v18, v19;
	_ =	sdelay $0x1  }
0x4f: {  	[tilespmem:s28+$0xFFFFFED0] =	vst v18;
	v18 =	vld [tilespmem:s28+$0xFFFFFEE0];
	_ =	sdelay $0x4  }
0x50: {  	v18 =	vmul.f32 v18, v19;
	_ =	sdelay $0x1  }
0x51: {  	[tilespmem:s28+$0xFFFFFEE0] =	vst v18;
	v18 =	vld [tilespmem:s28+$0xFFFFFEF0];
	_ =	sdelay $0x4  }
0x52: {  	v18 =	vmul.f32 v18, v19;
	_ =	sdelay $0x1  }
0x53: {  	[tilespmem:s28+$0xFFFFFEF0] =	vst v18;
	v18 =	vld [tilespmem:s28+$0xFFFFFF00];
	_ =	sdelay $0x2  }
0x54: {  	v19 =	vperm.xlane v17, v4;
	_ =	sdelay $0x1  }
0x55: {  	v18 =	vmul.f32 v18, v19;
	_ =	sdelay $0x1  }
0x56: {  	[tilespmem:s28+$0xFFFFFF00] =	vst v18;
	v18 =	vld [tilespmem:s28+$0xFFFFFF10];
	_ =	sdelay $0x4  }
0x57: {  	v18 =	vmul.f32 v18, v19;
	_ =	sdelay $0x1  }
0x58: {  	[tilespmem:s28+$0xFFFFFF10] =	vst v18;
	v18 =	vld [tilespmem:s28+$0xFFFFFF20];
	_ =	sdelay $0x4  }
0x59: {  	v18 =	vmul.f32 v18, v19;
	_ =	sdelay $0x1  }
0x5a: {  	[tilespmem:s28+$0xFFFFFF20] =	vst v18;
	v18 =	vld [tilespmem:s28+$0xFFFFFF30];
	_ =	sdelay $0x4  }
0x5b: {  	v18 =	vmul.f32 v18, v19;
	_ =	sdelay $0x1  }
0x5c: {  	[tilespmem:s28+$0xFFFFFF30] =	vst v18;
	v18 =	vld [tilespmem:s28+$0xFFFFFF40];
	_ =	sdelay $0x2  }
0x5d: {  	v19 =	vperm.xlane v17, v5;
	_ =	sdelay $0x1  }
0x5e: {  	v18 =	vmul.f32 v18, v19;
	_ =	sdelay $0x1  }
0x5f: {  	[tilespmem:s28+$0xFFFFFF40] =	vst v18;
	v18 =	vld [tilespmem:s28+$0xFFFFFF50];
	_ =	sdelay $0x4  }
0x60: {  	v18 =	vmul.f32 v18, v19;
	_ =	sdelay $0x1  }
0x61: {  	[tilespmem:s28+$0xFFFFFF50] =	vst v18;
	v18 =	vld [tilespmem:s28+$0xFFFFFF60];
	_ =	sdelay $0x4  }
0x62: {  	v18 =	vmul.f32 v18, v19;
	_ =	sdelay $0x1  }
0x63: {  	[tilespmem:s28+$0xFFFFFF60] =	vst v18;
	v18 =	vld [tilespmem:s28+$0xFFFFFF70];
	_ =	sdelay $0x4  }
0x64: {  	v18 =	vmul.f32 v18, v19;
	_ =	sdelay $0x1  }
0x65: {  	[tilespmem:s28+$0xFFFFFF70] =	vst v18;
	v18 =	vld [tilespmem:s28+$0xFFFFFF80];
	_ =	sdelay $0x2  }
0x66: {  	v19 =	vperm.xlane v17, v6;
	_ =	sdelay $0x1  }
0x67: {  	v18 =	vmul.f32 v18, v19;
	_ =	sdelay $0x1  }
0x68: {  	[tilespmem:s28+$0xFFFFFF80] =	vst v18;
	v18 =	vld [tilespmem:s28+$0xFFFFFF90];
	_ =	sdelay $0x4  }
0x69: {  	v18 =	vmul.f32 v18, v19;
	_ =	sdelay $0x1  }
0x6a: {  	[tilespmem:s28+$0xFFFFFF90] =	vst v18;
	v18 =	vld [tilespmem:s28+$0xFFFFFFA0];
	_ =	sdelay $0x4  }
0x6b: {  	v18 =	vmul.f32 v18, v19;
	_ =	sdelay $0x1  }
0x6c: {  	[tilespmem:s28+$0xFFFFFFA0] =	vst v18;
	v18 =	vld [tilespmem:s28+$0xFFFFFFB0];
	_ =	sdelay $0x4  }
0x6d: {  	v18 =	vmul.f32 v18, v19;
	_ =	sdelay $0x1  }
0x6e: {  	[tilespmem:s28+$0xFFFFFFB0] =	vst v18;
	v18 =	vld [tilespmem:s28+$0xFFFFFFC0];
	_ =	sdelay $0x2  }
0x6f: {  	v19 =	vperm.xlane v17, v7;
	_ =	sdelay $0x1  }
0x70: {  	v18 =	vmul.f32 v18, v19;
	_ =	sdelay $0x1  }
0x71: {  	[tilespmem:s28+$0xFFFFFFC0] =	vst v18;
	v18 =	vld [tilespmem:s28+$0xFFFFFFD0];
	_ =	sdelay $0x4  }
0x72: {  	v18 =	vmul.f32 v18, v19;
	_ =	sdelay $0x1  }
0x73: {  	[tilespmem:s28+$0xFFFFFFD0] =	vst v18;
	v18 =	vld [tilespmem:s28+$0xFFFFFFE0];
	_ =	sdelay $0x4  }
0x74: {  	v18 =	vmul.f32 v18, v19;
	_ =	sdelay $0x1  }
0x75: {  	[tilespmem:s28+$0xFFFFFFE0] =	vst v18;
	v18 =	vld [tilespmem:s28+$0xFFFFFFF0];
	_ =	sdelay $0x4  }
0x76: {  	v18 =	vmul.f32 v18, v19;
	_ =	sdelay $0x1  }
0x77: {  	[tilespmem:s28+$0xFFFFFFF0] =	vst v18;
	v18 =	vld [tilespmem:s28+$0x0];
	_ =	sdelay $0x2  }
0x78: {  	v19 =	vperm.xlane v17, v8;
	_ =	sdelay $0x1  }
0x79: {  	v18 =	vmul.f32 v18, v19;
	_ =	sdelay $0x1  }
0x7a: {  	[tilespmem:s28+$0x0] =	vst v18;
	v18 =	vld [tilespmem:s28+$0x10];
	_ =	sdelay $0x4  }
0x7b: {  	v18 =	vmul.f32 v18, v19;
	_ =	sdelay $0x1  }
0x7c: {  	[tilespmem:s28+$0x10] =	vst v18;
	v18 =	vld [tilespmem:s28+$0x20];
	_ =	sdelay $0x4  }
0x7d: {  	v18 =	vmul.f32 v18, v19;
	_ =	sdelay $0x1  }
0x7e: {  	[tilespmem:s28+$0x20] =	vst v18;
	v18 =	vld [tilespmem:s28+$0x30];
	_ =	sdelay $0x4  }
0x7f: {  	v18 =	vmul.f32 v18, v19;
	_ =	sdelay $0x1  }
0x80: {  	[tilespmem:s28+$0x30] =	vst v18;
	v18 =	vld [tilespmem:s28+$0x40];
	_ =	sdelay $0x2  }
0x81: {  	v19 =	vperm.xlane v17, v9;
	_ =	sdelay $0x1  }
0x82: {  	v18 =	vmul.f32 v18, v19;
	_ =	sdelay $0x1  }
0x83: {  	[tilespmem:s28+$0x40] =	vst v18;
	v18 =	vld [tilespmem:s28+$0x50];
	_ =	sdelay $0x4  }
0x84: {  	v18 =	vmul.f32 v18, v19;
	_ =	sdelay $0x1  }
0x85: {  	[tilespmem:s28+$0x50] =	vst v18;
	v18 =	vld [tilespmem:s28+$0x60];
	_ =	sdelay $0x4  }
0x86: {  	v18 =	vmul.f32 v18, v19;
	_ =	sdelay $0x1  }
0x87: {  	[tilespmem:s28+$0x60] =	vst v18;
	v18 =	vld [tilespmem:s28+$0x70];
	_ =	sdelay $0x4  }
0x88: {  	v18 =	vmul.f32 v18, v19;
	_ =	sdelay $0x1  }
0x89: {  	[tilespmem:s28+$0x70] =	vst v18;
	v18 =	vld [tilespmem:s28+$0x80];
	_ =	sdelay $0x2  }
0x8a: {  	v19 =	vperm.xlane v17, v10;
	_ =	sdelay $0x1  }
0x8b: {  	v18 =	vmul.f32 v18, v19;
	_ =	sdelay $0x1  }
0x8c: {  	[tilespmem:s28+$0x80] =	vst v18;
	v18 =	vld [tilespmem:s28+$0x90];
	_ =	sdelay $0x4  }
0x8d: {  	v18 =	vmul.f32 v18, v19;
	_ =	sdelay $0x1  }
0x8e: {  	[tilespmem:s28+$0x90] =	vst v18;
	v18 =	vld [tilespmem:s28+$0xA0];
	_ =	sdelay $0x4  }
0x8f: {  	v18 =	vmul.f32 v18, v19;
	_ =	sdelay $0x1  }
0x90: {  	[tilespmem:s28+$0xA0] =	vst v18;
	v18 =	vld [tilespmem:s28+$0xB0];
	_ =	sdelay $0x4  }
0x91: {  	v18 =	vmul.f32 v18, v19;
	_ =	sdelay $0x1  }
0x92: {  	[tilespmem:s28+$0xB0] =	vst v18;
	v18 =	vld [tilespmem:s28+$0xC0];
	_ =	sdelay $0x2  }
0x93: {  	v19 =	vperm.xlane v17, v11;
	_ =	sdelay $0x1  }
0x94: {  	v18 =	vmul.f32 v18, v19;
	_ =	sdelay $0x1  }
0x95: {  	[tilespmem:s28+$0xC0] =	vst v18;
	v18 =	vld [tilespmem:s28+$0xD0];
	_ =	sdelay $0x4  }
0x96: {  	v18 =	vmul.f32 v18, v19;
	_ =	sdelay $0x1  }
0x97: {  	[tilespmem:s28+$0xD0] =	vst v18;
	v18 =	vld [tilespmem:s28+$0xE0];
	_ =	sdelay $0x4  }
0x98: {  	v18 =	vmul.f32 v18, v19;
	_ =	sdelay $0x1  }
0x99: {  	[tilespmem:s28+$0xE0] =	vst v18;
	v18 =	vld [tilespmem:s28+$0xF0];
	_ =	sdelay $0x4  }
0x9a: {  	v18 =	vmul.f32 v18, v19;
	_ =	sdelay $0x1  }
0x9b: {  	[tilespmem:s28+$0xF0] =	vst v18;
	v18 =	vld [tilespmem:s28+$0x100];
	_ =	sdelay $0x2  }
0x9c: {  	v19 =	vperm.xlane v17, v12;
	_ =	sdelay $0x1  }
0x9d: {  	v18 =	vmul.f32 v18, v19;
	_ =	sdelay $0x1  }
0x9e: {  	[tilespmem:s28+$0x100] =	vst v18;
	v18 =	vld [tilespmem:s28+$0x110];
	_ =	sdelay $0x4  }
0x9f: {  	v18 =	vmul.f32 v18, v19;
	_ =	sdelay $0x1  }
0xa0: {  	[tilespmem:s28+$0x110] =	vst v18;
	v18 =	vld [tilespmem:s28+$0x120];
	_ =	sdelay $0x4  }
0xa1: {  	v18 =	vmul.f32 v18, v19;
	_ =	sdelay $0x1  }
0xa2: {  	[tilespmem:s28+$0x120] =	vst v18;
	v18 =	vld [tilespmem:s28+$0x130];
	_ =	sdelay $0x4  }
0xa3: {  	v18 =	vmul.f32 v18, v19;
	_ =	sdelay $0x1  }
0xa4: {  	[tilespmem:s28+$0x130] =	vst v18;
	v18 =	vld [tilespmem:s28+$0x140];
	_ =	sdelay $0x2  }
0xa5: {  	v19 =	vperm.xlane v17, v13;
	_ =	sdelay $0x1  }
0xa6: {  	v18 =	vmul.f32 v18, v19;
	_ =	sdelay $0x1  }
0xa7: {  	[tilespmem:s28+$0x140] =	vst v18;
	v18 =	vld [tilespmem:s28+$0x150];
	_ =	sdelay $0x4  }
0xa8: {  	v18 =	vmul.f32 v18, v19;
	_ =	sdelay $0x1  }
0xa9: {  	[tilespmem:s28+$0x150] =	vst v18;
	v18 =	vld [tilespmem:s28+$0x160];
	_ =	sdelay $0x4  }
0xaa: {  	v18 =	vmul.f32 v18, v19;
	_ =	sdelay $0x1  }
0xab: {  	[tilespmem:s28+$0x160] =	vst v18;
	v18 =	vld [tilespmem:s28+$0x170];
	_ =	sdelay $0x4  }
0xac: {  	v18 =	vmul.f32 v18, v19;
	_ =	sdelay $0x1  }
0xad: {  	[tilespmem:s28+$0x170] =	vst v18;
	v18 =	vld [tilespmem:s28+$0x180];
	_ =	sdelay $0x2  }
0xae: {  	v19 =	vperm.xlane v17, v14;
	_ =	sdelay $0x1  }
0xaf: {  	v18 =	vmul.f32 v18, v19;
	_ =	sdelay $0x1  }
0xb0: {  	[tilespmem:s28+$0x180] =	vst v18;
	v18 =	vld [tilespmem:s28+$0x190];
	_ =	sdelay $0x4  }
0xb1: {  	v18 =	vmul.f32 v18, v19;
	_ =	sdelay $0x1  }
0xb2: {  	[tilespmem:s28+$0x190] =	vst v18;
	v18 =	vld [tilespmem:s28+$0x1A0];
	_ =	sdelay $0x4  }
0xb3: {  	v18 =	vmul.f32 v18, v19;
	_ =	sdelay $0x1  }
0xb4: {  	[tilespmem:s28+$0x1A0] =	vst v18;
	v18 =	vld [tilespmem:s28+$0x1B0];
	_ =	sdelay $0x4  }
0xb5: {  	v18 =	vmul.f32 v18, v19;
	_ =	sdelay $0x1  }
0xb6: {  	[tilespmem:s28+$0x1B0] =	vst v18;
	v18 =	vld [tilespmem:s28+$0x1C0];
	_ =	sdelay $0x2  }
0xb7: {  	v17 =	vperm.xlane v17, v15;
	_ =	sdelay $0x1  }
0xb8: {  	v18 =	vmul.f32 v18, v17;
	_ =	sdelay $0x1  }
0xb9: {  	[tilespmem:s28+$0x1C0] =	vst v18;
	v18 =	vld [tilespmem:s28+$0x1D0];
	_ =	sdelay $0x4  }
0xba: {  	v18 =	vmul.f32 v18, v17;
	_ =	sdelay $0x1  }
0xbb: {  	[tilespmem:s28+$0x1D0] =	vst v18;
	v18 =	vld [tilespmem:s28+$0x1E0];
	_ =	sdelay $0x4  }
0xbc: {  	v18 =	vmul.f32 v18, v17;
	_ =	sdelay $0x1  }
0xbd: {  	[tilespmem:s28+$0x1E0] =	vst v18;
	v18 =	vld [tilespmem:s28+$0x1F0];
	_ =	sdelay $0x1  }
0xbe: {  	p0 =	sne.s32 s26, $0x1C0  }
.Ltmp0:
0xbf: {  	_ = 	snop;
	(pc) =	sbr.rel @p0 .LBB2_3-.Ltmp0, $3  }
0xc0: {  	_ = 	snop  }
0xc1: {  	v17 =	vmul.f32 v18, v17;
	_ =	sdelay $0x1  }
0xc2: {  	s26 =	sadd.s32 $0x40, s26;
	[tilespmem:s28+$0x1F0] =	vst v17;
	s28 =	sadd.s32 $0x400, s28  }
0xc3: {  	v16 =	vld [tilespmem:s25+$0x2780];
	_ =	sdelay $0x4  }
0xc4: {  	[tilespmem:$0x9680] =	vst v16  }
0xc5: {  	v16 =	vld [tilespmem:s25+$0x2790];
	_ =	sdelay $0x4  }
0xc6: {  	[tilespmem:$0x9690] =	vst v16  }
0xc7: {  	v16 =	vld [tilespmem:s25+$0x27A0];
	_ =	sdelay $0x4  }
0xc8: {  	[tilespmem:$0x96A0] =	vst v16  }
0xc9: {  	v16 =	vld [tilespmem:s25+$0x27B0];
	_ =	sdelay $0x4  }
0xca: {  	[tilespmem:$0x96B0] =	vst v16  }
0xcb: {  	v16 =	vld [tilespmem:s25+$0x27C0];
	_ =	sdelay $0x4  }
0xcc: {  	[tilespmem:$0x96C0] =	vst v16  }
0xcd: {  	v16 =	vld [tilespmem:s25+$0x27D0];
	_ =	sdelay $0x4  }
0xce: {  	[tilespmem:$0x96D0] =	vst v16  }
0xcf: {  	v16 =	vld [tilespmem:s25+$0x27E0];
	_ =	sdelay $0x4  }
0xd0: {  	[tilespmem:$0x96E0] =	vst v16  }
0xd1: {  	v16 =	vld [tilespmem:s25+$0x27F0];
	_ =	sdelay $0x2  }
0xd2: {  	s24 =	sadd.s32 $0x1, s24  }
0xd3: {  	p0 =	sne.s32 s24, $0x4F  }
.Ltmp1:
0xd4: {  	[tilespmem:$0x96F0] =	vst v16;
	(pc) =	sbr.rel @p0 .LBB2_2-.Ltmp1, $4  }
0xd5: {  	[spmem:s3] =	stream.indirect.scatter.add.f32 [tilespmem:s18], [sflag:$0x2], $0x40, s20, s17, $0xb8;
	[tilespmem:$0x1D700] =	vst v63  }
0xd6: {  	_ =	swait.ge [sflag:s21], $0x2000  }
0xd7: {  	[sflag:s21] =	ssyncset.done $0x0  }
0xd8: {  	s23 =	sadd.s32 $0x80, s23;
	[sflag:s21] =	ssyncadd.s32 $0xFFFFE000  }
0xd9: {  	s22 =	sadd.s32 $0x1, s22  }
0xda: {  	p0 =	sne.s32 s22, s11  }
.Ltmp2:
0xdb: {  	[bflag:$0x0] =	sbarrier.arrive $0xFFFF;
	(pc) =	sbr.rel @p0 .LBB2_1-.Ltmp2, $4  }
0xdc: {  	[hbm:s10], [sflag:s14] =	dma.local [spmem:s15], $0x1400  }
0xdd: {  	_ =	swait.ge [sflag:s12], $0x1400  }
0xde: {  	[sflag:s12] =	ssyncset.done $0x0  }
0xdf: {  	[sflag:s12] =	ssyncadd.s32 $0xFFFFEC00  }
0xe0: {  	_ =	sfence.sel $0x180000  }
0xe1: {  	[bflag:$0x0] =	sbarrier.arrive $0xFFFF  }
0xe2: {  	p0 =	sne.s32 s1, $0x0;
	_ =	strace $0x9000004A  }
0xe3: {  	s0 =	sadd.s32 @!p0 $0x100000, s0;
	[bflag:$0x2] =	sbarrier.arrive $0xFFFF  }
0xe4: {  	[sflag:s0] =	ssyncadd.tile.s32 @!p0 $0x1;
	_ =	shalt  }
.Lfunc_end2:
_tile_overlayer_lowered:
.L_overlay_start_2:
0xe5: {  	(tag) =	ssettag $0x2  }
0xe6: {  	s0 =	rddreg [dreg:$0x0];
	s2 =	stileid.u32  }
0xe7: {  	s1 =	rddreg [dreg:$0x1];
	p0 =	sne.s32 s2, $0x0  }
0xe8: {  	s3 =	rddreg [dreg:$0x2];
	[bflag:$0x3] =	sbarrier.arrive $0xFFFF;
	s2 =	simm.s32 @!p0 $0x1C03  }
0xe9: {  	[timem:s3], [sflag:s2] =	dma.local @!p0 [hbm:s0], s1  }
0xea: {  	s0 =	simm.s32 @!p0 $0x3  }
0xeb: {  	_ =	swait.ge @!p0 [sflag:s0], s1  }
0xec: {  	s1 =	ssub.s32 @!p0 $0x0, s1;
	[sflag:s0] =	ssyncset.done @!p0 $0x0  }
0xed: {  	[sflag:s0] =	ssyncadd.s32 @!p0 s1  }
0xee: {  	[bflag:$0x3] =	sbarrier.arrive $0xFFFF  }
0xef: {  	_ =	shalt  }

// kernel: kernel.14.cloned.1.call-start
scs
__scs_entry_jumppad:
0x0: {  	(pc) =	sbr.rel $0x88, $3  }
0x1: {  	(tag) =	ssettag $0x0;
	lr =	simm.s32 $0x1  }
0x2: {  	[smem:$0x3F99] =	sst lr;
	_ =	strace $0xD0000000  }
0x3: {  	_ = 	snop  }
0x4: {  	_ = 	snop  }
0x5: {  	_ = 	snop  }
0x6: {  	_ = 	snop  }
0x7: {  	_ = 	snop  }
__scs_overlays_trampoline_lowered:
0x8: {  	[smem:$0x3FA8] =	sst s0  }
0x9: {  	[smem:$0x3FA9] =	sst s1  }
0xa: {  	[smem:$0x3FAA] =	sst s2  }
0xb: {  	[smem:$0x3FAB] =	sst s3  }
0xc: {  	[smem:$0x3FAC] =	sst s4  }
0xd: {  	[smem:$0x3FAD] =	sst s5  }
0xe: {  	[smem:$0x3FAE] =	sst s6  }
0xf: {  	[smem:$0x3FAF] =	sst s7  }
0x10: {  	[smem:$0x3FB0] =	sst s8  }
0x11: {  	[smem:$0x3FB1] =	sst s9;
	s0 =	simm.s32 @!p0 $0x0  }
0x12: {  	s1 =	sld [smem:$0x3F97];
	s0 =	simm.s32 @p0 $0x1  }
0x13: {  	[smem:$0x3FB2] =	sst s0;
	s0 =	simm.s32 @!p1 $0x0  }
0x14: {  	s2 =	sld [smem:$0x3F96];
	s0 =	simm.s32 @p1 $0x1  }
0x15: {  	[smem:$0x3FB3] =	sst s0;
	s0 =	simm.s32 @!p2 $0x0  }
0x16: {  	s3 =	sld [smem:$0x3FDB];
	s0 =	simm.s32 @p2 $0x1  }
0x17: {  	s4 =	simm.s32 $0x1BF5;
	[smem:$0x3FB5] =	sst s0  }
0x18: {  	s0 =	sld [smem:$0x3F98];
	_ =	swait.ge [sflag:s4], $0x0  }
0x19: {  	s7 =	sld [smem:$0x3F99]  }
0x1a: {  	s8 =	sadd.s32 $0xFFFFE003, lr  }
0x1b: {  	s9 =	sadd.s32 $0xFFFFFEF7, lr;
	s5 =	simm.s32 $0xFFFFFFFF;
	p2 =	slt.u32 s8, $0xFFFFF086  }
0x1c: {  	p1 =	slt.u32 s9, $0xF7A;
	s5 =	simm.s32 @!p2 $0x0  }
0x1d: {  	s5 =	simm.s32 @p1 $0x1;
	p0 =	seq.s32 s7, s2  }
0x1e: {  	s7 =	smul.u32 @!p0 $0xF7A, s2;
	p2 =	seq.s32 @!p0 s5, $0x0  }
0x1f: {  	s9 =	smul.u32 $0xF7A, s1;
	s8 =	simm.s32 @!p0 $0x1BF5;
	p2 =	por !p2, p0  }
0x20: {  	[sflag:s8] =	ssyncset.s32 @!p0 $0xFFFFF086;
	s6 =	sadd.s32 @!p0 s3, s7;
	s7 =	simm.s32 @!p0 $0x108  }
0x21: {  	s3 =	sadd.s32 s3, s9;
	s6 =	sadd.s32 @!p0 $0x88, s6;
	s7 =	simm.s32 @p2 $0x1082  }
0x22: {  	[simem:s7], [sflag:s8] =	dma.local @!p0 [hbm:s6], $0xF7A  }
0x23: {  	s9 =	sor.u32 $0xD0000000, s2;
	s6 =	simm.s32 $0x108;
	_ =	swait.ge @!p0 [sflag:s8], $0x0  }
0x24: {  	s3 =	sadd.s32 $0x88, s3;
	s6 =	simm.s32 @!p1 $0x1082;
	[sflag:s4] =	ssyncset.s32 $0xFFFFF086  }
0x25: {  	[simem:s6], [sflag:s4] =	dma.local [hbm:s3], $0xF7A  }
0x26: {  	[smem:$0x3F99] =	sst s1;
	(tag) =	ssettag s2;
	_ =	strace s9  }
0x27: {  	s1 =	sld [smem:$0x3FA9]  }
0x28: {  	s2 =	sld [smem:$0x3FAA]  }
0x29: {  	s4 =	sld [smem:$0x3FAC]  }
0x2a: {  	p0 =	seq.s32 s5, $0x0;
	s5 =	sld [smem:$0x3FAD]  }
0x2b: {  	s6 =	sld [smem:$0x3FAE]  }
0x2c: {  	s7 =	sld [smem:$0x3FAF]  }
0x2d: {  	s3 =	simm.s32 $0x108;
	s8 =	sld [smem:$0x3FB0]  }
0x2e: {  	s3 =	simm.s32 @!p0 $0x1082;
	s9 =	sld [smem:$0x3FB1]  }
0x2f: {  	lr =	sadd.s32 s0, s3;
	s0 =	sld [smem:$0x3FA8]  }
0x30: {  	s3 =	sld [smem:$0x3FAB]  }
0x31: {  	[smem:$0x3FB4] =	sst s10  }
0x32: {  	s10 =	sld [smem:$0x3FB2];
	_ =	sdelay $0x3  }
0x33: {  	p0 =	seq.s32 s10, $0x1;
	s10 =	sld [smem:$0x3FB4];
	_ =	sdelay $0x3  }
0x34: {  	[smem:$0x3FB4] =	sst s10  }
0x35: {  	s10 =	sld [smem:$0x3FB3];
	_ =	sdelay $0x3  }
0x36: {  	p1 =	seq.s32 s10, $0x1;
	s10 =	sld [smem:$0x3FB4];
	_ =	sdelay $0x3  }
0x37: {  	[smem:$0x3FB4] =	sst s10  }
0x38: {  	s10 =	sld [smem:$0x3FB5]  }
0x39: {  	_ = 	snop;
	(pc) =	sbr.ind lr, $3  }
0x3a: {  	_ = 	snop  }
0x3b: {  	_ = 	snop  }
0x3c: {  	p2 =	seq.s32 s10, $0x1;
	s10 =	sld [smem:$0x3FB4]  }
0x3d: {  	_ =	shalt  }
0x3e: {  	_ =	shalt  }
0x3f: {  	_ =	shalt  }
0x40: {  	_ =	shalt  }
0x41: {  	_ =	shalt  }
0x42: {  	_ =	shalt  }
0x43: {  	_ =	shalt  }
0x44: {  	_ =	shalt  }
0x45: {  	_ =	shalt  }
0x46: {  	_ =	shalt  }
0x47: {  	_ =	shalt  }
0x48: {  	_ =	shalt  }
0x49: {  	_ =	shalt  }
0x4a: {  	_ =	shalt  }
0x4b: {  	_ =	shalt  }
0x4c: {  	_ =	shalt  }
0x4d: {  	_ =	shalt  }
0x4e: {  	_ =	shalt  }
0x4f: {  	_ =	shalt  }
0x50: {  	_ =	shalt  }
0x51: {  	_ =	shalt  }
0x52: {  	_ =	shalt  }
0x53: {  	_ =	shalt  }
0x54: {  	_ =	shalt  }
0x55: {  	_ =	shalt  }
0x56: {  	_ =	shalt  }
0x57: {  	_ =	shalt  }
0x58: {  	_ =	shalt  }
0x59: {  	_ =	shalt  }
0x5a: {  	_ =	shalt  }
0x5b: {  	_ =	shalt  }
0x5c: {  	_ =	shalt  }
0x5d: {  	_ =	shalt  }
0x5e: {  	_ =	shalt  }
0x5f: {  	_ =	shalt  }
0x60: {  	_ =	shalt  }
0x61: {  	_ =	shalt  }
0x62: {  	_ =	shalt  }
0x63: {  	_ =	shalt  }
0x64: {  	_ =	shalt  }
0x65: {  	_ =	shalt  }
0x66: {  	_ =	shalt  }
0x67: {  	_ =	shalt  }
0x68: {  	_ =	shalt  }
0x69: {  	_ =	shalt  }
0x6a: {  	_ =	shalt  }
0x6b: {  	_ =	shalt  }
0x6c: {  	_ =	shalt  }
0x6d: {  	_ =	shalt  }
0x6e: {  	_ =	shalt  }
0x6f: {  	_ =	shalt  }
0x70: {  	_ =	shalt  }
0x71: {  	_ =	shalt  }
0x72: {  	_ =	shalt  }
0x73: {  	_ =	shalt  }
0x74: {  	_ =	shalt  }
0x75: {  	_ =	shalt  }
0x76: {  	_ =	shalt  }
0x77: {  	_ =	shalt  }
0x78: {  	_ =	shalt  }
0x79: {  	_ =	shalt  }
0x7a: {  	_ =	shalt  }
0x7b: {  	_ =	shalt  }
0x7c: {  	_ =	shalt  }
0x7d: {  	_ =	shalt  }
0x7e: {  	_ =	shalt  }
0x7f: {  	_ =	shalt  }
0x80: {  	_ =	shalt  }
0x81: {  	_ =	shalt  }
0x82: {  	_ =	shalt  }
0x83: {  	_ =	shalt  }
0x84: {  	_ =	shalt  }
0x85: {  	_ =	shalt  }
0x86: {  	_ =	shalt  }
0x87: {  	_ =	shalt  }
.Lfunc_end0:
.L_simem_size_0:
called_computation.2_lowered:
.L_overlay_start_0:
0x88: {  	s2 =	sld [smem:$0x3FD9]  }
0x89: {  	s3 =	sld [smem:$0x3FFE];
	_ =	sdelay $0x1  }
0x8a: {  	s1 =	srdreg.scid  }
0x8b: {  	s0 =	sand.u32 $0x1, s1  }
0x8c: {  	s17 =	sshll.u32 s0, $0xA;
	s2 =	sadd.s32 s3, s2  }
0x8d: {  	s2 =	sadd.s32 s2, s17  }
0x8e: {  	[smem:$0x3FC0] =	sst s2  }
0x8f: {  	_ = 	snop  }
0x90: {  	s2 =	sld [smem:$0x3FD0];
	(tm) =	ssettm $0x1  }
0x91: {  	s18 =	sld [smem:$0x3FFB];
	_ =	sdelay $0x3  }
0x92: {  	_ =	strace s18  }
0x93: {  	s3 =	sld [smem:$0x3FFC];
	_ =	sdelay $0x3  }
0x94: {  	_ =	strace s3  }
0x95: {  	s3 =	sld [smem:$0x3FFD];
	_ =	sdelay $0x3  }
0x96: {  	_ =	strace s3  }
0x97: {  	_ =	strace $0x8FFFFFFF  }
0x98: {  	s19 =	sld [smem:$0x3FDB];
	_ =	sdelay $0x1  }
0x99: {  	s4 =	simm.s32 $_scs_section_size  }
0x9a: {  	s5 =	simm.s32 $_size__tile_overlayer_lowered;
	s6 =	simm.s32 $_tile_overlayer_lowered  }
0x9b: {  	s22 =	simm.s32 $0x1BFF;
	s21 =	sshll.u32 s6, $0x1;
	s3 =	sadd.s32 s4, s19  }
0x9c: {  	s7 =	simm.s32 $0x0;
	s20 =	sshll.u32 s5, $0x1;
	s5 =	sadd.s32 s21, s3  }
0x9d: {  	[timem:s7], [sflag:s22] =	dma.local [hbm:s5], s20  }
0x9e: {  	_ =	swait.ge [sflag:s22], s20  }
0x9f: {  	s4 =	ssub.s32 $0x0, s20;
	[sflag:s22] =	ssyncset.done $0x0  }
0xa0: {  	[sflag:s22] =	ssyncadd.s32 s4;
	_ =	sdelay $0x1  }
0xa1: {  	s23 =	simm.s32 $0x1B8B  }
0xa2: {  	_ =	swait.ge [sflag:s23], $0x1  }
0xa3: {  	[sflag:s23] =	ssyncset.done $0x0  }
0xa4: {  	s25 =	simm.s32 $0x1B8E;
	s24 =	sld [smem:$0x3FFE];
	[sflag:s23] =	ssyncadd.s32 $0xFFFFFFFF  }
0xa5: {  	s26 =	simm.s32 $execute0_lowered;
	[smem:$0x3FD2] =	sst s25  }
0xa6: {  	s5 =	sshll.u32 s26, $0x1;
	_ =	strace $0x8000004C;
	[dreg:$0x1] =	wrdreg $0xFFFFFFFF  }
0xa7: {  	s28 =	simm.s32 $_size_execute0_lowered;
	s3 =	sadd.s32 s3, s5;
	[dreg:$0x0] =	wrdreg $0x0  }
0xa8: {  	s5 =	sshll.u32 s28, $0x1;
	[dreg:$0x2] =	wrdreg s3  }
0xa9: {  	[dreg:$0x3] =	wrdreg s5  }
0xaa: {  	[dreg:$0x4] =	wrdreg $0xC0  }
0xab: {  	_ =	task [dreg:s7], $0x5FFFF  }
0xac: {  	[dreg:$0x1] =	wrdreg $0xFFFFFFFF  }
0xad: {  	[dreg:$0x0] =	wrdreg $0x60  }
0xae: {  	[dreg:$0x2] =	wrdreg s24  }
0xaf: {  	[dreg:$0x3] =	wrdreg s2  }
0xb0: {  	[dreg:$0x4] =	wrdreg $0x7F000  }
0xb1: {  	[dreg:$0x5] =	wrdreg $0xA7000  }
0xb2: {  	[dreg:$0x6] =	wrdreg $0x9  }
0xb3: {  	_ =	task.clear_ibuf [dreg:s7], $0x7FFFF;
	_ =	strace $0x9000004C  }
0xb4: {  	s29 =	simm.s32 $0x9;
	_ =	strace $0x8000004E  }
0xb5: {  	_ =	swait.ge [sflag:s29], $0x1  }
0xb6: {  	[sflag:s29] =	ssyncadd.s32 $0xFFFFFFFF  }
0xb7: {  	_ =	strace $0x9000004E  }
0xb8: {  	_ =	sfence  }
0xb9: {  	s30 =	sld [smem:$0x0];
	_ =	sdelay $0x2  }
0xba: {  	s31 =	sshll.u32 s1, $0xD;
	s1 =	sshrl.u32 s1, $0x2  }
0xbb: {  	s3 =	sand.u32 $0x4000, s31;
	s1 =	sadd.s32 s1, s30  }
0xbc: {  	s0 =	sor.u32 s3, s0;
	s1 =	sshll.u32 s1, $0x11  }
0xbd: {  	s0 =	sor.u32 s1, s0  }
0xbe: {  	s0 =	sadd.s32 $0x8F2B, s0  }
0xbf: {  	[sflag:s0] =	ssyncadd.remote.s32 $0x1  }
0xc0: {  	_ =	sfence.sel $0xFFFF  }
0xc1: {  	[dreg:$0x0] =	wrdreg $0xFFFFFFFF;
	(pc) =	sbr.abs _section_cstart, $3  }
0xc2: {  	[dreg:$0x1] =	wrdreg $0xFFFFFFFF  }
0xc3: {  	_ =	task.clear_ibuf [dreg:s7], $0x2FFFF;
	_ =	strace $0x9FFFFFFF  }
0xc4: {  	(tm) =	ssettm $0x7FFFFFFF  }
0xc5: {  	_ =	shalt  }
tec
execute0_lowered:
.L_overlay_start_1:
0x0: {  	(tag) =	ssettag $0x1  }
0x1: {  	s6 =	rddreg [dreg:$0x0]  }
0x2: {  	s2 =	rddreg [dreg:$0x1]  }
0x3: {  	s3 =	rddreg [dreg:$0x2]  }
0x4: {  	s4 =	rddreg [dreg:$0x3]  }
0x5: {  	s0 =	rddreg [dreg:$0x4];
	s1 =	stileid.u32  }
0x6: {  	s5 =	simm.s32 $0x0;
	s7 =	srdreg.scid;
	s13 =	simm.s32 $0x2780  }
0x7: {  	s17 =	simm.s32 $0x80;
	s18 =	simm.s32 $0x7680;
	s19 =	simm.s32 $0x1  }
0x8: {  	s20 =	simm.s32 $0x7E80;
	s21 =	simm.s32 $0x2;
	s22 =	simm.s32 $0x0  }
0x9: {  	s9 =	smul.u32 $0x2800, s1;
	s7 =	sand.u32 $0x1, s7;
	s8 =	sshll.u32 s1, $0x1  }
0xa: {  	s10 =	smul.u32 $0x500, s1;
	[smem:$0x7FF] =	sst s5;
	s14 =	sshll.u32 s1, $0x6  }
0xb: {  	s8 =	sor.u32 s7, s8;
	s11 =	smul.u32 $0x5000, s7;
	_ =	strace $0x8000004D  }
0xc: {  	s7 =	ssub.s32 $0x2, s7;
	s14 =	sor.u32 $0x1C03, s14;
	s12 =	sshrl.u32 s9, $0x3  }
0xd: {  	v0 =	vimm.s32 $0x0;
	s8 =	smul.u32 $0x4F0, s8;
	s30 =	sshrl.u32 s7, $0x1;
	s15 =	sadd.s32 s9, s3  }
0xe: {  	v1 =	vimm.s32 $0x1;
	v2 =	vimm.s32 $0x2;
	v3 =	vimm.s32 $0x3;
	s16 =	sadd.s32 s9, s4;
	s12 =	sadd.s32 s12, s6;
	s10 =	sadd.s32 s10, s11  }
0xf: {  	v4 =	vimm.s32 $0x4;
	v5 =	vimm.s32 $0x5;
	v6 =	vimm.s32 $0x6;
	s31 =	ssub.s32 s7, s30;
	s15 =	sshrl.u32 s15, $0x3;
	s16 =	sshrl.u32 s16, $0x3  }
0x10: {  	v7 =	vimm.s32 $0x7;
	v8 =	vimm.s32 $0x8;
	v9 =	vimm.s32 $0x9;
	s8 =	sadd.s32 s8, s6;
	s10 =	sadd.s32 s10, s6;
	s9 =	sadd.s32 $0xE00, s12  }
0x11: {  	v10 =	vimm.s32 $0xA;
	v11 =	vimm.s32 $0xB;
	v12 =	vimm.s32 $0xC;
	s11 =	smax.u32 s31, $0x1;
	s12 =	simm.s32 $0x3;
	s6 =	sadd.s32 $0x78600, s8  }
0x12: {  	v13 =	vimm.s32 $0xD;
	v14 =	vimm.s32 $0xE;
	v15 =	vimm.s32 $0xF;
	s7 =	sadd.s32 $0x6E800, s8;
	s8 =	sadd.s32 $0x64A00, s8;
	s10 =	sadd.s32 $0x5E00, s10  }
.LBB2_1:
0x13: {  	[tilespmem:s5], [sflag:$0x3] =	stream.linear.gather [hbm4b:s6+s5], $0x2780, $0x38;
	[tilespmem:$0xCF00] =	vst v63  }
0x14: {  	_ =	swait.ge [sflag:s12], $0x2780  }
0x15: {  	[sflag:s12] =	ssyncset.done $0x0  }
0x16: {  	[sflag:s12] =	ssyncadd.s32 $0xFFFFD880  }
0x17: {  	[tilespmem:s13], [sflag:$0x3] =	stream.linear.gather [hbm4b:s7+s5], $0x2780, $0x38;
	[tilespmem:$0xCF00] =	vst v63  }
0x18: {  	_ =	swait.ge [sflag:s12], $0x2780  }
0x19: {  	[sflag:s12] =	ssyncset.done $0x0  }
0x1a: {  	s23 =	simm.s32 $0x4F00;
	[sflag:s12] =	ssyncadd.s32 $0xFFFFD880  }
0x1b: {  	[tilespmem:s23], [sflag:$0x3] =	stream.linear.gather [hbm4b:s8+s5], $0x2780, $0x38;
	[tilespmem:$0xCF00] =	vst v63  }
0x1c: {  	_ =	swait.ge [sflag:s12], $0x2780  }
0x1d: {  	[sflag:s12] =	ssyncset.done $0x0  }
0x1e: {  	[sflag:s12] =	ssyncadd.s32 $0xFFFFD880  }
0x1f: {  	[spmem:s15], [sflag:s14] =	dma.local [hbm:s2], $0x500  }
0x20: {  	_ =	swait.ge [sflag:s12], $0x500  }
0x21: {  	[sflag:s12] =	ssyncset.done $0x0  }
0x22: {  	[sflag:s12] =	ssyncadd.s32 $0xFFFFFB00  }
0x23: {  	[spmem:s16], [sflag:s14] =	dma.local [hbm:s9], $0x500  }
0x24: {  	_ =	swait.ge [sflag:s12], $0x500  }
0x25: {  	[sflag:s12] =	ssyncset.done $0x0  }
0x26: {  	[sflag:s12] =	ssyncadd.s32 $0xFFFFFB00  }
0x27: {  	s24 =	simm.s32 $0x0;
	[bflag:$0x0] =	sbarrier.arrive $0xFFFF  }
.LBB2_2:
0x28: {  	s25 =	sshll.u32 s24, $0x7;
	v16 =	vmov s23  }
0x29: {  	[tilespmem:s18], [sflag:$0x1] =	stream.indirect.gather [spmem:s4], $0x10, s25, s17, $0xb8;
	[tilespmem:$0xCF00] =	vst v63  }
0x2a: {  	_ =	swait.ge [sflag:s19], $0x800  }
0x2b: {  	[sflag:s19] =	ssyncset.done $0x0  }
0x2c: {  	s26 =	simm.s32 $0x0;
	[sflag:s19] =	ssyncadd.s32 $0xFFFFF800  }
0x2d: {  	v17 =	vld.idx.msk [tilespmem:v16+s26+$0x0 ss:$0x1], $0xffff  }
0x2e: {  	s26 =	simm.s32 $0x7700  }
0x2f: {  	v18 =	vld [tilespmem:s26+$0xFFFFFF80]  }
0x30: {  	v19 =	vld [tilespmem:s26+$0xFFFFFF90]  }
0x31: {  	v20 =	vld [tilespmem:s26+$0xFFFFFFA0]  }
0x32: {  	v21 =	vld [tilespmem:s26+$0xFFFFFFB0];
	v22 =	vperm.xlane v17, v0  }
0x33: {  	v25 =	vld [tilespmem:s26+$0xFFFFFFD0];
	v23 =	vperm.xlane v17, v1  }
0x34: {  	v24 =	vld [tilespmem:s26+$0xFFFFFFC0];
	v26 =	vperm.xlane v17, v2;
	v18 =	vmul.f32 v18, v22  }
0x35: {  	v49 =	vld [tilespmem:s26+$0xFFFFFFE0];
	v48 =	vperm.xlane v17, v3;
	v19 =	vmul.f32 v19, v23  }
0x36: {  	v51 =	vld [tilespmem:s26+$0x10];
	v50 =	vperm.xlane v17, v5;
	v20 =	vmul.f32 v20, v26;
	[tilespmem:s26+$0xFFFFFF80] =	vst v18  }
0x37: {  	v27 =	vld [tilespmem:s26+$0xFFFFFFF0];
	v21 =	vmul.f32 v21, v48;
	v18 =	vperm.xlane v17, v4;
	[tilespmem:s26+$0xFFFFFF90] =	vst v19  }
0x38: {  	v28 =	vperm.xlane v17, v6;
	v22 =	vmul.f32 v25, v50;
	v19 =	vld [tilespmem:s26+$0x0];
	[tilespmem:s26+$0xFFFFFFA0] =	vst v20  }
0x39: {  	v57 =	vld [tilespmem:s26+$0x50];
	v55 =	vperm.xlane v17, v9;
	[tilespmem:s26+$0xFFFFFFB0] =	vst v21;
	v18 =	vmul.f32 v24, v18  }
0x3a: {  	v53 =	vld [tilespmem:s26+$0x20];
	v52 =	vperm.xlane v17, v7;
	v23 =	vmul.f32 v49, v28;
	[tilespmem:s26+$0xFFFFFFD0] =	vst v22  }
0x3b: {  	v54 =	vld [tilespmem:s26+$0x30];
	v59 =	vmul.f32 v51, v55;
	[tilespmem:s26+$0xFFFFFFC0] =	vst v18;
	v18 =	vperm.xlane v17, v8  }
0x3c: {  	v56 =	vld [tilespmem:s26+$0x40];
	v62 =	vperm.xlane v17, v13;
	v20 =	vmul.f32 v27, v52;
	[tilespmem:s26+$0xFFFFFFE0] =	vst v23  }
0x3d: {  	v60 =	vld [tilespmem:s26+$0x60];
	v58 =	vperm.xlane v17, v10;
	[tilespmem:s26+$0x10] =	vst v59;
	v18 =	vmul.f32 v19, v18  }
0x3e: {  	v61 =	vld [tilespmem:s26+$0x70];
	v21 =	vmul.f32 v57, v62;
	[tilespmem:s26+$0xFFFFFFF0] =	vst v20;
	v19 =	vperm.xlane v17, v11  }
0x3f: {  	v24 =	vmul.f32 v53, v58;
	[tilespmem:s26+$0x0] =	vst v18;
	v18 =	vperm.xlane v17, v12  }
0x40: {  	v63 =	vperm.xlane v17, v14;
	[tilespmem:s26+$0x50] =	vst v21;
	v19 =	vmul.f32 v54, v19  }
0x41: {  	[tilespmem:s26+$0x20] =	vst v24;
	v17 =	vperm.xlane v17, v15;
	v18 =	vmul.f32 v56, v18  }
0x42: {  	[tilespmem:s26+$0x30] =	vst v19;
	v19 =	vmul.f32 v60, v63  }
0x43: {  	v17 =	vmul.f32 v61, v17;
	[tilespmem:s26+$0x40] =	vst v18  }
0x44: {  	[tilespmem:s26+$0x60] =	vst v19  }
0x45: {  	s29 =	simm.s32 $0x10;
	s28 =	simm.s32 $0x80;
	[tilespmem:s26+$0x70] =	vst v17  }
.LBB2_3:
0x46: {  	p0 =	sne.s32 s28, $0x1C0;
	v17 =	vld.idx.msk [tilespmem:v16+s29+$0x0 ss:$0x1], $0xffff;
	s26 =	sadd.s32 $0x100, s26  }
0x47: {  	v18 =	vld [tilespmem:s26+$0xFFFFFFB0]  }
0x48: {  	v19 =	vld [tilespmem:s26+$0xFFFFFF90]  }
0x49: {  	v20 =	vld [tilespmem:s26+$0xFFFFFF80]  }
0x4a: {  	v21 =	vld [tilespmem:s26+$0xFFFFFFA0]  }
0x4b: {  	v22 =	vld [tilespmem:s26+$0xFFFFFFF0]  }
0x4c: {  	v23 =	vperm.xlane v17, v0;
	v24 =	vperm.xlane v17, v1;
	v25 =	vld [tilespmem:s26+$0xFFFFFFD0]  }
0x4d: {  	v26 =	vperm.xlane v17, v2;
	v27 =	vperm.xlane v17, v3;
	v28 =	vld [tilespmem:s26+$0xFFFFFFC0]  }
0x4e: {  	v19 =	vmul.f32 v19, v24;
	v20 =	vmul.f32 v20, v23;
	v23 =	vld [tilespmem:s26+$0xFFFFFFE0]  }
0x4f: {  	v18 =	vmul.f32 v18, v27;
	v21 =	vmul.f32 v21, v26;
	v24 =	vld [tilespmem:s26+$0x30]  }
0x50: {  	v26 =	vperm.xlane v17, v5;
	[tilespmem:s26+$0xFFFFFF80] =	vst v20;
	v20 =	vperm.xlane v17, v4;
	v27 =	vld [tilespmem:s26+$0x10]  }
0x51: {  	v29 =	vperm.xlane v17, v7;
	[tilespmem:s26+$0xFFFFFF90] =	vst v19;
	v19 =	vperm.xlane v17, v6;
	v30 =	vld [tilespmem:s26+$0x0]  }
0x52: {  	[tilespmem:s26+$0xFFFFFFA0] =	vst v21;
	v20 =	vmul.f32 v28, v20;
	v21 =	vmul.f32 v25, v26;
	v25 =	vld [tilespmem:s26+$0x20]  }
0x53: {  	[tilespmem:s26+$0xFFFFFFB0] =	vst v18;
	v18 =	vmul.f32 v23, v19;
	v19 =	vmul.f32 v22, v29;
	v22 =	vld [tilespmem:s26+$0x70]  }
0x54: {  	v23 =	vperm.xlane v17, v9;
	[tilespmem:s26+$0xFFFFFFC0] =	vst v20;
	v20 =	vperm.xlane v17, v8;
	v26 =	vld [tilespmem:s26+$0x50]  }
0x55: {  	v28 =	vperm.xlane v17, v11;
	[tilespmem:s26+$0xFFFFFFD0] =	vst v21;
	v21 =	vperm.xlane v17, v10;
	v29 =	vld [tilespmem:s26+$0x40]  }
0x56: {  	[tilespmem:s26+$0xFFFFFFE0] =	vst v18;
	v18 =	vmul.f32 v30, v20;
	v20 =	vmul.f32 v27, v23;
	v23 =	vld [tilespmem:s26+$0x60]  }
0x57: {  	[tilespmem:s26+$0xFFFFFFF0] =	vst v19;
	v19 =	vmul.f32 v25, v21;
	v21 =	vmul.f32 v24, v28  }
0x58: {  	v24 =	vperm.xlane v17, v13;
	[tilespmem:s26+$0x0] =	vst v18;
	v18 =	vperm.xlane v17, v12  }
0x59: {  	[tilespmem:s26+$0x10] =	vst v20;
	v20 =	vperm.xlane v17, v14;
	v17 =	vperm.xlane v17, v15  }
0x5a: {  	[tilespmem:s26+$0x20] =	vst v19;
	v18 =	vmul.f32 v29, v18;
	v19 =	vmul.f32 v26, v24  }
.Ltmp0:
0x5b: {  	[tilespmem:s26+$0x30] =	vst v21;
	v20 =	vmul.f32 v23, v20;
	v17 =	vmul.f32 v22, v17;
	(pc) =	sbr.rel @p0 .LBB2_3-.Ltmp0, $4  }
0x5c: {  	[tilespmem:s26+$0x40] =	vst v18  }
0x5d: {  	[tilespmem:s26+$0x50] =	vst v19  }
0x5e: {  	[tilespmem:s26+$0x60] =	vst v20  }
0x5f: {  	s29 =	sshra.s32 s28, $0x2;
	s28 =	sadd.s32 $0x40, s28;
	[tilespmem:s26+$0x70] =	vst v17  }
0x60: {  	_ =	sdelay $0x3  }
0x61: {  	v16 =	vld.idx.msk [tilespmem:v16+s29+$0x0 ss:$0x1], $0xffff  }
0x62: {  	s26 =	sadd.s32 $0x100, s26  }
0x63: {  	v17 =	vld [tilespmem:s26+$0xFFFFFF80]  }
0x64: {  	v18 =	vld [tilespmem:s26+$0xFFFFFF90]  }
0x65: {  	v19 =	vld [tilespmem:s26+$0xFFFFFFA0]  }
0x66: {  	v20 =	vld [tilespmem:s26+$0xFFFFFFB0];
	v21 =	vperm.xlane v16, v0  }
0x67: {  	v24 =	vld [tilespmem:s26+$0xFFFFFFD0];
	v22 =	vperm.xlane v16, v1  }
0x68: {  	v46 =	vld [tilespmem:s26+$0xFFFFFFE0];
	v25 =	vperm.xlane v16, v2;
	v17 =	vmul.f32 v17, v21  }
0x69: {  	v23 =	vld [tilespmem:s26+$0xFFFFFFC0];
	v45 =	vperm.xlane v16, v3;
	v18 =	vmul.f32 v18, v22  }
0x6a: {  	v49 =	vld [tilespmem:s26+$0x10];
	v47 =	vperm.xlane v16, v5;
	v19 =	vmul.f32 v19, v25;
	[tilespmem:s26+$0xFFFFFF80] =	vst v17  }
0x6b: {  	v59 =	vld [tilespmem:s26+$0x60];
	v27 =	vperm.xlane v16, v6;
	v20 =	vmul.f32 v20, v45;
	[tilespmem:s26+$0xFFFFFF90] =	vst v18  }
0x6c: {  	v26 =	vld [tilespmem:s26+$0xFFFFFFF0];
	v21 =	vmul.f32 v24, v47;
	v17 =	vperm.xlane v16, v4;
	[tilespmem:s26+$0xFFFFFFA0] =	vst v19  }
0x6d: {  	v48 =	vld [tilespmem:s26+$0x0];
	v53 =	vperm.xlane v16, v9;
	v22 =	vmul.f32 v46, v27;
	[tilespmem:s26+$0xFFFFFFB0] =	vst v20  }
0x6e: {  	v52 =	vld [tilespmem:s26+$0x30];
	v62 =	vperm.xlane v16, v14;
	[tilespmem:s26+$0xFFFFFFD0] =	vst v21;
	v17 =	vmul.f32 v23, v17  }
0x6f: {  	v55 =	vld [tilespmem:s26+$0x50];
	v50 =	vperm.xlane v16, v7;
	v58 =	vmul.f32 v49, v53;
	[tilespmem:s26+$0xFFFFFFE0] =	vst v22  }
0x70: {  	v51 =	vld [tilespmem:s26+$0x20];
	v63 =	vmul.f32 v59, v62;
	[tilespmem:s26+$0xFFFFFFC0] =	vst v17;
	v17 =	vperm.xlane v16, v8  }
0x71: {  	v54 =	vld [tilespmem:s26+$0x40];
	v57 =	vperm.xlane v16, v11;
	v19 =	vmul.f32 v26, v50;
	[tilespmem:s26+$0x10] =	vst v58  }
0x72: {  	v60 =	vld [tilespmem:s26+$0x70];
	v61 =	vperm.xlane v16, v13;
	[tilespmem:s26+$0x60] =	vst v63;
	v17 =	vmul.f32 v48, v17  }
0x73: {  	v56 =	vperm.xlane v16, v10;
	v18 =	vmul.f32 v52, v57;
	[tilespmem:s26+$0xFFFFFFF0] =	vst v19  }
0x74: {  	v20 =	vmul.f32 v55, v61;
	[tilespmem:s26+$0x0] =	vst v17;
	v17 =	vperm.xlane v16, v12  }
0x75: {  	v23 =	vmul.f32 v51, v56;
	[tilespmem:s26+$0x30] =	vst v18;
	v16 =	vperm.xlane v16, v15  }
0x76: {  	[tilespmem:s26+$0x50] =	vst v20;
	v17 =	vmul.f32 v54, v17  }
0x77: {  	[tilespmem:s26+$0x20] =	vst v23;
	v16 =	vmul.f32 v60, v16  }
0x78: {  	[tilespmem:s26+$0x40] =	vst v17  }
0x79: {  	[tilespmem:s26+$0x70] =	vst v16  }
0x7a: {  	v16 =	vld [tilespmem:s25+$0x2780];
	_ =	sdelay $0x4  }
0x7b: {  	[tilespmem:$0x7E80] =	vst v16  }
0x7c: {  	v16 =	vld [tilespmem:s25+$0x2790];
	_ =	sdelay $0x4  }
0x7d: {  	[tilespmem:$0x7E90] =	vst v16  }
0x7e: {  	v16 =	vld [tilespmem:s25+$0x27A0];
	_ =	sdelay $0x4  }
0x7f: {  	[tilespmem:$0x7EA0] =	vst v16  }
0x80: {  	v16 =	vld [tilespmem:s25+$0x27B0];
	_ =	sdelay $0x4  }
0x81: {  	[tilespmem:$0x7EB0] =	vst v16  }
0x82: {  	v16 =	vld [tilespmem:s25+$0x27C0];
	_ =	sdelay $0x4  }
0x83: {  	[tilespmem:$0x7EC0] =	vst v16  }
0x84: {  	v16 =	vld [tilespmem:s25+$0x27D0];
	_ =	sdelay $0x4  }
0x85: {  	[tilespmem:$0x7ED0] =	vst v16  }
0x86: {  	v16 =	vld [tilespmem:s25+$0x27E0];
	_ =	sdelay $0x4  }
0x87: {  	[tilespmem:$0x7EE0] =	vst v16  }
0x88: {  	v16 =	vld [tilespmem:s25+$0x27F0];
	_ =	sdelay $0x2  }
0x89: {  	s24 =	sadd.s32 $0x1, s24  }
0x8a: {  	p0 =	sne.s32 s24, $0x4F  }
.Ltmp1:
0x8b: {  	[tilespmem:$0x7EF0] =	vst v16;
	(pc) =	sbr.rel @p0 .LBB2_2-.Ltmp1, $4  }
0x8c: {  	[spmem:s3] =	stream.indirect.scatter.add.f32 [tilespmem:s18], [sflag:$0x2], $0x10, s20, s17, $0xb8;
	[tilespmem:$0xCF00] =	vst v63  }
0x8d: {  	_ =	swait.ge [sflag:s21], $0x800  }
0x8e: {  	[sflag:s21] =	ssyncset.done $0x0  }
0x8f: {  	s23 =	sadd.s32 $0x80, s23;
	[sflag:s21] =	ssyncadd.s32 $0xFFFFF800  }
0x90: {  	s22 =	sadd.s32 $0x1, s22  }
0x91: {  	p0 =	sne.s32 s22, s11  }
.Ltmp2:
0x92: {  	[bflag:$0x0] =	sbarrier.arrive $0xFFFF;
	(pc) =	sbr.rel @p0 .LBB2_1-.Ltmp2, $4  }
0x93: {  	[hbm:s10], [sflag:s14] =	dma.local [spmem:s15], $0x500  }
0x94: {  	_ =	swait.ge [sflag:s12], $0x500  }
0x95: {  	[sflag:s12] =	ssyncset.done $0x0  }
0x96: {  	[sflag:s12] =	ssyncadd.s32 $0xFFFFFB00  }
0x97: {  	_ =	sfence.sel $0x180000  }
0x98: {  	[bflag:$0x0] =	sbarrier.arrive $0xFFFF  }
0x99: {  	p0 =	sne.s32 s1, $0x0;
	_ =	strace $0x9000004D  }
0x9a: {  	s0 =	sadd.s32 @!p0 $0x100000, s0;
	[bflag:$0x2] =	sbarrier.arrive $0xFFFF  }
0x9b: {  	[sflag:s0] =	ssyncadd.tile.s32 @!p0 $0x1;
	_ =	shalt  }
.Lfunc_end2:
_tile_overlayer_lowered:
.L_overlay_start_2:
0x9c: {  	(tag) =	ssettag $0x2  }
0x9d: {  	s0 =	rddreg [dreg:$0x0];
	s2 =	stileid.u32  }
0x9e: {  	s1 =	rddreg [dreg:$0x1];
	p0 =	sne.s32 s2, $0x0  }
0x9f: {  	s3 =	rddreg [dreg:$0x2];
	[bflag:$0x3] =	sbarrier.arrive $0xFFFF;
	s2 =	simm.s32 @!p0 $0x1C03  }
0xa0: {  	[timem:s3], [sflag:s2] =	dma.local @!p0 [hbm:s0], s1  }
0xa1: {  	s0 =	simm.s32 @!p0 $0x3  }
0xa2: {  	_ =	swait.ge @!p0 [sflag:s0], s1  }
0xa3: {  	s1 =	ssub.s32 @!p0 $0x0, s1;
	[sflag:s0] =	ssyncset.done @!p0 $0x0  }
0xa4: {  	[sflag:s0] =	ssyncadd.s32 @!p0 s1  }
0xa5: {  	[bflag:$0x3] =	sbarrier.arrive $0xFFFF  }
0xa6: {  	_ =	shalt  }

// kernel: kernel.8.cloned.1.call-start
scs
__scs_entry_jumppad:
0x0: {  	(pc) =	sbr.rel $0x88, $3  }
0x1: {  	(tag) =	ssettag $0x0;
	lr =	simm.s32 $0x1  }
0x2: {  	[smem:$0x3F99] =	sst lr;
	_ =	strace $0xD0000000  }
0x3: {  	_ = 	snop  }
0x4: {  	_ = 	snop  }
0x5: {  	_ = 	snop  }
0x6: {  	_ = 	snop  }
0x7: {  	_ = 	snop  }
__scs_overlays_trampoline_lowered:
0x8: {  	[smem:$0x3FA8] =	sst s0  }
0x9: {  	[smem:$0x3FA9] =	sst s1  }
0xa: {  	[smem:$0x3FAA] =	sst s2  }
0xb: {  	[smem:$0x3FAB] =	sst s3  }
0xc: {  	[smem:$0x3FAC] =	sst s4  }
0xd: {  	[smem:$0x3FAD] =	sst s5  }
0xe: {  	[smem:$0x3FAE] =	sst s6  }
0xf: {  	[smem:$0x3FAF] =	sst s7  }
0x10: {  	[smem:$0x3FB0] =	sst s8  }
0x11: {  	[smem:$0x3FB1] =	sst s9;
	s0 =	simm.s32 @!p0 $0x0  }
0x12: {  	s1 =	sld [smem:$0x3F97];
	s0 =	simm.s32 @p0 $0x1  }
0x13: {  	[smem:$0x3FB2] =	sst s0;
	s0 =	simm.s32 @!p1 $0x0  }
0x14: {  	s2 =	sld [smem:$0x3F96];
	s0 =	simm.s32 @p1 $0x1  }
0x15: {  	[smem:$0x3FB3] =	sst s0;
	s0 =	simm.s32 @!p2 $0x0  }
0x16: {  	s3 =	sld [smem:$0x3FDB];
	s0 =	simm.s32 @p2 $0x1  }
0x17: {  	s4 =	simm.s32 $0x1BF5;
	[smem:$0x3FB5] =	sst s0  }
0x18: {  	s0 =	sld [smem:$0x3F98];
	_ =	swait.ge [sflag:s4], $0x0  }
0x19: {  	s7 =	sld [smem:$0x3F99]  }
0x1a: {  	s8 =	sadd.s32 $0xFFFFE003, lr  }
0x1b: {  	s9 =	sadd.s32 $0xFFFFFEF7, lr;
	s5 =	simm.s32 $0xFFFFFFFF;
	p2 =	slt.u32 s8, $0xFFFFF086  }
0x1c: {  	p1 =	slt.u32 s9, $0xF7A;
	s5 =	simm.s32 @!p2 $0x0  }
0x1d: {  	s5 =	simm.s32 @p1 $0x1;
	p0 =	seq.s32 s7, s2  }
0x1e: {  	s7 =	smul.u32 @!p0 $0xF7A, s2;
	p2 =	seq.s32 @!p0 s5, $0x0  }
0x1f: {  	s9 =	smul.u32 $0xF7A, s1;
	s8 =	simm.s32 @!p0 $0x1BF5;
	p2 =	por !p2, p0  }
0x20: {  	[sflag:s8] =	ssyncset.s32 @!p0 $0xFFFFF086;
	s6 =	sadd.s32 @!p0 s3, s7;
	s7 =	simm.s32 @!p0 $0x108  }
0x21: {  	s3 =	sadd.s32 s3, s9;
	s6 =	sadd.s32 @!p0 $0x88, s6;
	s7 =	simm.s32 @p2 $0x1082  }
0x22: {  	[simem:s7], [sflag:s8] =	dma.local @!p0 [hbm:s6], $0xF7A  }
0x23: {  	s9 =	sor.u32 $0xD0000000, s2;
	s6 =	simm.s32 $0x108;
	_ =	swait.ge @!p0 [sflag:s8], $0x0  }
0x24: {  	s3 =	sadd.s32 $0x88, s3;
	s6 =	simm.s32 @!p1 $0x1082;
	[sflag:s4] =	ssyncset.s32 $0xFFFFF086  }
0x25: {  	[simem:s6], [sflag:s4] =	dma.local [hbm:s3], $0xF7A  }
0x26: {  	[smem:$0x3F99] =	sst s1;
	(tag) =	ssettag s2;
	_ =	strace s9  }
0x27: {  	s1 =	sld [smem:$0x3FA9]  }
0x28: {  	s2 =	sld [smem:$0x3FAA]  }
0x29: {  	s4 =	sld [smem:$0x3FAC]  }
0x2a: {  	p0 =	seq.s32 s5, $0x0;
	s5 =	sld [smem:$0x3FAD]  }
0x2b: {  	s6 =	sld [smem:$0x3FAE]  }
0x2c: {  	s7 =	sld [smem:$0x3FAF]  }
0x2d: {  	s3 =	simm.s32 $0x108;
	s8 =	sld [smem:$0x3FB0]  }
0x2e: {  	s3 =	simm.s32 @!p0 $0x1082;
	s9 =	sld [smem:$0x3FB1]  }
0x2f: {  	lr =	sadd.s32 s0, s3;
	s0 =	sld [smem:$0x3FA8]  }
0x30: {  	s3 =	sld [smem:$0x3FAB]  }
0x31: {  	[smem:$0x3FB4] =	sst s10  }
0x32: {  	s10 =	sld [smem:$0x3FB2];
	_ =	sdelay $0x3  }
0x33: {  	p0 =	seq.s32 s10, $0x1;
	s10 =	sld [smem:$0x3FB4];
	_ =	sdelay $0x3  }
0x34: {  	[smem:$0x3FB4] =	sst s10  }
0x35: {  	s10 =	sld [smem:$0x3FB3];
	_ =	sdelay $0x3  }
0x36: {  	p1 =	seq.s32 s10, $0x1;
	s10 =	sld [smem:$0x3FB4];
	_ =	sdelay $0x3  }
0x37: {  	[smem:$0x3FB4] =	sst s10  }
0x38: {  	s10 =	sld [smem:$0x3FB5]  }
0x39: {  	_ = 	snop;
	(pc) =	sbr.ind lr, $3  }
0x3a: {  	_ = 	snop  }
0x3b: {  	_ = 	snop  }
0x3c: {  	p2 =	seq.s32 s10, $0x1;
	s10 =	sld [smem:$0x3FB4]  }
0x3d: {  	_ =	shalt  }
0x3e: {  	_ =	shalt  }
0x3f: {  	_ =	shalt  }
0x40: {  	_ =	shalt  }
0x41: {  	_ =	shalt  }
0x42: {  	_ =	shalt  }
0x43: {  	_ =	shalt  }
0x44: {  	_ =	shalt  }
0x45: {  	_ =	shalt  }
0x46: {  	_ =	shalt  }
0x47: {  	_ =	shalt  }
0x48: {  	_ =	shalt  }
0x49: {  	_ =	shalt  }
0x4a: {  	_ =	shalt  }
0x4b: {  	_ =	shalt  }
0x4c: {  	_ =	shalt  }
0x4d: {  	_ =	shalt  }
0x4e: {  	_ =	shalt  }
0x4f: {  	_ =	shalt  }
0x50: {  	_ =	shalt  }
0x51: {  	_ =	shalt  }
0x52: {  	_ =	shalt  }
0x53: {  	_ =	shalt  }
0x54: {  	_ =	shalt  }
0x55: {  	_ =	shalt  }
0x56: {  	_ =	shalt  }
0x57: {  	_ =	shalt  }
0x58: {  	_ =	shalt  }
0x59: {  	_ =	shalt  }
0x5a: {  	_ =	shalt  }
0x5b: {  	_ =	shalt  }
0x5c: {  	_ =	shalt  }
0x5d: {  	_ =	shalt  }
0x5e: {  	_ =	shalt  }
0x5f: {  	_ =	shalt  }
0x60: {  	_ =	shalt  }
0x61: {  	_ =	shalt  }
0x62: {  	_ =	shalt  }
0x63: {  	_ =	shalt  }
0x64: {  	_ =	shalt  }
0x65: {  	_ =	shalt  }
0x66: {  	_ =	shalt  }
0x67: {  	_ =	shalt  }
0x68: {  	_ =	shalt  }
0x69: {  	_ =	shalt  }
0x6a: {  	_ =	shalt  }
0x6b: {  	_ =	shalt  }
0x6c: {  	_ =	shalt  }
0x6d: {  	_ =	shalt  }
0x6e: {  	_ =	shalt  }
0x6f: {  	_ =	shalt  }
0x70: {  	_ =	shalt  }
0x71: {  	_ =	shalt  }
0x72: {  	_ =	shalt  }
0x73: {  	_ =	shalt  }
0x74: {  	_ =	shalt  }
0x75: {  	_ =	shalt  }
0x76: {  	_ =	shalt  }
0x77: {  	_ =	shalt  }
0x78: {  	_ =	shalt  }
0x79: {  	_ =	shalt  }
0x7a: {  	_ =	shalt  }
0x7b: {  	_ =	shalt  }
0x7c: {  	_ =	shalt  }
0x7d: {  	_ =	shalt  }
0x7e: {  	_ =	shalt  }
0x7f: {  	_ =	shalt  }
0x80: {  	_ =	shalt  }
0x81: {  	_ =	shalt  }
0x82: {  	_ =	shalt  }
0x83: {  	_ =	shalt  }
0x84: {  	_ =	shalt  }
0x85: {  	_ =	shalt  }
0x86: {  	_ =	shalt  }
0x87: {  	_ =	shalt  }
.Lfunc_end0:
.L_simem_size_0:
called_computation_lowered:
.L_overlay_start_0:
0x88: {  	s2 =	sld [smem:$0x3FD9]  }
0x89: {  	s3 =	sld [smem:$0x3FFE];
	_ =	sdelay $0x1  }
0x8a: {  	s1 =	srdreg.scid  }
0x8b: {  	s0 =	sand.u32 $0x1, s1  }
0x8c: {  	s17 =	sshll.u32 s0, $0xA;
	s2 =	sadd.s32 s3, s2  }
0x8d: {  	s2 =	sadd.s32 s2, s17  }
0x8e: {  	[smem:$0x3FC0] =	sst s2  }
0x8f: {  	_ = 	snop  }
0x90: {  	s2 =	sld [smem:$0x3FD0];
	(tm) =	ssettm $0x1  }
0x91: {  	s18 =	sld [smem:$0x3FFB];
	_ =	sdelay $0x3  }
0x92: {  	_ =	strace s18  }
0x93: {  	s3 =	sld [smem:$0x3FFC];
	_ =	sdelay $0x3  }
0x94: {  	_ =	strace s3  }
0x95: {  	s3 =	sld [smem:$0x3FFD];
	_ =	sdelay $0x3  }
0x96: {  	_ =	strace s3  }
0x97: {  	_ =	strace $0x8FFFFFFF  }
0x98: {  	s19 =	sld [smem:$0x3FDB];
	_ =	sdelay $0x1  }
0x99: {  	s4 =	simm.s32 $_scs_section_size  }
0x9a: {  	s5 =	simm.s32 $_size__tile_overlayer_lowered;
	s6 =	simm.s32 $_tile_overlayer_lowered  }
0x9b: {  	s22 =	simm.s32 $0x1BFF;
	s21 =	sshll.u32 s6, $0x1;
	s3 =	sadd.s32 s4, s19  }
0x9c: {  	s7 =	simm.s32 $0x0;
	s20 =	sshll.u32 s5, $0x1;
	s5 =	sadd.s32 s21, s3  }
0x9d: {  	[timem:s7], [sflag:s22] =	dma.local [hbm:s5], s20  }
0x9e: {  	_ =	swait.ge [sflag:s22], s20  }
0x9f: {  	s4 =	ssub.s32 $0x0, s20;
	[sflag:s22] =	ssyncset.done $0x0  }
0xa0: {  	[sflag:s22] =	ssyncadd.s32 s4;
	_ =	sdelay $0x1  }
0xa1: {  	s23 =	simm.s32 $0x1B8B  }
0xa2: {  	_ =	swait.ge [sflag:s23], $0x1  }
0xa3: {  	[sflag:s23] =	ssyncset.done $0x0  }
0xa4: {  	s25 =	simm.s32 $0x1B8E;
	s24 =	sld [smem:$0x3FFE];
	[sflag:s23] =	ssyncadd.s32 $0xFFFFFFFF  }
0xa5: {  	s26 =	simm.s32 $execute0_lowered;
	[smem:$0x3FD2] =	sst s25  }
0xa6: {  	s5 =	sshll.u32 s26, $0x1;
	_ =	strace $0x80000046;
	[dreg:$0x1] =	wrdreg $0xFFFFFFFF  }
0xa7: {  	s28 =	simm.s32 $_size_execute0_lowered;
	s3 =	sadd.s32 s3, s5;
	[dreg:$0x0] =	wrdreg $0x0  }
0xa8: {  	s5 =	sshll.u32 s28, $0x1;
	[dreg:$0x2] =	wrdreg s3  }
0xa9: {  	[dreg:$0x3] =	wrdreg s5  }
0xaa: {  	[dreg:$0x4] =	wrdreg $0xC0  }
0xab: {  	_ =	task [dreg:s7], $0x5FFFF  }
0xac: {  	[dreg:$0x1] =	wrdreg $0xFFFFFFFF  }
0xad: {  	[dreg:$0x0] =	wrdreg $0x60  }
0xae: {  	[dreg:$0x2] =	wrdreg s24  }
0xaf: {  	[dreg:$0x3] =	wrdreg s2  }
0xb0: {  	[dreg:$0x4] =	wrdreg $0x50000  }
0xb1: {  	[dreg:$0x5] =	wrdreg $0x9  }
0xb2: {  	_ =	task.clear_ibuf [dreg:s7], $0x6FFFF;
	_ =	strace $0x90000046  }
0xb3: {  	s29 =	simm.s32 $0x9;
	_ =	strace $0x80000048  }
0xb4: {  	_ =	swait.ge [sflag:s29], $0x1  }
0xb5: {  	[sflag:s29] =	ssyncadd.s32 $0xFFFFFFFF  }
0xb6: {  	_ =	strace $0x90000048  }
0xb7: {  	_ =	sfence  }
0xb8: {  	s30 =	sld [smem:$0x0];
	_ =	sdelay $0x2  }
0xb9: {  	s31 =	sshll.u32 s1, $0xD;
	s1 =	sshrl.u32 s1, $0x2  }
0xba: {  	s3 =	sand.u32 $0x4000, s31;
	s1 =	sadd.s32 s1, s30  }
0xbb: {  	s0 =	sor.u32 s3, s0;
	s1 =	sshll.u32 s1, $0x11  }
0xbc: {  	s0 =	sor.u32 s1, s0  }
0xbd: {  	s0 =	sadd.s32 $0x8F2B, s0  }
0xbe: {  	[sflag:s0] =	ssyncadd.remote.s32 $0x1  }
0xbf: {  	_ =	sfence.sel $0xFFFF  }
0xc0: {  	[dreg:$0x0] =	wrdreg $0xFFFFFFFF;
	(pc) =	sbr.abs _section_cstart, $3  }
0xc1: {  	[dreg:$0x1] =	wrdreg $0xFFFFFFFF  }
0xc2: {  	_ =	task.clear_ibuf [dreg:s7], $0x2FFFF;
	_ =	strace $0x9FFFFFFF  }
0xc3: {  	(tm) =	ssettm $0x7FFFFFFF  }
tec
execute0_lowered:
.L_overlay_start_1:
0x0: {  	(tag) =	ssettag $0x1  }
0x1: {  	s5 =	rddreg [dreg:$0x0]  }
0x2: {  	s2 =	rddreg [dreg:$0x1]  }
0x3: {  	s3 =	rddreg [dreg:$0x2];
	s4 =	srdreg.scid  }
0x4: {  	s1 =	stileid.u32;
	s0 =	rddreg [dreg:$0x3];
	s13 =	simm.s32 $0x80  }
0x5: {  	s14 =	simm.s32 $0x4F00;
	s15 =	simm.s32 $0x4F80;
	s16 =	simm.s32 $0x1  }
0x6: {  	s17 =	simm.s32 $0x0;
	s6 =	sand.u32 $0x1, s4;
	s7 =	smul.u32 $0x14000, s1  }
0x7: {  	s4 =	simm.s32 $0x0;
	s8 =	sshll.u32 s1, $0x1;
	s11 =	sshll.u32 s1, $0x6  }
0x8: {  	s9 =	smul.u32 $0x140000, s6;
	[smem:$0x7FF] =	sst s4;
	s8 =	sor.u32 s6, s8  }
0x9: {  	s6 =	ssub.s32 $0x2, s6;
	s11 =	sor.u32 $0x1C02, s11;
	s8 =	smul.u32 $0x4F0, s8  }
0xa: {  	_ =	strace $0x80000047;
	s10 =	sshrl.u32 s6, $0x1;
	s9 =	sadd.s32 s7, s9  }
0xb: {  	s12 =	sadd.s32 s7, s3;
	s10 =	ssub.s32 s6, s10;
	s9 =	sshrl.u32 s9, $0x3  }
0xc: {  	s12 =	sshrl.u32 s12, $0x3;
	s8 =	sadd.s32 s8, s5;
	s9 =	sadd.s32 s9, s5  }
0xd: {  	s5 =	sadd.s32 $0xE00, s8;
	s6 =	sadd.s32 $0xAC00, s8;
	s8 =	smax.u32 s10, $0x1  }
0xe: {  	s10 =	simm.s32 $0x2780;
	s7 =	sadd.s32 $0x14A00, s9;
	s9 =	simm.s32 $0x2  }
.LBB2_1:
0xf: {  	[tilespmem:s4], [sflag:$0x2] =	stream.linear.gather [hbm4b:s5+s4], $0x2780, $0x38;
	[tilespmem:$0x19000] =	vst v63  }
0x10: {  	_ =	swait.ge [sflag:s9], $0x2780  }
0x11: {  	[sflag:s9] =	ssyncset.done $0x0  }
0x12: {  	[sflag:s9] =	ssyncadd.s32 $0xFFFFD880  }
0x13: {  	[tilespmem:s10], [sflag:$0x2] =	stream.linear.gather [hbm4b:s6+s4], $0x2780, $0x38;
	[tilespmem:$0x19000] =	vst v63  }
0x14: {  	_ =	swait.ge [sflag:s9], $0x2780  }
0x15: {  	[sflag:s9] =	ssyncset.done $0x0  }
0x16: {  	[sflag:s9] =	ssyncadd.s32 $0xFFFFD880  }
0x17: {  	[spmem:s12], [sflag:s11] =	dma.local [hbm:s2], $0x2800  }
0x18: {  	_ =	swait.ge [sflag:s9], $0x2800  }
0x19: {  	[sflag:s9] =	ssyncset.done $0x0  }
0x1a: {  	[sflag:s9] =	ssyncadd.s32 $0xFFFFD800  }
0x1b: {  	s18 =	simm.s32 $0x0;
	[bflag:$0x0] =	sbarrier.arrive $0xFFFF  }
0x1c: {  	v0 =	vld [tilespmem:s18+$0x0];
	_ =	sdelay $0x4  }
0x1d: {  	[tilespmem:$0x4F00] =	vst v0  }
0x1e: {  	v0 =	vld [tilespmem:s18+$0x2780];
	_ =	sdelay $0x4  }
0x1f: {  	[tilespmem:$0x4F80] =	vst v0  }
0x20: {  	v0 =	vld [tilespmem:s18+$0x10];
	_ =	sdelay $0x4  }
0x21: {  	[tilespmem:$0x4F10] =	vst v0  }
0x22: {  	v0 =	vld [tilespmem:s18+$0x2790];
	_ =	sdelay $0x4  }
0x23: {  	[tilespmem:$0x4F90] =	vst v0  }
0x24: {  	v0 =	vld [tilespmem:s18+$0x20];
	_ =	sdelay $0x4  }
0x25: {  	[tilespmem:$0x4F20] =	vst v0  }
0x26: {  	v0 =	vld [tilespmem:s18+$0x27A0];
	_ =	sdelay $0x4  }
0x27: {  	[tilespmem:$0x4FA0] =	vst v0  }
0x28: {  	v0 =	vld [tilespmem:s18+$0x30];
	_ =	sdelay $0x4  }
0x29: {  	[tilespmem:$0x4F30] =	vst v0  }
0x2a: {  	v0 =	vld [tilespmem:s18+$0x27B0];
	_ =	sdelay $0x4  }
0x2b: {  	[tilespmem:$0x4FB0] =	vst v0  }
0x2c: {  	v0 =	vld [tilespmem:s18+$0x40];
	_ =	sdelay $0x4  }
0x2d: {  	[tilespmem:$0x4F40] =	vst v0  }
0x2e: {  	v0 =	vld [tilespmem:s18+$0x27C0];
	_ =	sdelay $0x4  }
0x2f: {  	[tilespmem:$0x4FC0] =	vst v0  }
0x30: {  	v0 =	vld [tilespmem:s18+$0x50];
	_ =	sdelay $0x4  }
0x31: {  	[tilespmem:$0x4F50] =	vst v0  }
0x32: {  	v0 =	vld [tilespmem:s18+$0x27D0];
	_ =	sdelay $0x4  }
0x33: {  	[tilespmem:$0x4FD0] =	vst v0  }
0x34: {  	v0 =	vld [tilespmem:s18+$0x60];
	_ =	sdelay $0x4  }
0x35: {  	[tilespmem:$0x4F60] =	vst v0  }
0x36: {  	v0 =	vld [tilespmem:s18+$0x27E0];
	_ =	sdelay $0x4  }
0x37: {  	[tilespmem:$0x4FE0] =	vst v0  }
0x38: {  	v0 =	vld [tilespmem:s18+$0x70];
	_ =	sdelay $0x4  }
0x39: {  	[tilespmem:$0x4F70] =	vst v0  }
0x3a: {  	v0 =	vld [tilespmem:s18+$0x27F0];
	_ =	sdelay $0x4  }
0x3b: {  	[tilespmem:$0x4FF0] =	vst v0  }
0x3c: {  	[spmem:s3] =	stream.indirect.scatter.add.f32 [tilespmem:s15], [sflag:$0x1], $0x1, s14, s13, $0xb8;
	[tilespmem:$0x19000] =	vst v63  }
0x3d: {  	_ =	swait.ge [sflag:s16], $0x80  }
0x3e: {  	s21 =	simm.s32 $0x400;
	s18 =	simm.s32 $0x200;
	[sflag:s16] =	ssyncset.done $0x0  }
.LBB2_2:
0x3f: {  	s20 =	sshra.s32 s18, $0x2  }
0x40: {  	[sflag:s16] =	ssyncadd.s32 $0xFFFFFF80;
	s18 =	smov.u32 s21;
	s19 =	sadd.s32 $0x200, s21  }
0x41: {  	p0 =	sne.s32 s21, $0x9C00;
	v0 =	vld [tilespmem:s20+$0x0];
	_ =	sdelay $0x4  }
0x42: {  	[tilespmem:$0x4F00] =	vst v0  }
0x43: {  	v0 =	vld [tilespmem:s20+$0x2780];
	_ =	sdelay $0x4  }
0x44: {  	[tilespmem:$0x4F80] =	vst v0  }
0x45: {  	v0 =	vld [tilespmem:s20+$0x10];
	_ =	sdelay $0x4  }
0x46: {  	[tilespmem:$0x4F10] =	vst v0  }
0x47: {  	v0 =	vld [tilespmem:s20+$0x2790];
	_ =	sdelay $0x4  }
0x48: {  	[tilespmem:$0x4F90] =	vst v0  }
0x49: {  	v0 =	vld [tilespmem:s20+$0x20];
	_ =	sdelay $0x4  }
0x4a: {  	[tilespmem:$0x4F20] =	vst v0  }
0x4b: {  	v0 =	vld [tilespmem:s20+$0x27A0];
	_ =	sdelay $0x4  }
0x4c: {  	[tilespmem:$0x4FA0] =	vst v0  }
0x4d: {  	v0 =	vld [tilespmem:s20+$0x30];
	_ =	sdelay $0x4  }
0x4e: {  	[tilespmem:$0x4F30] =	vst v0  }
0x4f: {  	v0 =	vld [tilespmem:s20+$0x27B0];
	_ =	sdelay $0x4  }
0x50: {  	[tilespmem:$0x4FB0] =	vst v0  }
0x51: {  	v0 =	vld [tilespmem:s20+$0x40];
	_ =	sdelay $0x4  }
0x52: {  	[tilespmem:$0x4F40] =	vst v0  }
0x53: {  	v0 =	vld [tilespmem:s20+$0x27C0];
	_ =	sdelay $0x4  }
0x54: {  	[tilespmem:$0x4FC0] =	vst v0  }
0x55: {  	v0 =	vld [tilespmem:s20+$0x50];
	_ =	sdelay $0x4  }
0x56: {  	[tilespmem:$0x4F50] =	vst v0  }
0x57: {  	v0 =	vld [tilespmem:s20+$0x27D0];
	_ =	sdelay $0x4  }
0x58: {  	[tilespmem:$0x4FD0] =	vst v0  }
0x59: {  	v0 =	vld [tilespmem:s20+$0x60];
	_ =	sdelay $0x4  }
0x5a: {  	[tilespmem:$0x4F60] =	vst v0  }
0x5b: {  	v0 =	vld [tilespmem:s20+$0x27E0];
	_ =	sdelay $0x4  }
0x5c: {  	[tilespmem:$0x4FE0] =	vst v0  }
0x5d: {  	v0 =	vld [tilespmem:s20+$0x70];
	_ =	sdelay $0x4  }
0x5e: {  	[tilespmem:$0x4F70] =	vst v0  }
0x5f: {  	v0 =	vld [tilespmem:s20+$0x27F0];
	_ =	sdelay $0x3  }
.Ltmp0:
0x60: {  	(pc) =	sbr.rel @p0 .LBB2_2-.Ltmp0, $4  }
0x61: {  	[tilespmem:$0x4FF0] =	vst v0  }
0x62: {  	[spmem:s3] =	stream.indirect.scatter.add.f32 [tilespmem:s15], [sflag:$0x1], $0x1, s14, s13, $0xb8;
	[tilespmem:$0x19000] =	vst v63  }
0x63: {  	_ =	swait.ge [sflag:s16], $0x80  }
0x64: {  	s21 =	smov.u32 s19;
	[sflag:s16] =	ssyncset.done $0x0  }
0x65: {  	s18 =	sshra.s32 s18, $0x2;
	[sflag:s16] =	ssyncadd.s32 $0xFFFFFF80  }
0x66: {  	v0 =	vld [tilespmem:s18+$0x0];
	_ =	sdelay $0x4  }
0x67: {  	[tilespmem:$0x4F00] =	vst v0  }
0x68: {  	v0 =	vld [tilespmem:s18+$0x2780];
	_ =	sdelay $0x4  }
0x69: {  	[tilespmem:$0x4F80] =	vst v0  }
0x6a: {  	v0 =	vld [tilespmem:s18+$0x10];
	_ =	sdelay $0x4  }
0x6b: {  	[tilespmem:$0x4F10] =	vst v0  }
0x6c: {  	v0 =	vld [tilespmem:s18+$0x2790];
	_ =	sdelay $0x4  }
0x6d: {  	[tilespmem:$0x4F90] =	vst v0  }
0x6e: {  	v0 =	vld [tilespmem:s18+$0x20];
	_ =	sdelay $0x4  }
0x6f: {  	[tilespmem:$0x4F20] =	vst v0  }
0x70: {  	v0 =	vld [tilespmem:s18+$0x27A0];
	_ =	sdelay $0x4  }
0x71: {  	[tilespmem:$0x4FA0] =	vst v0  }
0x72: {  	v0 =	vld [tilespmem:s18+$0x30];
	_ =	sdelay $0x4  }
0x73: {  	[tilespmem:$0x4F30] =	vst v0  }
0x74: {  	v0 =	vld [tilespmem:s18+$0x27B0];
	_ =	sdelay $0x4  }
0x75: {  	[tilespmem:$0x4FB0] =	vst v0  }
0x76: {  	v0 =	vld [tilespmem:s18+$0x40];
	_ =	sdelay $0x4  }
0x77: {  	[tilespmem:$0x4F40] =	vst v0  }
0x78: {  	v0 =	vld [tilespmem:s18+$0x27C0];
	_ =	sdelay $0x4  }
0x79: {  	[tilespmem:$0x4FC0] =	vst v0  }
0x7a: {  	v0 =	vld [tilespmem:s18+$0x50];
	_ =	sdelay $0x4  }
0x7b: {  	[tilespmem:$0x4F50] =	vst v0  }
0x7c: {  	v0 =	vld [tilespmem:s18+$0x27D0];
	_ =	sdelay $0x4  }
0x7d: {  	[tilespmem:$0x4FD0] =	vst v0  }
0x7e: {  	v0 =	vld [tilespmem:s18+$0x60];
	_ =	sdelay $0x4  }
0x7f: {  	[tilespmem:$0x4F60] =	vst v0  }
0x80: {  	v0 =	vld [tilespmem:s18+$0x27E0];
	_ =	sdelay $0x4  }
0x81: {  	[tilespmem:$0x4FE0] =	vst v0  }
0x82: {  	v0 =	vld [tilespmem:s18+$0x70];
	_ =	sdelay $0x4  }
0x83: {  	[tilespmem:$0x4F70] =	vst v0  }
0x84: {  	v0 =	vld [tilespmem:s18+$0x27F0];
	_ =	sdelay $0x4  }
0x85: {  	[tilespmem:$0x4FF0] =	vst v0  }
0x86: {  	[spmem:s3] =	stream.indirect.scatter.add.f32 [tilespmem:s15], [sflag:$0x1], $0x1, s14, s13, $0xb8;
	[tilespmem:$0x19000] =	vst v63  }
0x87: {  	_ =	swait.ge [sflag:s16], $0x80  }
0x88: {  	s17 =	sadd.s32 $0x1, s17;
	[sflag:s16] =	ssyncset.done $0x0  }
0x89: {  	p0 =	sne.s32 s17, s8;
	[sflag:s16] =	ssyncadd.s32 $0xFFFFFF80  }
.Ltmp1:
0x8a: {  	[bflag:$0x0] =	sbarrier.arrive $0xFFFF;
	(pc) =	sbr.rel @p0 .LBB2_1-.Ltmp1, $4  }
0x8b: {  	[hbm:s7], [sflag:s11] =	dma.local [spmem:s12], $0x2800  }
0x8c: {  	_ =	swait.ge [sflag:s9], $0x2800  }
0x8d: {  	[sflag:s9] =	ssyncset.done $0x0  }
0x8e: {  	[sflag:s9] =	ssyncadd.s32 $0xFFFFD800  }
0x8f: {  	_ =	sfence.sel $0x180000  }
0x90: {  	[bflag:$0x0] =	sbarrier.arrive $0xFFFF  }
0x91: {  	p0 =	sne.s32 s1, $0x0;
	_ =	strace $0x90000047  }
0x92: {  	s0 =	sadd.s32 @!p0 $0x100000, s0;
	[bflag:$0x2] =	sbarrier.arrive $0xFFFF  }
0x93: {  	[sflag:s0] =	ssyncadd.tile.s32 @!p0 $0x1;
	_ =	shalt  }
.Lfunc_end2:
_tile_overlayer_lowered:
.L_overlay_start_2:
0x94: {  	(tag) =	ssettag $0x2  }
0x95: {  	s0 =	rddreg [dreg:$0x0];
	s2 =	stileid.u32  }
0x96: {  	s1 =	rddreg [dreg:$0x1];
	p0 =	sne.s32 s2, $0x0  }
0x97: {  	s3 =	rddreg [dreg:$0x2];
	[bflag:$0x3] =	sbarrier.arrive $0xFFFF;
	s2 =	simm.s32 @!p0 $0x1C02  }
0x98: {  	[timem:s3], [sflag:s2] =	dma.local @!p0 [hbm:s0], s1  }
0x99: {  	s0 =	simm.s32 @!p0 $0x2  }
0x9a: {  	_ =	swait.ge @!p0 [sflag:s0], s1  }
0x9b: {  	s1 =	ssub.s32 @!p0 $0x0, s1;
	[sflag:s0] =	ssyncset.done @!p0 $0x0  }
0x9c: {  	[sflag:s0] =	ssyncadd.s32 @!p0 s1  }
0x9d: {  	[bflag:$0x3] =	sbarrier.arrive $0xFFFF  }
0x9e: {  	_ =	shalt  }

</sc_bundles>
